<compile_context>
chip_gen: v7x
topology: tpu7x:2x2x1
jax: 0.10.2.dev20260603
libtpu: 0.0.44.dev20260713+nightly
codegen_flags: <defaults>
</compile_context>

<pallas_src>
import dataclasses

import jax
import jax.numpy as jnp
from jax import lax
from jax.experimental import pallas as pl
from jax.experimental.pallas import tpu as pltpu
from jax.experimental.pallas import tpu_sc as plsc

_ROWS = 9984
_W = 2048
_NW = 32
_RPT = _ROWS // _NW
_U = 8
_NU = _RPT // _U


def _compute(a, b, o):
    for r in range(_U):
        @pl.loop(0, _W, step=16, unroll=4)
        def _(c, r=r):
            o[r, pl.ds(c, 16)] = a[r, pl.ds(c, 16)] - b[r, pl.ds(c, 16)]


def _sc_body(par_hbm, x_hbm, o_hbm, par_v,
             a0, b0, o0, a1, b1, o1,
             sa0, sb0, so0, sa1, sb1, so1):
    c = lax.axis_index("c")
    s = lax.axis_index("s")
    wid = s * 2 + c
    r0 = wid * _RPT
    pltpu.sync_copy(par_hbm.at[pl.ds(r0, _RPT)], par_v)

    def in_copies(u, ab, bb, sa, sb):
        rr = r0 + u * _U
        ca = pltpu.make_async_copy(x_hbm.at[pl.ds(rr, _U)], ab, sa)
        cb = pltpu.make_async_copy(x_hbm.at[par_v.at[pl.ds(u * _U, _U)]],
                                   bb, sb)
        return ca, cb

    def out_copy(u, ob, so):
        rr = r0 + u * _U
        return pltpu.make_async_copy(ob, o_hbm.at[pl.ds(rr, _U)], so)

    def stage(u, ab, bb, ob, sa, sb, so):
        ca, cb = in_copies(u, ab, bb, sa, sb)
        ca.wait()
        cb.wait()
        @pl.when(u >= 2)
        def _():
            out_copy(u - 2, ob, so).wait()
        _compute(ab, bb, ob)
        out_copy(u, ob, so).start()
        @pl.when(u + 2 < _NU)
        def _():
            na, nb = in_copies(u + 2, ab, bb, sa, sb)
            na.start()
            nb.start()

    ca, cb = in_copies(0, a0, b0, sa0, sb0)
    ca.start()
    cb.start()
    ca, cb = in_copies(1, a1, b1, sa1, sb1)
    ca.start()
    cb.start()

    @pl.loop(0, _NU - 1, step=2)
    def _(u):
        stage(u, a0, b0, o0, sa0, sb0, so0)
        stage(u + 1, a1, b1, o1, sa1, sb1, so1)

    stage(_NU - 1, a0, b0, o0, sa0, sb0, so0)
    out_copy(_NU - 2, o1, so1).wait()
    out_copy(_NU - 1, o0, so0).wait()


@jax.jit
def kernel(positions, parents):
    B, T, J, C = positions.shape
    D = J * C
    x = positions.transpose(2, 3, 0, 1).reshape(D * B, T)

    perm = (parents.astype(jnp.int32)[:, None] * C
            + jnp.arange(C, dtype=jnp.int32)[None, :]).reshape(D)
    par_row = (perm[:, None] * B
               + jnp.arange(B, dtype=jnp.int32)[None, :]).reshape(D * B)

    cp = pltpu.CompilerParams()
    if "needs_layout_passes" in pltpu.CompilerParams.__dataclass_fields__:
        cp = dataclasses.replace(cp, needs_layout_passes=False)
    sc_call = pl.kernel(
        _sc_body,
        out_type=jax.ShapeDtypeStruct((D * B, T), jnp.float32),
        mesh=plsc.VectorSubcoreMesh(core_axis_name="c", subcore_axis_name="s"),
        scratch_types=[
            pltpu.VMEM((_RPT,), jnp.int32),
            pltpu.VMEM((_U, _W), jnp.float32),
            pltpu.VMEM((_U, _W), jnp.float32),
            pltpu.VMEM((_U, _W), jnp.float32),
            pltpu.VMEM((_U, _W), jnp.float32),
            pltpu.VMEM((_U, _W), jnp.float32),
            pltpu.VMEM((_U, _W), jnp.float32),
            pltpu.SemaphoreType.DMA,
            pltpu.SemaphoreType.DMA,
            pltpu.SemaphoreType.DMA,
            pltpu.SemaphoreType.DMA,
            pltpu.SemaphoreType.DMA,
            pltpu.SemaphoreType.DMA,
        ],
        compiler_params=cp,
    )
    out = sc_call(par_row, x)
    return out.reshape(J, C, B, T).transpose(2, 3, 0, 1)

# --- scband reference (transcript-rebuilt; emitter-appended) ---
"""Pipeline reference for scband-landmarks-offsets-18227841204312 (READ-ONLY COPY).

The authoritative reference and input builder live on the scoring server;
editing this copy changes nothing except your own understanding.
"""

import jax, jax.numpy as jnp
import numpy as np

def setup_inputs(seed: int = 0) -> dict:
    key = jax.random.key(seed)
    k1, k2 = jax.random.split(key)
    positions = jax.random.normal(k1, (64, 2048, 52, 3), dtype=jnp.float32)
    parents = jax.random.randint(k2, (52,), 0, 52)
    return {"positions": positions, "parents": parents}

def reference(positions, parents):
    # 4D input [B, T, J, 3]: gather parent positions along joint axis and subtract
    offsets = positions - positions[:, :, parents]
    return offsets

if __name__ == "__main__":
    import jax
    _d = setup_inputs()
    print(jax.jit(kernel)(*tuple(_d.values())))

</pallas_src>

<mosaic_0001>
#map = affine_map<(d0, d1) -> (0)>
#map1 = affine_map<(d0, d1) -> (0, 0)>
module attributes {stable_mosaic.version = 14 : i64} {
  func.func @_sc_body(%arg0: i32, %arg1: i32, %arg2: memref<9984xi32, #tpu.memory_space<hbm>>, %arg3: memref<9984x2048xf32, #tpu.memory_space<hbm>>, %arg4: memref<9984x2048xf32, #tpu.memory_space<hbm>>, %arg5: memref<312xi32, #tpu.memory_space<vmem>>, %arg6: memref<8x2048xf32, #tpu.memory_space<vmem>>, %arg7: memref<8x2048xf32, #tpu.memory_space<vmem>>, %arg8: memref<8x2048xf32, #tpu.memory_space<vmem>>, %arg9: memref<8x2048xf32, #tpu.memory_space<vmem>>, %arg10: memref<8x2048xf32, #tpu.memory_space<vmem>>, %arg11: memref<8x2048xf32, #tpu.memory_space<vmem>>, %arg12: memref<!tpu.dma_semaphore, #tpu.memory_space<semaphore_mem>>, %arg13: memref<!tpu.dma_semaphore, #tpu.memory_space<semaphore_mem>>, %arg14: memref<!tpu.dma_semaphore, #tpu.memory_space<semaphore_mem>>, %arg15: memref<!tpu.dma_semaphore, #tpu.memory_space<semaphore_mem>>, %arg16: memref<!tpu.dma_semaphore, #tpu.memory_space<semaphore_mem>>, %arg17: memref<!tpu.dma_semaphore, #tpu.memory_space<semaphore_mem>>) attributes {dimension_semantics = [#tpu.dimension_semantics<core_parallel>, #tpu.dimension_semantics<subcore_parallel>], iteration_bounds = array<i64: 2, 16>, scalar_prefetch = 0 : i64, scratch_operands = 13 : i64, tpu.core_type = #tpu.core_type<sc_vector_subcore>, window_params = [{transform_indices = #map}, {transform_indices = #map1}, {transform_indices = #map1}]} {
    %mul3A = arith.constant 2 : i32
    %mul3A_0 = arith.muli %arg1, %mul3A : i32
    %add3A = arith.addi %mul3A_0, %arg0 : i32
    %mul3A_1 = arith.constant 312 : i32
    %mul3A_2 = arith.muli %add3A, %mul3A_1 : i32
    "tpu.region"() ({
      %run_scoped3A = tpu.sem_alloc : memref<!tpu.dma_semaphore, #tpu.memory_space<semaphore_mem>>
      %dma_start3A_102 = tpu.memref_slice %arg2[%mul3A_2] : memref<9984xi32, #tpu.memory_space<hbm>> -> memref<312xi32, #tpu.memory_space<hbm>>
      %dma_start3A_103 = tpu.memref_slice %arg2[%mul3A_2] : memref<9984xi32, #tpu.memory_space<hbm>> -> memref<312xi32, #tpu.memory_space<hbm>>
      tpu.enqueue_dma source(%dma_start3A_103 : memref<312xi32, #tpu.memory_space<hbm>>) target(%arg5 : memref<312xi32, #tpu.memory_space<vmem>>) target_semaphore(%run_scoped3A : memref<!tpu.dma_semaphore, #tpu.memory_space<semaphore_mem>>)
      %dma_wait3A_104 = tpu.memref_slice %arg2[%mul3A_2] : memref<9984xi32, #tpu.memory_space<hbm>> -> memref<312xi32, #tpu.memory_space<hbm>>
      %dma_wait3A_105 = tpu.memref_slice %arg2[%mul3A_2] : memref<9984xi32, #tpu.memory_space<hbm>> -> memref<312xi32, #tpu.memory_space<hbm>>
      tpu.wait_dma2 semaphore(%run_scoped3A : memref<!tpu.dma_semaphore, #tpu.memory_space<semaphore_mem>>) src(%dma_wait3A_105 : memref<312xi32, #tpu.memory_space<hbm>>) dst(%arg5 : memref<312xi32, #tpu.memory_space<vmem>>)
      tpu.yield
    }) : () -> ()
    %add3A_3 = arith.constant 0 : i32
    %add3A_4 = arith.addi %mul3A_2, %add3A_3 : i32
    %dma_start3A = arith.constant 0 : i32
    %dma_start3A_5 = tpu.memref_slice %arg3[%add3A_4, %dma_start3A] : memref<9984x2048xf32, #tpu.memory_space<hbm>> -> memref<8x2048xf32, #tpu.memory_space<hbm>>
    %dma_start3A_6 = arith.constant 0 : i32
    %dma_start3A_7 = tpu.memref_slice %arg3[%add3A_4, %dma_start3A_6] : memref<9984x2048xf32, #tpu.memory_space<hbm>> -> memref<8x2048xf32, #tpu.memory_space<hbm>>
    tpu.enqueue_dma source(%dma_start3A_7 : memref<8x2048xf32, #tpu.memory_space<hbm>>) target(%arg6 : memref<8x2048xf32, #tpu.memory_space<vmem>>) target_semaphore(%arg12 : memref<!tpu.dma_semaphore, #tpu.memory_space<semaphore_mem>>)
    %dma_start3A_8 = arith.constant 0 : i32
    %dma_start3A_9 = tpu.memref_slice %arg5[%dma_start3A_8] : memref<312xi32, #tpu.memory_space<vmem>> -> memref<8xi32, #tpu.memory_space<vmem>>
    %dma_start3A_10 = arith.constant 0 : i32
    %dma_start3A_11 = arith.constant 0 : i32
    %dma_start3A_12 = tpu.memref_slice %arg3[%dma_start3A_10, %dma_start3A_11] : memref<9984x2048xf32, #tpu.memory_space<hbm>> -> memref<9984x2048xf32, #tpu.memory_space<hbm>>
    tpu.enqueue_indirect_dma source(%dma_start3A_12 : memref<9984x2048xf32, #tpu.memory_space<hbm>>) target(%arg7 : memref<8x2048xf32, #tpu.memory_space<vmem>>) offsets(%dma_start3A_9 : memref<8xi32, #tpu.memory_space<vmem>>) semaphore(%arg13 : memref<!tpu.dma_semaphore, #tpu.memory_space<semaphore_mem>>)
    %add3A_13 = arith.constant 8 : i32
    %add3A_14 = arith.addi %mul3A_2, %add3A_13 : i32
    %dma_start3A_15 = arith.constant 0 : i32
    %dma_start3A_16 = tpu.memref_slice %arg3[%add3A_14, %dma_start3A_15] : memref<9984x2048xf32, #tpu.memory_space<hbm>> -> memref<8x2048xf32, #tpu.memory_space<hbm>>
    %dma_start3A_17 = arith.constant 0 : i32
    %dma_start3A_18 = tpu.memref_slice %arg3[%add3A_14, %dma_start3A_17] : memref<9984x2048xf32, #tpu.memory_space<hbm>> -> memref<8x2048xf32, #tpu.memory_space<hbm>>
    tpu.enqueue_dma source(%dma_start3A_18 : memref<8x2048xf32, #tpu.memory_space<hbm>>) target(%arg9 : memref<8x2048xf32, #tpu.memory_space<vmem>>) target_semaphore(%arg15 : memref<!tpu.dma_semaphore, #tpu.memory_space<semaphore_mem>>)
    %dma_start3A_19 = arith.constant 8 : i32
    %dma_start3A_20 = tpu.memref_slice %arg5[%dma_start3A_19] : memref<312xi32, #tpu.memory_space<vmem>> -> memref<8xi32, #tpu.memory_space<vmem>>
    %dma_start3A_21 = arith.constant 0 : i32
    %dma_start3A_22 = arith.constant 0 : i32
    %dma_start3A_23 = tpu.memref_slice %arg3[%dma_start3A_21, %dma_start3A_22] : memref<9984x2048xf32, #tpu.memory_space<hbm>> -> memref<9984x2048xf32, #tpu.memory_space<hbm>>
    tpu.enqueue_indirect_dma source(%dma_start3A_23 : memref<9984x2048xf32, #tpu.memory_space<hbm>>) target(%arg10 : memref<8x2048xf32, #tpu.memory_space<vmem>>) offsets(%dma_start3A_20 : memref<8xi32, #tpu.memory_space<vmem>>) semaphore(%arg16 : memref<!tpu.dma_semaphore, #tpu.memory_space<semaphore_mem>>)
    %scan3A = arith.constant 0 : i32
    %scan3A_24 = arith.constant 19 : i32
    %scan3A_25 = arith.addi %scan3A, %scan3A_24 : i32
    %scan3A_26 = arith.constant 1 : i32
    scf.for %scan3A_102 = %scan3A to %scan3A_25 step %scan3A_26  : i32 {
      %mul3A_103 = arith.constant 2 : i32
      %mul3A_104 = arith.muli %scan3A_102, %mul3A_103 : i32
      %add3A_105 = arith.constant 0 : i32
      %add3A_106 = arith.addi %add3A_105, %mul3A_104 : i32
      %mul3A_107 = arith.constant 8 : i32
      %mul3A_108 = arith.muli %add3A_106, %mul3A_107 : i32
      %add3A_109 = arith.addi %mul3A_2, %mul3A_108 : i32
      %mul3A_110 = arith.constant 8 : i32
      %mul3A_111 = arith.muli %add3A_106, %mul3A_110 : i32
      %dma_wait3A_112 = arith.constant 0 : i32
      %dma_wait3A_113 = tpu.memref_slice %arg3[%add3A_109, %dma_wait3A_112] : memref<9984x2048xf32, #tpu.memory_space<hbm>> -> memref<8x2048xf32, #tpu.memory_space<hbm>>
      %dma_wait3A_114 = arith.constant 0 : i32
      %dma_wait3A_115 = tpu.memref_slice %arg3[%add3A_109, %dma_wait3A_114] : memref<9984x2048xf32, #tpu.memory_space<hbm>> -> memref<8x2048xf32, #tpu.memory_space<hbm>>
      tpu.wait_dma2 semaphore(%arg12 : memref<!tpu.dma_semaphore, #tpu.memory_space<semaphore_mem>>) src(%dma_wait3A_115 : memref<8x2048xf32, #tpu.memory_space<hbm>>) dst(%arg6 : memref<8x2048xf32, #tpu.memory_space<vmem>>)
      %dma_wait3A_116 = tpu.memref_slice %arg5[%mul3A_111] : memref<312xi32, #tpu.memory_space<vmem>> -> memref<8xi32, #tpu.memory_space<vmem>>
      %dma_wait3A_117 = arith.constant 0 : i32
      %dma_wait3A_118 = arith.constant 0 : i32
      %dma_wait3A_119 = tpu.memref_slice %arg3[%dma_wait3A_117, %dma_wait3A_118] : memref<9984x2048xf32, #tpu.memory_space<hbm>> -> memref<9984x2048xf32, #tpu.memory_space<hbm>>
      tpu.wait_indirect_dma semaphore(%arg13 : memref<!tpu.dma_semaphore, #tpu.memory_space<semaphore_mem>>) src(%dma_wait3A_119 : memref<9984x2048xf32, #tpu.memory_space<hbm>>) dst(%arg7 : memref<8x2048xf32, #tpu.memory_space<vmem>>)
      %ge3A = arith.constant 2 : i32
      %ge3A_120 = arith.cmpi sge, %add3A_106, %ge3A : i32
      %convert_element_type3A = arith.extui %ge3A_120 : i1 to i32
      %cond3A = arith.constant 0 : i32
      %cond3A_121 = arith.cmpi ne, %convert_element_type3A, %cond3A : i32
      scf.if %cond3A_121 {
        %sub3A = arith.constant 2 : i32
        %sub3A_249 = arith.subi %add3A_106, %sub3A : i32
        %mul3A_250 = arith.constant 8 : i32
        %mul3A_251 = arith.muli %sub3A_249, %mul3A_250 : i32
        %add3A_252 = arith.addi %mul3A_2, %mul3A_251 : i32
        %dma_wait3A_253 = arith.constant 0 : i32
        %dma_wait3A_254 = tpu.memref_slice %arg4[%add3A_252, %dma_wait3A_253] : memref<9984x2048xf32, #tpu.memory_space<hbm>> -> memref<8x2048xf32, #tpu.memory_space<hbm>>
        %dma_wait3A_255 = arith.constant 0 : i32
        %dma_wait3A_256 = tpu.memref_slice %arg4[%add3A_252, %dma_wait3A_255] : memref<9984x2048xf32, #tpu.memory_space<hbm>> -> memref<8x2048xf32, #tpu.memory_space<hbm>>
        tpu.wait_dma2 semaphore(%arg14 : memref<!tpu.dma_semaphore, #tpu.memory_space<semaphore_mem>>) src(%arg8 : memref<8x2048xf32, #tpu.memory_space<vmem>>) dst(%dma_wait3A_256 : memref<8x2048xf32, #tpu.memory_space<hbm>>)
      } else {
      }
      %scan3A_122 = arith.constant 0 : i32
      %scan3A_123 = arith.constant 128 : i32
      %scan3A_124 = arith.addi %scan3A_122, %scan3A_123 : i32
      %scan3A_125 = arith.constant 4 : i32
      scf.for %scan3A_249 = %scan3A_122 to %scan3A_124 step %scan3A_125  : i32 {
        %mul3A_250 = arith.constant 16 : i32
        %mul3A_251 = arith.muli %scan3A_249, %mul3A_250 : i32
        %add3A_252 = arith.constant 0 : i32
        %add3A_253 = arith.addi %add3A_252, %mul3A_251 : i32
        %get3A = arith.constant 0 : i32
        %get3A_254 = arith.index_cast %get3A : i32 to index
        %get3A_255 = arith.index_cast %add3A_253 : i32 to index
        %get3A_256 = tpu.vector_load %arg6[%get3A_254, %get3A_255] {strides = array<i32>} : memref<8x2048xf32, #tpu.memory_space<vmem>>, vector<16xf32>,
        %get3A_257 = arith.constant 0 : i32
        %get3A_258 = arith.index_cast %get3A_257 : i32 to index
        %get3A_259 = arith.index_cast %add3A_253 : i32 to index
        %get3A_260 = tpu.vector_load %arg7[%get3A_258, %get3A_259] {strides = array<i32>} : memref<8x2048xf32, #tpu.memory_space<vmem>>, vector<16xf32>,
        %sub3A = arith.subf %get3A_256, %get3A_260 : vector<16xf32>
        %swap3A = arith.constant 0 : i32
        %swap3A_261 = arith.index_cast %swap3A : i32 to index
        %swap3A_262 = arith.index_cast %add3A_253 : i32 to index
        %swap3A_263 = tpu.vector_load %arg8[%swap3A_261, %swap3A_262] {strides = array<i32>} : memref<8x2048xf32, #tpu.memory_space<vmem>>, vector<16xf32>,
        tpu.vector_store %arg8[%swap3A_261, %swap3A_262], %sub3A {strides = array<i32>} : memref<8x2048xf32, #tpu.memory_space<vmem>>, vector<16xf32>,
        %scan3A_264 = arith.constant 1 : i32
        %scan3A_265 = arith.addi %scan3A_249, %scan3A_264 : i32
        %mul3A_266 = arith.constant 16 : i32
        %mul3A_267 = arith.muli %scan3A_265, %mul3A_266 : i32
        %add3A_268 = arith.constant 0 : i32
        %add3A_269 = arith.addi %add3A_268, %mul3A_267 : i32
        %get3A_270 = arith.constant 0 : i32
        %get3A_271 = arith.index_cast %get3A_270 : i32 to index
        %get3A_272 = arith.index_cast %add3A_269 : i32 to index
        %get3A_273 = tpu.vector_load %arg6[%get3A_271, %get3A_272] {strides = array<i32>} : memref<8x2048xf32, #tpu.memory_space<vmem>>, vector<16xf32>,
        %get3A_274 = arith.constant 0 : i32
        %get3A_275 = arith.index_cast %get3A_274 : i32 to index
        %get3A_276 = arith.index_cast %add3A_269 : i32 to index
        %get3A_277 = tpu.vector_load %arg7[%get3A_275, %get3A_276] {strides = array<i32>} : memref<8x2048xf32, #tpu.memory_space<vmem>>, vector<16xf32>,
        %sub3A_278 = arith.subf %get3A_273, %get3A_277 : vector<16xf32>
        %swap3A_279 = arith.constant 0 : i32
        %swap3A_280 = arith.index_cast %swap3A_279 : i32 to index
        %swap3A_281 = arith.index_cast %add3A_269 : i32 to index
        %swap3A_282 = tpu.vector_load %arg8[%swap3A_280, %swap3A_281] {strides = array<i32>} : memref<8x2048xf32, #tpu.memory_space<vmem>>, vector<16xf32>,
        tpu.vector_store %arg8[%swap3A_280, %swap3A_281], %sub3A_278 {strides = array<i32>} : memref<8x2048xf32, #tpu.memory_space<vmem>>, vector<16xf32>,
        %scan3A_283 = arith.constant 2 : i32
        %scan3A_284 = arith.addi %scan3A_249, %scan3A_283 : i32
        %mul3A_285 = arith.constant 16 : i32
        %mul3A_286 = arith.muli %scan3A_284, %mul3A_285 : i32
        %add3A_287 = arith.constant 0 : i32
        %add3A_288 = arith.addi %add3A_287, %mul3A_286 : i32
        %get3A_289 = arith.constant 0 : i32
        %get3A_290 = arith.index_cast %get3A_289 : i32 to index
        %get3A_291 = arith.index_cast %add3A_288 : i32 to index
        %get3A_292 = tpu.vector_load %arg6[%get3A_290, %get3A_291] {strides = array<i32>} : memref<8x2048xf32, #tpu.memory_space<vmem>>, vector<16xf32>,
        %get3A_293 = arith.constant 0 : i32
        %get3A_294 = arith.index_cast %get3A_293 : i32 to index
        %get3A_295 = arith.index_cast %add3A_288 : i32 to index
        %get3A_296 = tpu.vector_load %arg7[%get3A_294, %get3A_295] {strides = array<i32>} : memref<8x2048xf32, #tpu.memory_space<vmem>>, vector<16xf32>,
        %sub3A_297 = arith.subf %get3A_292, %get3A_296 : vector<16xf32>
        %swap3A_298 = arith.constant 0 : i32
        %swap3A_299 = arith.index_cast %swap3A_298 : i32 to index
        %swap3A_300 = arith.index_cast %add3A_288 : i32 to index
        %swap3A_301 = tpu.vector_load %arg8[%swap3A_299, %swap3A_300] {strides = array<i32>} : memref<8x2048xf32, #tpu.memory_space<vmem>>, vector<16xf32>,
        tpu.vector_store %arg8[%swap3A_299, %swap3A_300], %sub3A_297 {strides = array<i32>} : memref<8x2048xf32, #tpu.memory_space<vmem>>, vector<16xf32>,
        %scan3A_302 = arith.constant 3 : i32
        %scan3A_303 = arith.addi %scan3A_249, %scan3A_302 : i32
        %mul3A_304 = arith.constant 16 : i32
        %mul3A_305 = arith.muli %scan3A_303, %mul3A_304 : i32
        %add3A_306 = arith.constant 0 : i32
        %add3A_307 = arith.addi %add3A_306, %mul3A_305 : i32
        %get3A_308 = arith.constant 0 : i32
        %get3A_309 = arith.index_cast %get3A_308 : i32 to index
        %get3A_310 = arith.index_cast %add3A_307 : i32 to index
        %get3A_311 = tpu.vector_load %arg6[%get3A_309, %get3A_310] {strides = array<i32>} : memref<8x2048xf32, #tpu.memory_space<vmem>>, vector<16xf32>,
        %get3A_312 = arith.constant 0 : i32
        %get3A_313 = arith.index_cast %get3A_312 : i32 to index
        %get3A_314 = arith.index_cast %add3A_307 : i32 to index
        %get3A_315 = tpu.vector_load %arg7[%get3A_313, %get3A_314] {strides = array<i32>} : memref<8x2048xf32, #tpu.memory_space<vmem>>, vector<16xf32>,
        %sub3A_316 = arith.subf %get3A_311, %get3A_315 : vector<16xf32>
        %swap3A_317 = arith.constant 0 : i32
        %swap3A_318 = arith.index_cast %swap3A_317 : i32 to index
        %swap3A_319 = arith.index_cast %add3A_307 : i32 to index
        %swap3A_320 = tpu.vector_load %arg8[%swap3A_318, %swap3A_319] {strides = array<i32>} : memref<8x2048xf32, #tpu.memory_space<vmem>>, vector<16xf32>,
        tpu.vector_store %arg8[%swap3A_318, %swap3A_319], %sub3A_316 {strides = array<i32>} : memref<8x2048xf32, #tpu.memory_space<vmem>>, vector<16xf32>,
      }
      %scan3A_126 = arith.constant 128 : i32
      %scan3A_127 = arith.constant 0 : i32
      %scan3A_128 = arith.constant 128 : i32
      %scan3A_129 = arith.addi %scan3A_127, %scan3A_128 : i32
      %scan3A_130 = arith.constant 4 : i32
      scf.for %scan3A_249 = %scan3A_127 to %scan3A_129 step %scan3A_130  : i32 {
        %mul3A_250 = arith.constant 16 : i32
        %mul3A_251 = arith.muli %scan3A_249, %mul3A_250 : i32
        %add3A_252 = arith.constant 0 : i32
        %add3A_253 = arith.addi %add3A_252, %mul3A_251 : i32
        %get3A = arith.constant 1 : i32
        %get3A_254 = arith.index_cast %get3A : i32 to index
        %get3A_255 = arith.index_cast %add3A_253 : i32 to index
        %get3A_256 = tpu.vector_load %arg6[%get3A_254, %get3A_255] {strides = array<i32>} : memref<8x2048xf32, #tpu.memory_space<vmem>>, vector<16xf32>,
        %get3A_257 = arith.constant 1 : i32
        %get3A_258 = arith.index_cast %get3A_257 : i32 to index
        %get3A_259 = arith.index_cast %add3A_253 : i32 to index
        %get3A_260 = tpu.vector_load %arg7[%get3A_258, %get3A_259] {strides = array<i32>} : memref<8x2048xf32, #tpu.memory_space<vmem>>, vector<16xf32>,
        %sub3A = arith.subf %get3A_256, %get3A_260 : vector<16xf32>
        %swap3A = arith.constant 1 : i32
        %swap3A_261 = arith.index_cast %swap3A : i32 to index
        %swap3A_262 = arith.index_cast %add3A_253 : i32 to index
        %swap3A_263 = tpu.vector_load %arg8[%swap3A_261, %swap3A_262] {strides = array<i32>} : memref<8x2048xf32, #tpu.memory_space<vmem>>, vector<16xf32>,
        tpu.vector_store %arg8[%swap3A_261, %swap3A_262], %sub3A {strides = array<i32>} : memref<8x2048xf32, #tpu.memory_space<vmem>>, vector<16xf32>,
        %scan3A_264 = arith.constant 1 : i32
        %scan3A_265 = arith.addi %scan3A_249, %scan3A_264 : i32
        %mul3A_266 = arith.constant 16 : i32
        %mul3A_267 = arith.muli %scan3A_265, %mul3A_266 : i32
        %add3A_268 = arith.constant 0 : i32
        %add3A_269 = arith.addi %add3A_268, %mul3A_267 : i32
        %get3A_270 = arith.constant 1 : i32
        %get3A_271 = arith.index_cast %get3A_270 : i32 to index
        %get3A_272 = arith.index_cast %add3A_269 : i32 to index
        %get3A_273 = tpu.vector_load %arg6[%get3A_271, %get3A_272] {strides = array<i32>} : memref<8x2048xf32, #tpu.memory_space<vmem>>, vector<16xf32>,
        %get3A_274 = arith.constant 1 : i32
        %get3A_275 = arith.index_cast %get3A_274 : i32 to index
        %get3A_276 = arith.index_cast %add3A_269 : i32 to index
        %get3A_277 = tpu.vector_load %arg7[%get3A_275, %get3A_276] {strides = array<i32>} : memref<8x2048xf32, #tpu.memory_space<vmem>>, vector<16xf32>,
        %sub3A_278 = arith.subf %get3A_273, %get3A_277 : vector<16xf32>
        %swap3A_279 = arith.constant 1 : i32
        %swap3A_280 = arith.index_cast %swap3A_279 : i32 to index
        %swap3A_281 = arith.index_cast %add3A_269 : i32 to index
        %swap3A_282 = tpu.vector_load %arg8[%swap3A_280, %swap3A_281] {strides = array<i32>} : memref<8x2048xf32, #tpu.memory_space<vmem>>, vector<16xf32>,
        tpu.vector_store %arg8[%swap3A_280, %swap3A_281], %sub3A_278 {strides = array<i32>} : memref<8x2048xf32, #tpu.memory_space<vmem>>, vector<16xf32>,
        %scan3A_283 = arith.constant 2 : i32
        %scan3A_284 = arith.addi %scan3A_249, %scan3A_283 : i32
        %mul3A_285 = arith.constant 16 : i32
        %mul3A_286 = arith.muli %scan3A_284, %mul3A_285 : i32
        %add3A_287 = arith.constant 0 : i32
        %add3A_288 = arith.addi %add3A_287, %mul3A_286 : i32
        %get3A_289 = arith.constant 1 : i32
        %get3A_290 = arith.index_cast %get3A_289 : i32 to index
        %get3A_291 = arith.index_cast %add3A_288 : i32 to index
        %get3A_292 = tpu.vector_load %arg6[%get3A_290, %get3A_291] {strides = array<i32>} : memref<8x2048xf32, #tpu.memory_space<vmem>>, vector<16xf32>,
        %get3A_293 = arith.constant 1 : i32
        %get3A_294 = arith.index_cast %get3A_293 : i32 to index
        %get3A_295 = arith.index_cast %add3A_288 : i32 to index
        %get3A_296 = tpu.vector_load %arg7[%get3A_294, %get3A_295] {strides = array<i32>} : memref<8x2048xf32, #tpu.memory_space<vmem>>, vector<16xf32>,
        %sub3A_297 = arith.subf %get3A_292, %get3A_296 : vector<16xf32>
        %swap3A_298 = arith.constant 1 : i32
        %swap3A_299 = arith.index_cast %swap3A_298 : i32 to index
        %swap3A_300 = arith.index_cast %add3A_288 : i32 to index
        %swap3A_301 = tpu.vector_load %arg8[%swap3A_299, %swap3A_300] {strides = array<i32>} : memref<8x2048xf32, #tpu.memory_space<vmem>>, vector<16xf32>,
        tpu.vector_store %arg8[%swap3A_299, %swap3A_300], %sub3A_297 {strides = array<i32>} : memref<8x2048xf32, #tpu.memory_space<vmem>>, vector<16xf32>,
        %scan3A_302 = arith.constant 3 : i32
        %scan3A_303 = arith.addi %scan3A_249, %scan3A_302 : i32
        %mul3A_304 = arith.constant 16 : i32
        %mul3A_305 = arith.muli %scan3A_303, %mul3A_304 : i32
        %add3A_306 = arith.constant 0 : i32
        %add3A_307 = arith.addi %add3A_306, %mul3A_305 : i32
        %get3A_308 = arith.constant 1 : i32
        %get3A_309 = arith.index_cast %get3A_308 : i32 to index
        %get3A_310 = arith.index_cast %add3A_307 : i32 to index
        %get3A_311 = tpu.vector_load %arg6[%get3A_309, %get3A_310] {strides = array<i32>} : memref<8x2048xf32, #tpu.memory_space<vmem>>, vector<16xf32>,
        %get3A_312 = arith.constant 1 : i32
        %get3A_313 = arith.index_cast %get3A_312 : i32 to index
        %get3A_314 = arith.index_cast %add3A_307 : i32 to index
        %get3A_315 = tpu.vector_load %arg7[%get3A_313, %get3A_314] {strides = array<i32>} : memref<8x2048xf32, #tpu.memory_space<vmem>>, vector<16xf32>,
        %sub3A_316 = arith.subf %get3A_311, %get3A_315 : vector<16xf32>
        %swap3A_317 = arith.constant 1 : i32
        %swap3A_318 = arith.index_cast %swap3A_317 : i32 to index
        %swap3A_319 = arith.index_cast %add3A_307 : i32 to index
        %swap3A_320 = tpu.vector_load %arg8[%swap3A_318, %swap3A_319] {strides = array<i32>} : memref<8x2048xf32, #tpu.memory_space<vmem>>, vector<16xf32>,
        tpu.vector_store %arg8[%swap3A_318, %swap3A_319], %sub3A_316 {strides = array<i32>} : memref<8x2048xf32, #tpu.memory_space<vmem>>, vector<16xf32>,
      }
      %scan3A_131 = arith.constant 128 : i32
      %scan3A_132 = arith.constant 0 : i32
      %scan3A_133 = arith.constant 128 : i32
      %scan3A_134 = arith.addi %scan3A_132, %scan3A_133 : i32
      %scan3A_135 = arith.constant 4 : i32
      scf.for %scan3A_249 = %scan3A_132 to %scan3A_134 step %scan3A_135  : i32 {
        %mul3A_250 = arith.constant 16 : i32
        %mul3A_251 = arith.muli %scan3A_249, %mul3A_250 : i32
        %add3A_252 = arith.constant 0 : i32
        %add3A_253 = arith.addi %add3A_252, %mul3A_251 : i32
        %get3A = arith.constant 2 : i32
        %get3A_254 = arith.index_cast %get3A : i32 to index
        %get3A_255 = arith.index_cast %add3A_253 : i32 to index
        %get3A_256 = tpu.vector_load %arg6[%get3A_254, %get3A_255] {strides = array<i32>} : memref<8x2048xf32, #tpu.memory_space<vmem>>, vector<16xf32>,
        %get3A_257 = arith.constant 2 : i32
        %get3A_258 = arith.index_cast %get3A_257 : i32 to index
        %get3A_259 = arith.index_cast %add3A_253 : i32 to index
        %get3A_260 = tpu.vector_load %arg7[%get3A_258, %get3A_259] {strides = array<i32>} : memref<8x2048xf32, #tpu.memory_space<vmem>>, vector<16xf32>,
        %sub3A = arith.subf %get3A_256, %get3A_260 : vector<16xf32>
        %swap3A = arith.constant 2 : i32
        %swap3A_261 = arith.index_cast %swap3A : i32 to index
        %swap3A_262 = arith.index_cast %add3A_253 : i32 to index
        %swap3A_263 = tpu.vector_load %arg8[%swap3A_261, %swap3A_262] {strides = array<i32>} : memref<8x2048xf32, #tpu.memory_space<vmem>>, vector<16xf32>,
        tpu.vector_store %arg8[%swap3A_261, %swap3A_262], %sub3A {strides = array<i32>} : memref<8x2048xf32, #tpu.memory_space<vmem>>, vector<16xf32>,
        %scan3A_264 = arith.constant 1 : i32
        %scan3A_265 = arith.addi %scan3A_249, %scan3A_264 : i32
        %mul3A_266 = arith.constant 16 : i32
        %mul3A_267 = arith.muli %scan3A_265, %mul3A_266 : i32
        %add3A_268 = arith.constant 0 : i32
        %add3A_269 = arith.addi %add3A_268, %mul3A_267 : i32
        %get3A_270 = arith.constant 2 : i32
        %get3A_271 = arith.index_cast %get3A_270 : i32 to index
        %get3A_272 = arith.index_cast %add3A_269 : i32 to index
        %get3A_273 = tpu.vector_load %arg6[%get3A_271, %get3A_272] {strides = array<i32>} : memref<8x2048xf32, #tpu.memory_space<vmem>>, vector<16xf32>,
        %get3A_274 = arith.constant 2 : i32
        %get3A_275 = arith.index_cast %get3A_274 : i32 to index
        %get3A_276 = arith.index_cast %add3A_269 : i32 to index
        %get3A_277 = tpu.vector_load %arg7[%get3A_275, %get3A_276] {strides = array<i32>} : memref<8x2048xf32, #tpu.memory_space<vmem>>, vector<16xf32>,
        %sub3A_278 = arith.subf %get3A_273, %get3A_277 : vector<16xf32>
        %swap3A_279 = arith.constant 2 : i32
        %swap3A_280 = arith.index_cast %swap3A_279 : i32 to index
        %swap3A_281 = arith.index_cast %add3A_269 : i32 to index
        %swap3A_282 = tpu.vector_load %arg8[%swap3A_280, %swap3A_281] {strides = array<i32>} : memref<8x2048xf32, #tpu.memory_space<vmem>>, vector<16xf32>,
        tpu.vector_store %arg8[%swap3A_280, %swap3A_281], %sub3A_278 {strides = array<i32>} : memref<8x2048xf32, #tpu.memory_space<vmem>>, vector<16xf32>,
        %scan3A_283 = arith.constant 2 : i32
        %scan3A_284 = arith.addi %scan3A_249, %scan3A_283 : i32
        %mul3A_285 = arith.constant 16 : i32
        %mul3A_286 = arith.muli %scan3A_284, %mul3A_285 : i32
        %add3A_287 = arith.constant 0 : i32
        %add3A_288 = arith.addi %add3A_287, %mul3A_286 : i32
        %get3A_289 = arith.constant 2 : i32
        %get3A_290 = arith.index_cast %get3A_289 : i32 to index
        %get3A_291 = arith.index_cast %add3A_288 : i32 to index
        %get3A_292 = tpu.vector_load %arg6[%get3A_290, %get3A_291] {strides = array<i32>} : memref<8x2048xf32, #tpu.memory_space<vmem>>, vector<16xf32>,
        %get3A_293 = arith.constant 2 : i32
        %get3A_294 = arith.index_cast %get3A_293 : i32 to index
        %get3A_295 = arith.index_cast %add3A_288 : i32 to index
        %get3A_296 = tpu.vector_load %arg7[%get3A_294, %get3A_295] {strides = array<i32>} : memref<8x2048xf32, #tpu.memory_space<vmem>>, vector<16xf32>,
        %sub3A_297 = arith.subf %get3A_292, %get3A_296 : vector<16xf32>
        %swap3A_298 = arith.constant 2 : i32
        %swap3A_299 = arith.index_cast %swap3A_298 : i32 to index
        %swap3A_300 = arith.index_cast %add3A_288 : i32 to index
        %swap3A_301 = tpu.vector_load %arg8[%swap3A_299, %swap3A_300] {strides = array<i32>} : memref<8x2048xf32, #tpu.memory_space<vmem>>, vector<16xf32>,
        tpu.vector_store %arg8[%swap3A_299, %swap3A_300], %sub3A_297 {strides = array<i32>} : memref<8x2048xf32, #tpu.memory_space<vmem>>, vector<16xf32>,
        %scan3A_302 = arith.constant 3 : i32
        %scan3A_303 = arith.addi %scan3A_249, %scan3A_302 : i32
        %mul3A_304 = arith.constant 16 : i32
        %mul3A_305 = arith.muli %scan3A_303, %mul3A_304 : i32
        %add3A_306 = arith.constant 0 : i32
        %add3A_307 = arith.addi %add3A_306, %mul3A_305 : i32
        %get3A_308 = arith.constant 2 : i32
        %get3A_309 = arith.index_cast %get3A_308 : i32 to index
        %get3A_310 = arith.index_cast %add3A_307 : i32 to index
        %get3A_311 = tpu.vector_load %arg6[%get3A_309, %get3A_310] {strides = array<i32>} : memref<8x2048xf32, #tpu.memory_space<vmem>>, vector<16xf32>,
        %get3A_312 = arith.constant 2 : i32
        %get3A_313 = arith.index_cast %get3A_312 : i32 to index
        %get3A_314 = arith.index_cast %add3A_307 : i32 to index
        %get3A_315 = tpu.vector_load %arg7[%get3A_313, %get3A_314] {strides = array<i32>} : memref<8x2048xf32, #tpu.memory_space<vmem>>, vector<16xf32>,
        %sub3A_316 = arith.subf %get3A_311, %get3A_315 : vector<16xf32>
        %swap3A_317 = arith.constant 2 : i32
        %swap3A_318 = arith.index_cast %swap3A_317 : i32 to index
        %swap3A_319 = arith.index_cast %add3A_307 : i32 to index
        %swap3A_320 = tpu.vector_load %arg8[%swap3A_318, %swap3A_319] {strides = array<i32>} : memref<8x2048xf32, #tpu.memory_space<vmem>>, vector<16xf32>,
        tpu.vector_store %arg8[%swap3A_318, %swap3A_319], %sub3A_316 {strides = array<i32>} : memref<8x2048xf32, #tpu.memory_space<vmem>>, vector<16xf32>,
      }
      %scan3A_136 = arith.constant 128 : i32
      %scan3A_137 = arith.constant 0 : i32
      %scan3A_138 = arith.constant 128 : i32
      %scan3A_139 = arith.addi %scan3A_137, %scan3A_138 : i32
      %scan3A_140 = arith.constant 4 : i32
      scf.for %scan3A_249 = %scan3A_137 to %scan3A_139 step %scan3A_140  : i32 {
        %mul3A_250 = arith.constant 16 : i32
        %mul3A_251 = arith.muli %scan3A_249, %mul3A_250 : i32
        %add3A_252 = arith.constant 0 : i32
        %add3A_253 = arith.addi %add3A_252, %mul3A_251 : i32
        %get3A = arith.constant 3 : i32
        %get3A_254 = arith.index_cast %get3A : i32 to index
        %get3A_255 = arith.index_cast %add3A_253 : i32 to index
        %get3A_256 = tpu.vector_load %arg6[%get3A_254, %get3A_255] {strides = array<i32>} : memref<8x2048xf32, #tpu.memory_space<vmem>>, vector<16xf32>,
        %get3A_257 = arith.constant 3 : i32
        %get3A_258 = arith.index_cast %get3A_257 : i32 to index
        %get3A_259 = arith.index_cast %add3A_253 : i32 to index
        %get3A_260 = tpu.vector_load %arg7[%get3A_258, %get3A_259] {strides = array<i32>} : memref<8x2048xf32, #tpu.memory_space<vmem>>, vector<16xf32>,
        %sub3A = arith.subf %get3A_256, %get3A_260 : vector<16xf32>
        %swap3A = arith.constant 3 : i32
        %swap3A_261 = arith.index_cast %swap3A : i32 to index
        %swap3A_262 = arith.index_cast %add3A_253 : i32 to index
        %swap3A_263 = tpu.vector_load %arg8[%swap3A_261, %swap3A_262] {strides = array<i32>} : memref<8x2048xf32, #tpu.memory_space<vmem>>, vector<16xf32>,
        tpu.vector_store %arg8[%swap3A_261, %swap3A_262], %sub3A {strides = array<i32>} : memref<8x2048xf32, #tpu.memory_space<vmem>>, vector<16xf32>,
        %scan3A_264 = arith.constant 1 : i32
        %scan3A_265 = arith.addi %scan3A_249, %scan3A_264 : i32
        %mul3A_266 = arith.constant 16 : i32
        %mul3A_267 = arith.muli %scan3A_265, %mul3A_266 : i32
        %add3A_268 = arith.constant 0 : i32
        %add3A_269 = arith.addi %add3A_268, %mul3A_267 : i32
        %get3A_270 = arith.constant 3 : i32
        %get3A_271 = arith.index_cast %get3A_270 : i32 to index
        %get3A_272 = arith.index_cast %add3A_269 : i32 to index
        %get3A_273 = tpu.vector_load %arg6[%get3A_271, %get3A_272] {strides = array<i32>} : memref<8x2048xf32, #tpu.memory_space<vmem>>, vector<16xf32>,
        %get3A_274 = arith.constant 3 : i32
        %get3A_275 = arith.index_cast %get3A_274 : i32 to index
        %get3A_276 = arith.index_cast %add3A_269 : i32 to index
        %get3A_277 = tpu.vector_load %arg7[%get3A_275, %get3A_276] {strides = array<i32>} : memref<8x2048xf32, #tpu.memory_space<vmem>>, vector<16xf32>,
        %sub3A_278 = arith.subf %get3A_273, %get3A_277 : vector<16xf32>
        %swap3A_279 = arith.constant 3 : i32
        %swap3A_280 = arith.index_cast %swap3A_279 : i32 to index
        %swap3A_281 = arith.index_cast %add3A_269 : i32 to index
        %swap3A_282 = tpu.vector_load %arg8[%swap3A_280, %swap3A_281] {strides = array<i32>} : memref<8x2048xf32, #tpu.memory_space<vmem>>, vector<16xf32>,
        tpu.vector_store %arg8[%swap3A_280, %swap3A_281], %sub3A_278 {strides = array<i32>} : memref<8x2048xf32, #tpu.memory_space<vmem>>, vector<16xf32>,
        %scan3A_283 = arith.constant 2 : i32
        %scan3A_284 = arith.addi %scan3A_249, %scan3A_283 : i32
        %mul3A_285 = arith.constant 16 : i32
        %mul3A_286 = arith.muli %scan3A_284, %mul3A_285 : i32
        %add3A_287 = arith.constant 0 : i32
        %add3A_288 = arith.addi %add3A_287, %mul3A_286 : i32
        %get3A_289 = arith.constant 3 : i32
        %get3A_290 = arith.index_cast %get3A_289 : i32 to index
        %get3A_291 = arith.index_cast %add3A_288 : i32 to index
        %get3A_292 = tpu.vector_load %arg6[%get3A_290, %get3A_291] {strides = array<i32>} : memref<8x2048xf32, #tpu.memory_space<vmem>>, vector<16xf32>,
        %get3A_293 = arith.constant 3 : i32
        %get3A_294 = arith.index_cast %get3A_293 : i32 to index
        %get3A_295 = arith.index_cast %add3A_288 : i32 to index
        %get3A_296 = tpu.vector_load %arg7[%get3A_294, %get3A_295] {strides = array<i32>} : memref<8x2048xf32, #tpu.memory_space<vmem>>, vector<16xf32>,
        %sub3A_297 = arith.subf %get3A_292, %get3A_296 : vector<16xf32>
        %swap3A_298 = arith.constant 3 : i32
        %swap3A_299 = arith.index_cast %swap3A_298 : i32 to index
        %swap3A_300 = arith.index_cast %add3A_288 : i32 to index
        %swap3A_301 = tpu.vector_load %arg8[%swap3A_299, %swap3A_300] {strides = array<i32>} : memref<8x2048xf32, #tpu.memory_space<vmem>>, vector<16xf32>,
        tpu.vector_store %arg8[%swap3A_299, %swap3A_300], %sub3A_297 {strides = array<i32>} : memref<8x2048xf32, #tpu.memory_space<vmem>>, vector<16xf32>,
        %scan3A_302 = arith.constant 3 : i32
        %scan3A_303 = arith.addi %scan3A_249, %scan3A_302 : i32
        %mul3A_304 = arith.constant 16 : i32
        %mul3A_305 = arith.muli %scan3A_303, %mul3A_304 : i32
        %add3A_306 = arith.constant 0 : i32
        %add3A_307 = arith.addi %add3A_306, %mul3A_305 : i32
        %get3A_308 = arith.constant 3 : i32
        %get3A_309 = arith.index_cast %get3A_308 : i32 to index
        %get3A_310 = arith.index_cast %add3A_307 : i32 to index
        %get3A_311 = tpu.vector_load %arg6[%get3A_309, %get3A_310] {strides = array<i32>} : memref<8x2048xf32, #tpu.memory_space<vmem>>, vector<16xf32>,
        %get3A_312 = arith.constant 3 : i32
        %get3A_313 = arith.index_cast %get3A_312 : i32 to index
        %get3A_314 = arith.index_cast %add3A_307 : i32 to index
        %get3A_315 = tpu.vector_load %arg7[%get3A_313, %get3A_314] {strides = array<i32>} : memref<8x2048xf32, #tpu.memory_space<vmem>>, vector<16xf32>,
        %sub3A_316 = arith.subf %get3A_311, %get3A_315 : vector<16xf32>
        %swap3A_317 = arith.constant 3 : i32
        %swap3A_318 = arith.index_cast %swap3A_317 : i32 to index
        %swap3A_319 = arith.index_cast %add3A_307 : i32 to index
        %swap3A_320 = tpu.vector_load %arg8[%swap3A_318, %swap3A_319] {strides = array<i32>} : memref<8x2048xf32, #tpu.memory_space<vmem>>, vector<16xf32>,
        tpu.vector_store %arg8[%swap3A_318, %swap3A_319], %sub3A_316 {strides = array<i32>} : memref<8x2048xf32, #tpu.memory_space<vmem>>, vector<16xf32>,
      }
      %scan3A_141 = arith.constant 128 : i32
      %scan3A_142 = arith.constant 0 : i32
      %scan3A_143 = arith.constant 128 : i32
      %scan3A_144 = arith.addi %scan3A_142, %scan3A_143 : i32
      %scan3A_145 = arith.constant 4 : i32
      scf.for %scan3A_249 = %scan3A_142 to %scan3A_144 step %scan3A_145  : i32 {
        %mul3A_250 = arith.constant 16 : i32
        %mul3A_251 = arith.muli %scan3A_249, %mul3A_250 : i32
        %add3A_252 = arith.constant 0 : i32
        %add3A_253 = arith.addi %add3A_252, %mul3A_251 : i32
        %get3A = arith.constant 4 : i32
        %get3A_254 = arith.index_cast %get3A : i32 to index
        %get3A_255 = arith.index_cast %add3A_253 : i32 to index
        %get3A_256 = tpu.vector_load %arg6[%get3A_254, %get3A_255] {strides = array<i32>} : memref<8x2048xf32, #tpu.memory_space<vmem>>, vector<16xf32>,
        %get3A_257 = arith.constant 4 : i32
        %get3A_258 = arith.index_cast %get3A_257 : i32 to index
        %get3A_259 = arith.index_cast %add3A_253 : i32 to index
        %get3A_260 = tpu.vector_load %arg7[%get3A_258, %get3A_259] {strides = array<i32>} : memref<8x2048xf32, #tpu.memory_space<vmem>>, vector<16xf32>,
        %sub3A = arith.subf %get3A_256, %get3A_260 : vector<16xf32>
        %swap3A = arith.constant 4 : i32
        %swap3A_261 = arith.index_cast %swap3A : i32 to index
        %swap3A_262 = arith.index_cast %add3A_253 : i32 to index
        %swap3A_263 = tpu.vector_load %arg8[%swap3A_261, %swap3A_262] {strides = array<i32>} : memref<8x2048xf32, #tpu.memory_space<vmem>>, vector<16xf32>,
        tpu.vector_store %arg8[%swap3A_261, %swap3A_262], %sub3A {strides = array<i32>} : memref<8x2048xf32, #tpu.memory_space<vmem>>, vector<16xf32>,
        %scan3A_264 = arith.constant 1 : i32
        %scan3A_265 = arith.addi %scan3A_249, %scan3A_264 : i32
        %mul3A_266 = arith.constant 16 : i32
        %mul3A_267 = arith.muli %scan3A_265, %mul3A_266 : i32
        %add3A_268 = arith.constant 0 : i32
        %add3A_269 = arith.addi %add3A_268, %mul3A_267 : i32
        %get3A_270 = arith.constant 4 : i32
        %get3A_271 = arith.index_cast %get3A_270 : i32 to index
        %get3A_272 = arith.index_cast %add3A_269 : i32 to index
        %get3A_273 = tpu.vector_load %arg6[%get3A_271, %get3A_272] {strides = array<i32>} : memref<8x2048xf32, #tpu.memory_space<vmem>>, vector<16xf32>,
        %get3A_274 = arith.constant 4 : i32
        %get3A_275 = arith.index_cast %get3A_274 : i32 to index
        %get3A_276 = arith.index_cast %add3A_269 : i32 to index
        %get3A_277 = tpu.vector_load %arg7[%get3A_275, %get3A_276] {strides = array<i32>} : memref<8x2048xf32, #tpu.memory_space<vmem>>, vector<16xf32>,
        %sub3A_278 = arith.subf %get3A_273, %get3A_277 : vector<16xf32>
        %swap3A_279 = arith.constant 4 : i32
        %swap3A_280 = arith.index_cast %swap3A_279 : i32 to index
        %swap3A_281 = arith.index_cast %add3A_269 : i32 to index
        %swap3A_282 = tpu.vector_load %arg8[%swap3A_280, %swap3A_281] {strides = array<i32>} : memref<8x2048xf32, #tpu.memory_space<vmem>>, vector<16xf32>,
        tpu.vector_store %arg8[%swap3A_280, %swap3A_281], %sub3A_278 {strides = array<i32>} : memref<8x2048xf32, #tpu.memory_space<vmem>>, vector<16xf32>,
        %scan3A_283 = arith.constant 2 : i32
        %scan3A_284 = arith.addi %scan3A_249, %scan3A_283 : i32
        %mul3A_285 = arith.constant 16 : i32
        %mul3A_286 = arith.muli %scan3A_284, %mul3A_285 : i32
        %add3A_287 = arith.constant 0 : i32
        %add3A_288 = arith.addi %add3A_287, %mul3A_286 : i32
        %get3A_289 = arith.constant 4 : i32
        %get3A_290 = arith.index_cast %get3A_289 : i32 to index
        %get3A_291 = arith.index_cast %add3A_288 : i32 to index
        %get3A_292 = tpu.vector_load %arg6[%get3A_290, %get3A_291] {strides = array<i32>} : memref<8x2048xf32, #tpu.memory_space<vmem>>, vector<16xf32>,
        %get3A_293 = arith.constant 4 : i32
        %get3A_294 = arith.index_cast %get3A_293 : i32 to index
        %get3A_295 = arith.index_cast %add3A_288 : i32 to index
        %get3A_296 = tpu.vector_load %arg7[%get3A_294, %get3A_295] {strides = array<i32>} : memref<8x2048xf32, #tpu.memory_space<vmem>>, vector<16xf32>,
        %sub3A_297 = arith.subf %get3A_292, %get3A_296 : vector<16xf32>
        %swap3A_298 = arith.constant 4 : i32
        %swap3A_299 = arith.index_cast %swap3A_298 : i32 to index
        %swap3A_300 = arith.index_cast %add3A_288 : i32 to index
        %swap3A_301 = tpu.vector_load %arg8[%swap3A_299, %swap3A_300] {strides = array<i32>} : memref<8x2048xf32, #tpu.memory_space<vmem>>, vector<16xf32>,
        tpu.vector_store %arg8[%swap3A_299, %swap3A_300], %sub3A_297 {strides = array<i32>} : memref<8x2048xf32, #tpu.memory_space<vmem>>, vector<16xf32>,
        %scan3A_302 = arith.constant 3 : i32
        %scan3A_303 = arith.addi %scan3A_249, %scan3A_302 : i32
        %mul3A_304 = arith.constant 16 : i32
        %mul3A_305 = arith.muli %scan3A_303, %mul3A_304 : i32
        %add3A_306 = arith.constant 0 : i32
        %add3A_307 = arith.addi %add3A_306, %mul3A_305 : i32
        %get3A_308 = arith.constant 4 : i32
        %get3A_309 = arith.index_cast %get3A_308 : i32 to index
        %get3A_310 = arith.index_cast %add3A_307 : i32 to index
        %get3A_311 = tpu.vector_load %arg6[%get3A_309, %get3A_310] {strides = array<i32>} : memref<8x2048xf32, #tpu.memory_space<vmem>>, vector<16xf32>,
        %get3A_312 = arith.constant 4 : i32
        %get3A_313 = arith.index_cast %get3A_312 : i32 to index
        %get3A_314 = arith.index_cast %add3A_307 : i32 to index
        %get3A_315 = tpu.vector_load %arg7[%get3A_313, %get3A_314] {strides = array<i32>} : memref<8x2048xf32, #tpu.memory_space<vmem>>, vector<16xf32>,
        %sub3A_316 = arith.subf %get3A_311, %get3A_315 : vector<16xf32>
        %swap3A_317 = arith.constant 4 : i32
        %swap3A_318 = arith.index_cast %swap3A_317 : i32 to index
        %swap3A_319 = arith.index_cast %add3A_307 : i32 to index
        %swap3A_320 = tpu.vector_load %arg8[%swap3A_318, %swap3A_319] {strides = array<i32>} : memref<8x2048xf32, #tpu.memory_space<vmem>>, vector<16xf32>,
        tpu.vector_store %arg8[%swap3A_318, %swap3A_319], %sub3A_316 {strides = array<i32>} : memref<8x2048xf32, #tpu.memory_space<vmem>>, vector<16xf32>,
      }
      %scan3A_146 = arith.constant 128 : i32
      %scan3A_147 = arith.constant 0 : i32
      %scan3A_148 = arith.constant 128 : i32
      %scan3A_149 = arith.addi %scan3A_147, %scan3A_148 : i32
      %scan3A_150 = arith.constant 4 : i32
      scf.for %scan3A_249 = %scan3A_147 to %scan3A_149 step %scan3A_150  : i32 {
        %mul3A_250 = arith.constant 16 : i32
        %mul3A_251 = arith.muli %scan3A_249, %mul3A_250 : i32
        %add3A_252 = arith.constant 0 : i32
        %add3A_253 = arith.addi %add3A_252, %mul3A_251 : i32
        %get3A = arith.constant 5 : i32
        %get3A_254 = arith.index_cast %get3A : i32 to index
        %get3A_255 = arith.index_cast %add3A_253 : i32 to index
        %get3A_256 = tpu.vector_load %arg6[%get3A_254, %get3A_255] {strides = array<i32>} : memref<8x2048xf32, #tpu.memory_space<vmem>>, vector<16xf32>,
        %get3A_257 = arith.constant 5 : i32
        %get3A_258 = arith.index_cast %get3A_257 : i32 to index
        %get3A_259 = arith.index_cast %add3A_253 : i32 to index
        %get3A_260 = tpu.vector_load %arg7[%get3A_258, %get3A_259] {strides = array<i32>} : memref<8x2048xf32, #tpu.memory_space<vmem>>, vector<16xf32>,
        %sub3A = arith.subf %get3A_256, %get3A_260 : vector<16xf32>
        %swap3A = arith.constant 5 : i32
        %swap3A_261 = arith.index_cast %swap3A : i32 to index
        %swap3A_262 = arith.index_cast %add3A_253 : i32 to index
        %swap3A_263 = tpu.vector_load %arg8[%swap3A_261, %swap3A_262] {strides = array<i32>} : memref<8x2048xf32, #tpu.memory_space<vmem>>, vector<16xf32>,
        tpu.vector_store %arg8[%swap3A_261, %swap3A_262], %sub3A {strides = array<i32>} : memref<8x2048xf32, #tpu.memory_space<vmem>>, vector<16xf32>,
        %scan3A_264 = arith.constant 1 : i32
        %scan3A_265 = arith.addi %scan3A_249, %scan3A_264 : i32
        %mul3A_266 = arith.constant 16 : i32
        %mul3A_267 = arith.muli %scan3A_265, %mul3A_266 : i32
        %add3A_268 = arith.constant 0 : i32
        %add3A_269 = arith.addi %add3A_268, %mul3A_267 : i32
        %get3A_270 = arith.constant 5 : i32
        %get3A_271 = arith.index_cast %get3A_270 : i32 to index
        %get3A_272 = arith.index_cast %add3A_269 : i32 to index
        %get3A_273 = tpu.vector_load %arg6[%get3A_271, %get3A_272] {strides = array<i32>} : memref<8x2048xf32, #tpu.memory_space<vmem>>, vector<16xf32>,
        %get3A_274 = arith.constant 5 : i32
        %get3A_275 = arith.index_cast %get3A_274 : i32 to index
        %get3A_276 = arith.index_cast %add3A_269 : i32 to index
        %get3A_277 = tpu.vector_load %arg7[%get3A_275, %get3A_276] {strides = array<i32>} : memref<8x2048xf32, #tpu.memory_space<vmem>>, vector<16xf32>,
        %sub3A_278 = arith.subf %get3A_273, %get3A_277 : vector<16xf32>
        %swap3A_279 = arith.constant 5 : i32
        %swap3A_280 = arith.index_cast %swap3A_279 : i32 to index
        %swap3A_281 = arith.index_cast %add3A_269 : i32 to index
        %swap3A_282 = tpu.vector_load %arg8[%swap3A_280, %swap3A_281] {strides = array<i32>} : memref<8x2048xf32, #tpu.memory_space<vmem>>, vector<16xf32>,
        tpu.vector_store %arg8[%swap3A_280, %swap3A_281], %sub3A_278 {strides = array<i32>} : memref<8x2048xf32, #tpu.memory_space<vmem>>, vector<16xf32>,
        %scan3A_283 = arith.constant 2 : i32
        %scan3A_284 = arith.addi %scan3A_249, %scan3A_283 : i32
        %mul3A_285 = arith.constant 16 : i32
        %mul3A_286 = arith.muli %scan3A_284, %mul3A_285 : i32
        %add3A_287 = arith.constant 0 : i32
        %add3A_288 = arith.addi %add3A_287, %mul3A_286 : i32
        %get3A_289 = arith.constant 5 : i32
        %get3A_290 = arith.index_cast %get3A_289 : i32 to index
        %get3A_291 = arith.index_cast %add3A_288 : i32 to index
        %get3A_292 = tpu.vector_load %arg6[%get3A_290, %get3A_291] {strides = array<i32>} : memref<8x2048xf32, #tpu.memory_space<vmem>>, vector<16xf32>,
        %get3A_293 = arith.constant 5 : i32
        %get3A_294 = arith.index_cast %get3A_293 : i32 to index
        %get3A_295 = arith.index_cast %add3A_288 : i32 to index
        %get3A_296 = tpu.vector_load %arg7[%get3A_294, %get3A_295] {strides = array<i32>} : memref<8x2048xf32, #tpu.memory_space<vmem>>, vector<16xf32>,
        %sub3A_297 = arith.subf %get3A_292, %get3A_296 : vector<16xf32>
        %swap3A_298 = arith.constant 5 : i32
        %swap3A_299 = arith.index_cast %swap3A_298 : i32 to index
        %swap3A_300 = arith.index_cast %add3A_288 : i32 to index
        %swap3A_301 = tpu.vector_load %arg8[%swap3A_299, %swap3A_300] {strides = array<i32>} : memref<8x2048xf32, #tpu.memory_space<vmem>>, vector<16xf32>,
        tpu.vector_store %arg8[%swap3A_299, %swap3A_300], %sub3A_297 {strides = array<i32>} : memref<8x2048xf32, #tpu.memory_space<vmem>>, vector<16xf32>,
        %scan3A_302 = arith.constant 3 : i32
        %scan3A_303 = arith.addi %scan3A_249, %scan3A_302 : i32
        %mul3A_304 = arith.constant 16 : i32
        %mul3A_305 = arith.muli %scan3A_303, %mul3A_304 : i32
        %add3A_306 = arith.constant 0 : i32
        %add3A_307 = arith.addi %add3A_306, %mul3A_305 : i32
        %get3A_308 = arith.constant 5 : i32
        %get3A_309 = arith.index_cast %get3A_308 : i32 to index
        %get3A_310 = arith.index_cast %add3A_307 : i32 to index
        %get3A_311 = tpu.vector_load %arg6[%get3A_309, %get3A_310] {strides = array<i32>} : memref<8x2048xf32, #tpu.memory_space<vmem>>, vector<16xf32>,
        %get3A_312 = arith.constant 5 : i32
        %get3A_313 = arith.index_cast %get3A_312 : i32 to index
        %get3A_314 = arith.index_cast %add3A_307 : i32 to index
        %get3A_315 = tpu.vector_load %arg7[%get3A_313, %get3A_314] {strides = array<i32>} : memref<8x2048xf32, #tpu.memory_space<vmem>>, vector<16xf32>,
        %sub3A_316 = arith.subf %get3A_311, %get3A_315 : vector<16xf32>
        %swap3A_317 = arith.constant 5 : i32
        %swap3A_318 = arith.index_cast %swap3A_317 : i32 to index
        %swap3A_319 = arith.index_cast %add3A_307 : i32 to index
        %swap3A_320 = tpu.vector_load %arg8[%swap3A_318, %swap3A_319] {strides = array<i32>} : memref<8x2048xf32, #tpu.memory_space<vmem>>, vector<16xf32>,
        tpu.vector_store %arg8[%swap3A_318, %swap3A_319], %sub3A_316 {strides = array<i32>} : memref<8x2048xf32, #tpu.memory_space<vmem>>, vector<16xf32>,
      }
      %scan3A_151 = arith.constant 128 : i32
      %scan3A_152 = arith.constant 0 : i32
      %scan3A_153 = arith.constant 128 : i32
      %scan3A_154 = arith.addi %scan3A_152, %scan3A_153 : i32
      %scan3A_155 = arith.constant 4 : i32
      scf.for %scan3A_249 = %scan3A_152 to %scan3A_154 step %scan3A_155  : i32 {
        %mul3A_250 = arith.constant 16 : i32
        %mul3A_251 = arith.muli %scan3A_249, %mul3A_250 : i32
        %add3A_252 = arith.constant 0 : i32
        %add3A_253 = arith.addi %add3A_252, %mul3A_251 : i32
        %get3A = arith.constant 6 : i32
        %get3A_254 = arith.index_cast %get3A : i32 to index
        %get3A_255 = arith.index_cast %add3A_253 : i32 to index
        %get3A_256 = tpu.vector_load %arg6[%get3A_254, %get3A_255] {strides = array<i32>} : memref<8x2048xf32, #tpu.memory_space<vmem>>, vector<16xf32>,
        %get3A_257 = arith.constant 6 : i32
        %get3A_258 = arith.index_cast %get3A_257 : i32 to index
        %get3A_259 = arith.index_cast %add3A_253 : i32 to index
        %get3A_260 = tpu.vector_load %arg7[%get3A_258, %get3A_259] {strides = array<i32>} : memref<8x2048xf32, #tpu.memory_space<vmem>>, vector<16xf32>,
        %sub3A = arith.subf %get3A_256, %get3A_260 : vector<16xf32>
        %swap3A = arith.constant 6 : i32
        %swap3A_261 = arith.index_cast %swap3A : i32 to index
        %swap3A_262 = arith.index_cast %add3A_253 : i32 to index
        %swap3A_263 = tpu.vector_load %arg8[%swap3A_261, %swap3A_262] {strides = array<i32>} : memref<8x2048xf32, #tpu.memory_space<vmem>>, vector<16xf32>,
        tpu.vector_store %arg8[%swap3A_261, %swap3A_262], %sub3A {strides = array<i32>} : memref<8x2048xf32, #tpu.memory_space<vmem>>, vector<16xf32>,
        %scan3A_264 = arith.constant 1 : i32
        %scan3A_265 = arith.addi %scan3A_249, %scan3A_264 : i32
        %mul3A_266 = arith.constant 16 : i32
        %mul3A_267 = arith.muli %scan3A_265, %mul3A_266 : i32
        %add3A_268 = arith.constant 0 : i32
        %add3A_269 = arith.addi %add3A_268, %mul3A_267 : i32
        %get3A_270 = arith.constant 6 : i32
        %get3A_271 = arith.index_cast %get3A_270 : i32 to index
        %get3A_272 = arith.index_cast %add3A_269 : i32 to index
        %get3A_273 = tpu.vector_load %arg6[%get3A_271, %get3A_272] {strides = array<i32>} : memref<8x2048xf32, #tpu.memory_space<vmem>>, vector<16xf32>,
        %get3A_274 = arith.constant 6 : i32
        %get3A_275 = arith.index_cast %get3A_274 : i32 to index
        %get3A_276 = arith.index_cast %add3A_269 : i32 to index
        %get3A_277 = tpu.vector_load %arg7[%get3A_275, %get3A_276] {strides = array<i32>} : memref<8x2048xf32, #tpu.memory_space<vmem>>, vector<16xf32>,
        %sub3A_278 = arith.subf %get3A_273, %get3A_277 : vector<16xf32>
        %swap3A_279 = arith.constant 6 : i32
        %swap3A_280 = arith.index_cast %swap3A_279 : i32 to index
        %swap3A_281 = arith.index_cast %add3A_269 : i32 to index
        %swap3A_282 = tpu.vector_load %arg8[%swap3A_280, %swap3A_281] {strides = array<i32>} : memref<8x2048xf32, #tpu.memory_space<vmem>>, vector<16xf32>,
        tpu.vector_store %arg8[%swap3A_280, %swap3A_281], %sub3A_278 {strides = array<i32>} : memref<8x2048xf32, #tpu.memory_space<vmem>>, vector<16xf32>,
        %scan3A_283 = arith.constant 2 : i32
        %scan3A_284 = arith.addi %scan3A_249, %scan3A_283 : i32
        %mul3A_285 = arith.constant 16 : i32
        %mul3A_286 = arith.muli %scan3A_284, %mul3A_285 : i32
        %add3A_287 = arith.constant 0 : i32
        %add3A_288 = arith.addi %add3A_287, %mul3A_286 : i32
        %get3A_289 = arith.constant 6 : i32
        %get3A_290 = arith.index_cast %get3A_289 : i32 to index
        %get3A_291 = arith.index_cast %add3A_288 : i32 to index
        %get3A_292 = tpu.vector_load %arg6[%get3A_290, %get3A_291] {strides = array<i32>} : memref<8x2048xf32, #tpu.memory_space<vmem>>, vector<16xf32>,
        %get3A_293 = arith.constant 6 : i32
        %get3A_294 = arith.index_cast %get3A_293 : i32 to index
        %get3A_295 = arith.index_cast %add3A_288 : i32 to index
        %get3A_296 = tpu.vector_load %arg7[%get3A_294, %get3A_295] {strides = array<i32>} : memref<8x2048xf32, #tpu.memory_space<vmem>>, vector<16xf32>,
        %sub3A_297 = arith.subf %get3A_292, %get3A_296 : vector<16xf32>
        %swap3A_298 = arith.constant 6 : i32
        %swap3A_299 = arith.index_cast %swap3A_298 : i32 to index
        %swap3A_300 = arith.index_cast %add3A_288 : i32 to index
        %swap3A_301 = tpu.vector_load %arg8[%swap3A_299, %swap3A_300] {strides = array<i32>} : memref<8x2048xf32, #tpu.memory_space<vmem>>, vector<16xf32>,
        tpu.vector_store %arg8[%swap3A_299, %swap3A_300], %sub3A_297 {strides = array<i32>} : memref<8x2048xf32, #tpu.memory_space<vmem>>, vector<16xf32>,
        %scan3A_302 = arith.constant 3 : i32
        %scan3A_303 = arith.addi %scan3A_249, %scan3A_302 : i32
        %mul3A_304 = arith.constant 16 : i32
        %mul3A_305 = arith.muli %scan3A_303, %mul3A_304 : i32
        %add3A_306 = arith.constant 0 : i32
        %add3A_307 = arith.addi %add3A_306, %mul3A_305 : i32
        %get3A_308 = arith.constant 6 : i32
        %get3A_309 = arith.index_cast %get3A_308 : i32 to index
        %get3A_310 = arith.index_cast %add3A_307 : i32 to index
        %get3A_311 = tpu.vector_load %arg6[%get3A_309, %get3A_310] {strides = array<i32>} : memref<8x2048xf32, #tpu.memory_space<vmem>>, vector<16xf32>,
        %get3A_312 = arith.constant 6 : i32
        %get3A_313 = arith.index_cast %get3A_312 : i32 to index
        %get3A_314 = arith.index_cast %add3A_307 : i32 to index
        %get3A_315 = tpu.vector_load %arg7[%get3A_313, %get3A_314] {strides = array<i32>} : memref<8x2048xf32, #tpu.memory_space<vmem>>, vector<16xf32>,
        %sub3A_316 = arith.subf %get3A_311, %get3A_315 : vector<16xf32>
        %swap3A_317 = arith.constant 6 : i32
        %swap3A_318 = arith.index_cast %swap3A_317 : i32 to index
        %swap3A_319 = arith.index_cast %add3A_307 : i32 to index
        %swap3A_320 = tpu.vector_load %arg8[%swap3A_318, %swap3A_319] {strides = array<i32>} : memref<8x2048xf32, #tpu.memory_space<vmem>>, vector<16xf32>,
        tpu.vector_store %arg8[%swap3A_318, %swap3A_319], %sub3A_316 {strides = array<i32>} : memref<8x2048xf32, #tpu.memory_space<vmem>>, vector<16xf32>,
      }
      %scan3A_156 = arith.constant 128 : i32
      %scan3A_157 = arith.constant 0 : i32
      %scan3A_158 = arith.constant 128 : i32
      %scan3A_159 = arith.addi %scan3A_157, %scan3A_158 : i32
      %scan3A_160 = arith.constant 4 : i32
      scf.for %scan3A_249 = %scan3A_157 to %scan3A_159 step %scan3A_160  : i32 {
        %mul3A_250 = arith.constant 16 : i32
        %mul3A_251 = arith.muli %scan3A_249, %mul3A_250 : i32
        %add3A_252 = arith.constant 0 : i32
        %add3A_253 = arith.addi %add3A_252, %mul3A_251 : i32
        %get3A = arith.constant 7 : i32
        %get3A_254 = arith.index_cast %get3A : i32 to index
        %get3A_255 = arith.index_cast %add3A_253 : i32 to index
        %get3A_256 = tpu.vector_load %arg6[%get3A_254, %get3A_255] {strides = array<i32>} : memref<8x2048xf32, #tpu.memory_space<vmem>>, vector<16xf32>,
        %get3A_257 = arith.constant 7 : i32
        %get3A_258 = arith.index_cast %get3A_257 : i32 to index
        %get3A_259 = arith.index_cast %add3A_253 : i32 to index
        %get3A_260 = tpu.vector_load %arg7[%get3A_258, %get3A_259] {strides = array<i32>} : memref<8x2048xf32, #tpu.memory_space<vmem>>, vector<16xf32>,
        %sub3A = arith.subf %get3A_256, %get3A_260 : vector<16xf32>
        %swap3A = arith.constant 7 : i32
        %swap3A_261 = arith.index_cast %swap3A : i32 to index
        %swap3A_262 = arith.index_cast %add3A_253 : i32 to index
        %swap3A_263 = tpu.vector_load %arg8[%swap3A_261, %swap3A_262] {strides = array<i32>} : memref<8x2048xf32, #tpu.memory_space<vmem>>, vector<16xf32>,
        tpu.vector_store %arg8[%swap3A_261, %swap3A_262], %sub3A {strides = array<i32>} : memref<8x2048xf32, #tpu.memory_space<vmem>>, vector<16xf32>,
        %scan3A_264 = arith.constant 1 : i32
        %scan3A_265 = arith.addi %scan3A_249, %scan3A_264 : i32
        %mul3A_266 = arith.constant 16 : i32
        %mul3A_267 = arith.muli %scan3A_265, %mul3A_266 : i32
        %add3A_268 = arith.constant 0 : i32
        %add3A_269 = arith.addi %add3A_268, %mul3A_267 : i32
        %get3A_270 = arith.constant 7 : i32
        %get3A_271 = arith.index_cast %get3A_270 : i32 to index
        %get3A_272 = arith.index_cast %add3A_269 : i32 to index
        %get3A_273 = tpu.vector_load %arg6[%get3A_271, %get3A_272] {strides = array<i32>} : memref<8x2048xf32, #tpu.memory_space<vmem>>, vector<16xf32>,
        %get3A_274 = arith.constant 7 : i32
        %get3A_275 = arith.index_cast %get3A_274 : i32 to index
        %get3A_276 = arith.index_cast %add3A_269 : i32 to index
        %get3A_277 = tpu.vector_load %arg7[%get3A_275, %get3A_276] {strides = array<i32>} : memref<8x2048xf32, #tpu.memory_space<vmem>>, vector<16xf32>,
        %sub3A_278 = arith.subf %get3A_273, %get3A_277 : vector<16xf32>
        %swap3A_279 = arith.constant 7 : i32
        %swap3A_280 = arith.index_cast %swap3A_279 : i32 to index
        %swap3A_281 = arith.index_cast %add3A_269 : i32 to index
        %swap3A_282 = tpu.vector_load %arg8[%swap3A_280, %swap3A_281] {strides = array<i32>} : memref<8x2048xf32, #tpu.memory_space<vmem>>, vector<16xf32>,
        tpu.vector_store %arg8[%swap3A_280, %swap3A_281], %sub3A_278 {strides = array<i32>} : memref<8x2048xf32, #tpu.memory_space<vmem>>, vector<16xf32>,
        %scan3A_283 = arith.constant 2 : i32
        %scan3A_284 = arith.addi %scan3A_249, %scan3A_283 : i32
        %mul3A_285 = arith.constant 16 : i32
        %mul3A_286 = arith.muli %scan3A_284, %mul3A_285 : i32
        %add3A_287 = arith.constant 0 : i32
        %add3A_288 = arith.addi %add3A_287, %mul3A_286 : i32
        %get3A_289 = arith.constant 7 : i32
        %get3A_290 = arith.index_cast %get3A_289 : i32 to index
        %get3A_291 = arith.index_cast %add3A_288 : i32 to index
        %get3A_292 = tpu.vector_load %arg6[%get3A_290, %get3A_291] {strides = array<i32>} : memref<8x2048xf32, #tpu.memory_space<vmem>>, vector<16xf32>,
        %get3A_293 = arith.constant 7 : i32
        %get3A_294 = arith.index_cast %get3A_293 : i32 to index
        %get3A_295 = arith.index_cast %add3A_288 : i32 to index
        %get3A_296 = tpu.vector_load %arg7[%get3A_294, %get3A_295] {strides = array<i32>} : memref<8x2048xf32, #tpu.memory_space<vmem>>, vector<16xf32>,
        %sub3A_297 = arith.subf %get3A_292, %get3A_296 : vector<16xf32>
        %swap3A_298 = arith.constant 7 : i32
        %swap3A_299 = arith.index_cast %swap3A_298 : i32 to index
        %swap3A_300 = arith.index_cast %add3A_288 : i32 to index
        %swap3A_301 = tpu.vector_load %arg8[%swap3A_299, %swap3A_300] {strides = array<i32>} : memref<8x2048xf32, #tpu.memory_space<vmem>>, vector<16xf32>,
        tpu.vector_store %arg8[%swap3A_299, %swap3A_300], %sub3A_297 {strides = array<i32>} : memref<8x2048xf32, #tpu.memory_space<vmem>>, vector<16xf32>,
        %scan3A_302 = arith.constant 3 : i32
        %scan3A_303 = arith.addi %scan3A_249, %scan3A_302 : i32
        %mul3A_304 = arith.constant 16 : i32
        %mul3A_305 = arith.muli %scan3A_303, %mul3A_304 : i32
        %add3A_306 = arith.constant 0 : i32
        %add3A_307 = arith.addi %add3A_306, %mul3A_305 : i32
        %get3A_308 = arith.constant 7 : i32
        %get3A_309 = arith.index_cast %get3A_308 : i32 to index
        %get3A_310 = arith.index_cast %add3A_307 : i32 to index
        %get3A_311 = tpu.vector_load %arg6[%get3A_309, %get3A_310] {strides = array<i32>} : memref<8x2048xf32, #tpu.memory_space<vmem>>, vector<16xf32>,
        %get3A_312 = arith.constant 7 : i32
        %get3A_313 = arith.index_cast %get3A_312 : i32 to index
        %get3A_314 = arith.index_cast %add3A_307 : i32 to index
        %get3A_315 = tpu.vector_load %arg7[%get3A_313, %get3A_314] {strides = array<i32>} : memref<8x2048xf32, #tpu.memory_space<vmem>>, vector<16xf32>,
        %sub3A_316 = arith.subf %get3A_311, %get3A_315 : vector<16xf32>
        %swap3A_317 = arith.constant 7 : i32
        %swap3A_318 = arith.index_cast %swap3A_317 : i32 to index
        %swap3A_319 = arith.index_cast %add3A_307 : i32 to index
        %swap3A_320 = tpu.vector_load %arg8[%swap3A_318, %swap3A_319] {strides = array<i32>} : memref<8x2048xf32, #tpu.memory_space<vmem>>, vector<16xf32>,
        tpu.vector_store %arg8[%swap3A_318, %swap3A_319], %sub3A_316 {strides = array<i32>} : memref<8x2048xf32, #tpu.memory_space<vmem>>, vector<16xf32>,
      }
      %scan3A_161 = arith.constant 128 : i32
      %mul3A_162 = arith.constant 8 : i32
      %mul3A_163 = arith.muli %add3A_106, %mul3A_162 : i32
      %add3A_164 = arith.addi %mul3A_2, %mul3A_163 : i32
      %dma_start3A_165 = arith.constant 0 : i32
      %dma_start3A_166 = tpu.memref_slice %arg4[%add3A_164, %dma_start3A_165] : memref<9984x2048xf32, #tpu.memory_space<hbm>> -> memref<8x2048xf32, #tpu.memory_space<hbm>>
      %dma_start3A_167 = arith.constant 0 : i32
      %dma_start3A_168 = tpu.memref_slice %arg4[%add3A_164, %dma_start3A_167] : memref<9984x2048xf32, #tpu.memory_space<hbm>> -> memref<8x2048xf32, #tpu.memory_space<hbm>>
      tpu.enqueue_dma source(%arg8 : memref<8x2048xf32, #tpu.memory_space<vmem>>) target(%dma_start3A_168 : memref<8x2048xf32, #tpu.memory_space<hbm>>) target_semaphore(%arg14 : memref<!tpu.dma_semaphore, #tpu.memory_space<semaphore_mem>>)
      %add3A_169 = arith.constant 2 : i32
      %add3A_170 = arith.addi %add3A_106, %add3A_169 : i32
      %lt3A = arith.constant 39 : i32
      %lt3A_171 = arith.cmpi slt, %add3A_170, %lt3A : i32
      %convert_element_type3A_172 = arith.extui %lt3A_171 : i1 to i32
      %cond3A_173 = arith.constant 0 : i32
      %cond3A_174 = arith.cmpi ne, %convert_element_type3A_172, %cond3A_173 : i32
      scf.if %cond3A_174 {
        %add3A_249 = arith.constant 2 : i32
        %add3A_250 = arith.addi %add3A_106, %add3A_249 : i32
        %mul3A_251 = arith.constant 8 : i32
        %mul3A_252 = arith.muli %add3A_250, %mul3A_251 : i32
        %add3A_253 = arith.addi %mul3A_2, %mul3A_252 : i32
        %mul3A_254 = arith.constant 8 : i32
        %mul3A_255 = arith.muli %add3A_250, %mul3A_254 : i32
        %dma_start3A_256 = arith.constant 0 : i32
        %dma_start3A_257 = tpu.memref_slice %arg3[%add3A_253, %dma_start3A_256] : memref<9984x2048xf32, #tpu.memory_space<hbm>> -> memref<8x2048xf32, #tpu.memory_space<hbm>>
        %dma_start3A_258 = arith.constant 0 : i32
        %dma_start3A_259 = tpu.memref_slice %arg3[%add3A_253, %dma_start3A_258] : memref<9984x2048xf32, #tpu.memory_space<hbm>> -> memref<8x2048xf32, #tpu.memory_space<hbm>>
        tpu.enqueue_dma source(%dma_start3A_259 : memref<8x2048xf32, #tpu.memory_space<hbm>>) target(%arg6 : memref<8x2048xf32, #tpu.memory_space<vmem>>) target_semaphore(%arg12 : memref<!tpu.dma_semaphore, #tpu.memory_space<semaphore_mem>>)
        %dma_start3A_260 = tpu.memref_slice %arg5[%mul3A_255] : memref<312xi32, #tpu.memory_space<vmem>> -> memref<8xi32, #tpu.memory_space<vmem>>
        %dma_start3A_261 = arith.constant 0 : i32
        %dma_start3A_262 = arith.constant 0 : i32
        %dma_start3A_263 = tpu.memref_slice %arg3[%dma_start3A_261, %dma_start3A_262] : memref<9984x2048xf32, #tpu.memory_space<hbm>> -> memref<9984x2048xf32, #tpu.memory_space<hbm>>
        tpu.enqueue_indirect_dma source(%dma_start3A_263 : memref<9984x2048xf32, #tpu.memory_space<hbm>>) target(%arg7 : memref<8x2048xf32, #tpu.memory_space<vmem>>) offsets(%dma_start3A_260 : memref<8xi32, #tpu.memory_space<vmem>>) semaphore(%arg13 : memref<!tpu.dma_semaphore, #tpu.memory_space<semaphore_mem>>)
      } else {
      }
      %add3A_175 = arith.constant 1 : i32
      %add3A_176 = arith.addi %add3A_106, %add3A_175 : i32
      %mul3A_177 = arith.constant 8 : i32
      %mul3A_178 = arith.muli %add3A_176, %mul3A_177 : i32
      %add3A_179 = arith.addi %mul3A_2, %mul3A_178 : i32
      %mul3A_180 = arith.constant 8 : i32
      %mul3A_181 = arith.muli %add3A_176, %mul3A_180 : i32
      %dma_wait3A_182 = arith.constant 0 : i32
      %dma_wait3A_183 = tpu.memref_slice %arg3[%add3A_179, %dma_wait3A_182] : memref<9984x2048xf32, #tpu.memory_space<hbm>> -> memref<8x2048xf32, #tpu.memory_space<hbm>>
      %dma_wait3A_184 = arith.constant 0 : i32
      %dma_wait3A_185 = tpu.memref_slice %arg3[%add3A_179, %dma_wait3A_184] : memref<9984x2048xf32, #tpu.memory_space<hbm>> -> memref<8x2048xf32, #tpu.memory_space<hbm>>
      tpu.wait_dma2 semaphore(%arg15 : memref<!tpu.dma_semaphore, #tpu.memory_space<semaphore_mem>>) src(%dma_wait3A_185 : memref<8x2048xf32, #tpu.memory_space<hbm>>) dst(%arg9 : memref<8x2048xf32, #tpu.memory_space<vmem>>)
      %dma_wait3A_186 = tpu.memref_slice %arg5[%mul3A_181] : memref<312xi32, #tpu.memory_space<vmem>> -> memref<8xi32, #tpu.memory_space<vmem>>
      %dma_wait3A_187 = arith.constant 0 : i32
      %dma_wait3A_188 = arith.constant 0 : i32
      %dma_wait3A_189 = tpu.memref_slice %arg3[%dma_wait3A_187, %dma_wait3A_188] : memref<9984x2048xf32, #tpu.memory_space<hbm>> -> memref<9984x2048xf32, #tpu.memory_space<hbm>>
      tpu.wait_indirect_dma semaphore(%arg16 : memref<!tpu.dma_semaphore, #tpu.memory_space<semaphore_mem>>) src(%dma_wait3A_189 : memref<9984x2048xf32, #tpu.memory_space<hbm>>) dst(%arg10 : memref<8x2048xf32, #tpu.memory_space<vmem>>)
      %ge3A_190 = arith.constant 2 : i32
      %ge3A_191 = arith.cmpi sge, %add3A_176, %ge3A_190 : i32
      %convert_element_type3A_192 = arith.extui %ge3A_191 : i1 to i32
      %cond3A_193 = arith.constant 0 : i32
      %cond3A_194 = arith.cmpi ne, %convert_element_type3A_192, %cond3A_193 : i32
      scf.if %cond3A_194 {
        %sub3A = arith.constant 2 : i32
        %sub3A_249 = arith.subi %add3A_176, %sub3A : i32
        %mul3A_250 = arith.constant 8 : i32
        %mul3A_251 = arith.muli %sub3A_249, %mul3A_250 : i32
        %add3A_252 = arith.addi %mul3A_2, %mul3A_251 : i32
        %dma_wait3A_253 = arith.constant 0 : i32
        %dma_wait3A_254 = tpu.memref_slice %arg4[%add3A_252, %dma_wait3A_253] : memref<9984x2048xf32, #tpu.memory_space<hbm>> -> memref<8x2048xf32, #tpu.memory_space<hbm>>
        %dma_wait3A_255 = arith.constant 0 : i32
        %dma_wait3A_256 = tpu.memref_slice %arg4[%add3A_252, %dma_wait3A_255] : memref<9984x2048xf32, #tpu.memory_space<hbm>> -> memref<8x2048xf32, #tpu.memory_space<hbm>>
        tpu.wait_dma2 semaphore(%arg17 : memref<!tpu.dma_semaphore, #tpu.memory_space<semaphore_mem>>) src(%arg11 : memref<8x2048xf32, #tpu.memory_space<vmem>>) dst(%dma_wait3A_256 : memref<8x2048xf32, #tpu.memory_space<hbm>>)
      } else {
      }
      %scan3A_195 = arith.constant 0 : i32
      %scan3A_196 = arith.constant 128 : i32
      %scan3A_197 = arith.addi %scan3A_195, %scan3A_196 : i32
      %scan3A_198 = arith.constant 4 : i32
      scf.for %scan3A_249 = %scan3A_195 to %scan3A_197 step %scan3A_198  : i32 {
        %mul3A_250 = arith.constant 16 : i32
        %mul3A_251 = arith.muli %scan3A_249, %mul3A_250 : i32
        %add3A_252 = arith.constant 0 : i32
        %add3A_253 = arith.addi %add3A_252, %mul3A_251 : i32
        %get3A = arith.constant 0 : i32
        %get3A_254 = arith.index_cast %get3A : i32 to index
        %get3A_255 = arith.index_cast %add3A_253 : i32 to index
        %get3A_256 = tpu.vector_load %arg9[%get3A_254, %get3A_255] {strides = array<i32>} : memref<8x2048xf32, #tpu.memory_space<vmem>>, vector<16xf32>,
        %get3A_257 = arith.constant 0 : i32
        %get3A_258 = arith.index_cast %get3A_257 : i32 to index
        %get3A_259 = arith.index_cast %add3A_253 : i32 to index
        %get3A_260 = tpu.vector_load %arg10[%get3A_258, %get3A_259] {strides = array<i32>} : memref<8x2048xf32, #tpu.memory_space<vmem>>, vector<16xf32>,
        %sub3A = arith.subf %get3A_256, %get3A_260 : vector<16xf32>
        %swap3A = arith.constant 0 : i32
        %swap3A_261 = arith.index_cast %swap3A : i32 to index
        %swap3A_262 = arith.index_cast %add3A_253 : i32 to index
        %swap3A_263 = tpu.vector_load %arg11[%swap3A_261, %swap3A_262] {strides = array<i32>} : memref<8x2048xf32, #tpu.memory_space<vmem>>, vector<16xf32>,
        tpu.vector_store %arg11[%swap3A_261, %swap3A_262], %sub3A {strides = array<i32>} : memref<8x2048xf32, #tpu.memory_space<vmem>>, vector<16xf32>,
        %scan3A_264 = arith.constant 1 : i32
        %scan3A_265 = arith.addi %scan3A_249, %scan3A_264 : i32
        %mul3A_266 = arith.constant 16 : i32
        %mul3A_267 = arith.muli %scan3A_265, %mul3A_266 : i32
        %add3A_268 = arith.constant 0 : i32
        %add3A_269 = arith.addi %add3A_268, %mul3A_267 : i32
        %get3A_270 = arith.constant 0 : i32
        %get3A_271 = arith.index_cast %get3A_270 : i32 to index
        %get3A_272 = arith.index_cast %add3A_269 : i32 to index
        %get3A_273 = tpu.vector_load %arg9[%get3A_271, %get3A_272] {strides = array<i32>} : memref<8x2048xf32, #tpu.memory_space<vmem>>, vector<16xf32>,
        %get3A_274 = arith.constant 0 : i32
        %get3A_275 = arith.index_cast %get3A_274 : i32 to index
        %get3A_276 = arith.index_cast %add3A_269 : i32 to index
        %get3A_277 = tpu.vector_load %arg10[%get3A_275, %get3A_276] {strides = array<i32>} : memref<8x2048xf32, #tpu.memory_space<vmem>>, vector<16xf32>,
        %sub3A_278 = arith.subf %get3A_273, %get3A_277 : vector<16xf32>
        %swap3A_279 = arith.constant 0 : i32
        %swap3A_280 = arith.index_cast %swap3A_279 : i32 to index
        %swap3A_281 = arith.index_cast %add3A_269 : i32 to index
        %swap3A_282 = tpu.vector_load %arg11[%swap3A_280, %swap3A_281] {strides = array<i32>} : memref<8x2048xf32, #tpu.memory_space<vmem>>, vector<16xf32>,
        tpu.vector_store %arg11[%swap3A_280, %swap3A_281], %sub3A_278 {strides = array<i32>} : memref<8x2048xf32, #tpu.memory_space<vmem>>, vector<16xf32>,
        %scan3A_283 = arith.constant 2 : i32
        %scan3A_284 = arith.addi %scan3A_249, %scan3A_283 : i32
        %mul3A_285 = arith.constant 16 : i32
        %mul3A_286 = arith.muli %scan3A_284, %mul3A_285 : i32
        %add3A_287 = arith.constant 0 : i32
        %add3A_288 = arith.addi %add3A_287, %mul3A_286 : i32
        %get3A_289 = arith.constant 0 : i32
        %get3A_290 = arith.index_cast %get3A_289 : i32 to index
        %get3A_291 = arith.index_cast %add3A_288 : i32 to index
        %get3A_292 = tpu.vector_load %arg9[%get3A_290, %get3A_291] {strides = array<i32>} : memref<8x2048xf32, #tpu.memory_space<vmem>>, vector<16xf32>,
        %get3A_293 = arith.constant 0 : i32
        %get3A_294 = arith.index_cast %get3A_293 : i32 to index
        %get3A_295 = arith.index_cast %add3A_288 : i32 to index
        %get3A_296 = tpu.vector_load %arg10[%get3A_294, %get3A_295] {strides = array<i32>} : memref<8x2048xf32, #tpu.memory_space<vmem>>, vector<16xf32>,
        %sub3A_297 = arith.subf %get3A_292, %get3A_296 : vector<16xf32>
        %swap3A_298 = arith.constant 0 : i32
        %swap3A_299 = arith.index_cast %swap3A_298 : i32 to index
        %swap3A_300 = arith.index_cast %add3A_288 : i32 to index
        %swap3A_301 = tpu.vector_load %arg11[%swap3A_299, %swap3A_300] {strides = array<i32>} : memref<8x2048xf32, #tpu.memory_space<vmem>>, vector<16xf32>,
        tpu.vector_store %arg11[%swap3A_299, %swap3A_300], %sub3A_297 {strides = array<i32>} : memref<8x2048xf32, #tpu.memory_space<vmem>>, vector<16xf32>,
        %scan3A_302 = arith.constant 3 : i32
        %scan3A_303 = arith.addi %scan3A_249, %scan3A_302 : i32
        %mul3A_304 = arith.constant 16 : i32
        %mul3A_305 = arith.muli %scan3A_303, %mul3A_304 : i32
        %add3A_306 = arith.constant 0 : i32
        %add3A_307 = arith.addi %add3A_306, %mul3A_305 : i32
        %get3A_308 = arith.constant 0 : i32
        %get3A_309 = arith.index_cast %get3A_308 : i32 to index
        %get3A_310 = arith.index_cast %add3A_307 : i32 to index
        %get3A_311 = tpu.vector_load %arg9[%get3A_309, %get3A_310] {strides = array<i32>} : memref<8x2048xf32, #tpu.memory_space<vmem>>, vector<16xf32>,
        %get3A_312 = arith.constant 0 : i32
        %get3A_313 = arith.index_cast %get3A_312 : i32 to index
        %get3A_314 = arith.index_cast %add3A_307 : i32 to index
        %get3A_315 = tpu.vector_load %arg10[%get3A_313, %get3A_314] {strides = array<i32>} : memref<8x2048xf32, #tpu.memory_space<vmem>>, vector<16xf32>,
        %sub3A_316 = arith.subf %get3A_311, %get3A_315 : vector<16xf32>
        %swap3A_317 = arith.constant 0 : i32
        %swap3A_318 = arith.index_cast %swap3A_317 : i32 to index
        %swap3A_319 = arith.index_cast %add3A_307 : i32 to index
        %swap3A_320 = tpu.vector_load %arg11[%swap3A_318, %swap3A_319] {strides = array<i32>} : memref<8x2048xf32, #tpu.memory_space<vmem>>, vector<16xf32>,
        tpu.vector_store %arg11[%swap3A_318, %swap3A_319], %sub3A_316 {strides = array<i32>} : memref<8x2048xf32, #tpu.memory_space<vmem>>, vector<16xf32>,
      }
      %scan3A_199 = arith.constant 128 : i32
      %scan3A_200 = arith.constant 0 : i32
      %scan3A_201 = arith.constant 128 : i32
      %scan3A_202 = arith.addi %scan3A_200, %scan3A_201 : i32
      %scan3A_203 = arith.constant 4 : i32
      scf.for %scan3A_249 = %scan3A_200 to %scan3A_202 step %scan3A_203  : i32 {
        %mul3A_250 = arith.constant 16 : i32
        %mul3A_251 = arith.muli %scan3A_249, %mul3A_250 : i32
        %add3A_252 = arith.constant 0 : i32
        %add3A_253 = arith.addi %add3A_252, %mul3A_251 : i32
        %get3A = arith.constant 1 : i32
        %get3A_254 = arith.index_cast %get3A : i32 to index
        %get3A_255 = arith.index_cast %add3A_253 : i32 to index
        %get3A_256 = tpu.vector_load %arg9[%get3A_254, %get3A_255] {strides = array<i32>} : memref<8x2048xf32, #tpu.memory_space<vmem>>, vector<16xf32>,
        %get3A_257 = arith.constant 1 : i32
        %get3A_258 = arith.index_cast %get3A_257 : i32 to index
        %get3A_259 = arith.index_cast %add3A_253 : i32 to index
        %get3A_260 = tpu.vector_load %arg10[%get3A_258, %get3A_259] {strides = array<i32>} : memref<8x2048xf32, #tpu.memory_space<vmem>>, vector<16xf32>,
        %sub3A = arith.subf %get3A_256, %get3A_260 : vector<16xf32>
        %swap3A = arith.constant 1 : i32
        %swap3A_261 = arith.index_cast %swap3A : i32 to index
        %swap3A_262 = arith.index_cast %add3A_253 : i32 to index
        %swap3A_263 = tpu.vector_load %arg11[%swap3A_261, %swap3A_262] {strides = array<i32>} : memref<8x2048xf32, #tpu.memory_space<vmem>>, vector<16xf32>,
        tpu.vector_store %arg11[%swap3A_261, %swap3A_262], %sub3A {strides = array<i32>} : memref<8x2048xf32, #tpu.memory_space<vmem>>, vector<16xf32>,
        %scan3A_264 = arith.constant 1 : i32
        %scan3A_265 = arith.addi %scan3A_249, %scan3A_264 : i32
        %mul3A_266 = arith.constant 16 : i32
        %mul3A_267 = arith.muli %scan3A_265, %mul3A_266 : i32
        %add3A_268 = arith.constant 0 : i32
        %add3A_269 = arith.addi %add3A_268, %mul3A_267 : i32
        %get3A_270 = arith.constant 1 : i32
        %get3A_271 = arith.index_cast %get3A_270 : i32 to index
        %get3A_272 = arith.index_cast %add3A_269 : i32 to index
        %get3A_273 = tpu.vector_load %arg9[%get3A_271, %get3A_272] {strides = array<i32>} : memref<8x2048xf32, #tpu.memory_space<vmem>>, vector<16xf32>,
        %get3A_274 = arith.constant 1 : i32
        %get3A_275 = arith.index_cast %get3A_274 : i32 to index
        %get3A_276 = arith.index_cast %add3A_269 : i32 to index
        %get3A_277 = tpu.vector_load %arg10[%get3A_275, %get3A_276] {strides = array<i32>} : memref<8x2048xf32, #tpu.memory_space<vmem>>, vector<16xf32>,
        %sub3A_278 = arith.subf %get3A_273, %get3A_277 : vector<16xf32>
        %swap3A_279 = arith.constant 1 : i32
        %swap3A_280 = arith.index_cast %swap3A_279 : i32 to index
        %swap3A_281 = arith.index_cast %add3A_269 : i32 to index
        %swap3A_282 = tpu.vector_load %arg11[%swap3A_280, %swap3A_281] {strides = array<i32>} : memref<8x2048xf32, #tpu.memory_space<vmem>>, vector<16xf32>,
        tpu.vector_store %arg11[%swap3A_280, %swap3A_281], %sub3A_278 {strides = array<i32>} : memref<8x2048xf32, #tpu.memory_space<vmem>>, vector<16xf32>,
        %scan3A_283 = arith.constant 2 : i32
        %scan3A_284 = arith.addi %scan3A_249, %scan3A_283 : i32
        %mul3A_285 = arith.constant 16 : i32
        %mul3A_286 = arith.muli %scan3A_284, %mul3A_285 : i32
        %add3A_287 = arith.constant 0 : i32
        %add3A_288 = arith.addi %add3A_287, %mul3A_286 : i32
        %get3A_289 = arith.constant 1 : i32
        %get3A_290 = arith.index_cast %get3A_289 : i32 to index
        %get3A_291 = arith.index_cast %add3A_288 : i32 to index
        %get3A_292 = tpu.vector_load %arg9[%get3A_290, %get3A_291] {strides = array<i32>} : memref<8x2048xf32, #tpu.memory_space<vmem>>, vector<16xf32>,
        %get3A_293 = arith.constant 1 : i32
        %get3A_294 = arith.index_cast %get3A_293 : i32 to index
        %get3A_295 = arith.index_cast %add3A_288 : i32 to index
        %get3A_296 = tpu.vector_load %arg10[%get3A_294, %get3A_295] {strides = array<i32>} : memref<8x2048xf32, #tpu.memory_space<vmem>>, vector<16xf32>,
        %sub3A_297 = arith.subf %get3A_292, %get3A_296 : vector<16xf32>
        %swap3A_298 = arith.constant 1 : i32
        %swap3A_299 = arith.index_cast %swap3A_298 : i32 to index
        %swap3A_300 = arith.index_cast %add3A_288 : i32 to index
        %swap3A_301 = tpu.vector_load %arg11[%swap3A_299, %swap3A_300] {strides = array<i32>} : memref<8x2048xf32, #tpu.memory_space<vmem>>, vector<16xf32>,
        tpu.vector_store %arg11[%swap3A_299, %swap3A_300], %sub3A_297 {strides = array<i32>} : memref<8x2048xf32, #tpu.memory_space<vmem>>, vector<16xf32>,
        %scan3A_302 = arith.constant 3 : i32
        %scan3A_303 = arith.addi %scan3A_249, %scan3A_302 : i32
        %mul3A_304 = arith.constant 16 : i32
        %mul3A_305 = arith.muli %scan3A_303, %mul3A_304 : i32
        %add3A_306 = arith.constant 0 : i32
        %add3A_307 = arith.addi %add3A_306, %mul3A_305 : i32
        %get3A_308 = arith.constant 1 : i32
        %get3A_309 = arith.index_cast %get3A_308 : i32 to index
        %get3A_310 = arith.index_cast %add3A_307 : i32 to index
        %get3A_311 = tpu.vector_load %arg9[%get3A_309, %get3A_310] {strides = array<i32>} : memref<8x2048xf32, #tpu.memory_space<vmem>>, vector<16xf32>,
        %get3A_312 = arith.constant 1 : i32
        %get3A_313 = arith.index_cast %get3A_312 : i32 to index
        %get3A_314 = arith.index_cast %add3A_307 : i32 to index
        %get3A_315 = tpu.vector_load %arg10[%get3A_313, %get3A_314] {strides = array<i32>} : memref<8x2048xf32, #tpu.memory_space<vmem>>, vector<16xf32>,
        %sub3A_316 = arith.subf %get3A_311, %get3A_315 : vector<16xf32>
        %swap3A_317 = arith.constant 1 : i32
        %swap3A_318 = arith.index_cast %swap3A_317 : i32 to index
        %swap3A_319 = arith.index_cast %add3A_307 : i32 to index
        %swap3A_320 = tpu.vector_load %arg11[%swap3A_318, %swap3A_319] {strides = array<i32>} : memref<8x2048xf32, #tpu.memory_space<vmem>>, vector<16xf32>,
        tpu.vector_store %arg11[%swap3A_318, %swap3A_319], %sub3A_316 {strides = array<i32>} : memref<8x2048xf32, #tpu.memory_space<vmem>>, vector<16xf32>,
      }
      %scan3A_204 = arith.constant 128 : i32
      %scan3A_205 = arith.constant 0 : i32
      %scan3A_206 = arith.constant 128 : i32
      %scan3A_207 = arith.addi %scan3A_205, %scan3A_206 : i32
      %scan3A_208 = arith.constant 4 : i32
      scf.for %scan3A_249 = %scan3A_205 to %scan3A_207 step %scan3A_208  : i32 {
        %mul3A_250 = arith.constant 16 : i32
        %mul3A_251 = arith.muli %scan3A_249, %mul3A_250 : i32
        %add3A_252 = arith.constant 0 : i32
        %add3A_253 = arith.addi %add3A_252, %mul3A_251 : i32
        %get3A = arith.constant 2 : i32
        %get3A_254 = arith.index_cast %get3A : i32 to index
        %get3A_255 = arith.index_cast %add3A_253 : i32 to index
        %get3A_256 = tpu.vector_load %arg9[%get3A_254, %get3A_255] {strides = array<i32>} : memref<8x2048xf32, #tpu.memory_space<vmem>>, vector<16xf32>,
        %get3A_257 = arith.constant 2 : i32
        %get3A_258 = arith.index_cast %get3A_257 : i32 to index
        %get3A_259 = arith.index_cast %add3A_253 : i32 to index
        %get3A_260 = tpu.vector_load %arg10[%get3A_258, %get3A_259] {strides = array<i32>} : memref<8x2048xf32, #tpu.memory_space<vmem>>, vector<16xf32>,
        %sub3A = arith.subf %get3A_256, %get3A_260 : vector<16xf32>
        %swap3A = arith.constant 2 : i32
        %swap3A_261 = arith.index_cast %swap3A : i32 to index
        %swap3A_262 = arith.index_cast %add3A_253 : i32 to index
        %swap3A_263 = tpu.vector_load %arg11[%swap3A_261, %swap3A_262] {strides = array<i32>} : memref<8x2048xf32, #tpu.memory_space<vmem>>, vector<16xf32>,
        tpu.vector_store %arg11[%swap3A_261, %swap3A_262], %sub3A {strides = array<i32>} : memref<8x2048xf32, #tpu.memory_space<vmem>>, vector<16xf32>,
        %scan3A_264 = arith.constant 1 : i32
        %scan3A_265 = arith.addi %scan3A_249, %scan3A_264 : i32
        %mul3A_266 = arith.constant 16 : i32
        %mul3A_267 = arith.muli %scan3A_265, %mul3A_266 : i32
        %add3A_268 = arith.constant 0 : i32
        %add3A_269 = arith.addi %add3A_268, %mul3A_267 : i32
        %get3A_270 = arith.constant 2 : i32
        %get3A_271 = arith.index_cast %get3A_270 : i32 to index
        %get3A_272 = arith.index_cast %add3A_269 : i32 to index
        %get3A_273 = tpu.vector_load %arg9[%get3A_271, %get3A_272] {strides = array<i32>} : memref<8x2048xf32, #tpu.memory_space<vmem>>, vector<16xf32>,
        %get3A_274 = arith.constant 2 : i32
        %get3A_275 = arith.index_cast %get3A_274 : i32 to index
        %get3A_276 = arith.index_cast %add3A_269 : i32 to index
        %get3A_277 = tpu.vector_load %arg10[%get3A_275, %get3A_276] {strides = array<i32>} : memref<8x2048xf32, #tpu.memory_space<vmem>>, vector<16xf32>,
        %sub3A_278 = arith.subf %get3A_273, %get3A_277 : vector<16xf32>
        %swap3A_279 = arith.constant 2 : i32
        %swap3A_280 = arith.index_cast %swap3A_279 : i32 to index
        %swap3A_281 = arith.index_cast %add3A_269 : i32 to index
        %swap3A_282 = tpu.vector_load %arg11[%swap3A_280, %swap3A_281] {strides = array<i32>} : memref<8x2048xf32, #tpu.memory_space<vmem>>, vector<16xf32>,
        tpu.vector_store %arg11[%swap3A_280, %swap3A_281], %sub3A_278 {strides = array<i32>} : memref<8x2048xf32, #tpu.memory_space<vmem>>, vector<16xf32>,
        %scan3A_283 = arith.constant 2 : i32
        %scan3A_284 = arith.addi %scan3A_249, %scan3A_283 : i32
        %mul3A_285 = arith.constant 16 : i32
        %mul3A_286 = arith.muli %scan3A_284, %mul3A_285 : i32
        %add3A_287 = arith.constant 0 : i32
        %add3A_288 = arith.addi %add3A_287, %mul3A_286 : i32
        %get3A_289 = arith.constant 2 : i32
        %get3A_290 = arith.index_cast %get3A_289 : i32 to index
        %get3A_291 = arith.index_cast %add3A_288 : i32 to index
        %get3A_292 = tpu.vector_load %arg9[%get3A_290, %get3A_291] {strides = array<i32>} : memref<8x2048xf32, #tpu.memory_space<vmem>>, vector<16xf32>,
        %get3A_293 = arith.constant 2 : i32
        %get3A_294 = arith.index_cast %get3A_293 : i32 to index
        %get3A_295 = arith.index_cast %add3A_288 : i32 to index
        %get3A_296 = tpu.vector_load %arg10[%get3A_294, %get3A_295] {strides = array<i32>} : memref<8x2048xf32, #tpu.memory_space<vmem>>, vector<16xf32>,
        %sub3A_297 = arith.subf %get3A_292, %get3A_296 : vector<16xf32>
        %swap3A_298 = arith.constant 2 : i32
        %swap3A_299 = arith.index_cast %swap3A_298 : i32 to index
        %swap3A_300 = arith.index_cast %add3A_288 : i32 to index
        %swap3A_301 = tpu.vector_load %arg11[%swap3A_299, %swap3A_300] {strides = array<i32>} : memref<8x2048xf32, #tpu.memory_space<vmem>>, vector<16xf32>,
        tpu.vector_store %arg11[%swap3A_299, %swap3A_300], %sub3A_297 {strides = array<i32>} : memref<8x2048xf32, #tpu.memory_space<vmem>>, vector<16xf32>,
        %scan3A_302 = arith.constant 3 : i32
        %scan3A_303 = arith.addi %scan3A_249, %scan3A_302 : i32
        %mul3A_304 = arith.constant 16 : i32
        %mul3A_305 = arith.muli %scan3A_303, %mul3A_304 : i32
        %add3A_306 = arith.constant 0 : i32
        %add3A_307 = arith.addi %add3A_306, %mul3A_305 : i32
        %get3A_308 = arith.constant 2 : i32
        %get3A_309 = arith.index_cast %get3A_308 : i32 to index
        %get3A_310 = arith.index_cast %add3A_307 : i32 to index
        %get3A_311 = tpu.vector_load %arg9[%get3A_309, %get3A_310] {strides = array<i32>} : memref<8x2048xf32, #tpu.memory_space<vmem>>, vector<16xf32>,
        %get3A_312 = arith.constant 2 : i32
        %get3A_313 = arith.index_cast %get3A_312 : i32 to index
        %get3A_314 = arith.index_cast %add3A_307 : i32 to index
        %get3A_315 = tpu.vector_load %arg10[%get3A_313, %get3A_314] {strides = array<i32>} : memref<8x2048xf32, #tpu.memory_space<vmem>>, vector<16xf32>,
        %sub3A_316 = arith.subf %get3A_311, %get3A_315 : vector<16xf32>
        %swap3A_317 = arith.constant 2 : i32
        %swap3A_318 = arith.index_cast %swap3A_317 : i32 to index
        %swap3A_319 = arith.index_cast %add3A_307 : i32 to index
        %swap3A_320 = tpu.vector_load %arg11[%swap3A_318, %swap3A_319] {strides = array<i32>} : memref<8x2048xf32, #tpu.memory_space<vmem>>, vector<16xf32>,
        tpu.vector_store %arg11[%swap3A_318, %swap3A_319], %sub3A_316 {strides = array<i32>} : memref<8x2048xf32, #tpu.memory_space<vmem>>, vector<16xf32>,
      }
      %scan3A_209 = arith.constant 128 : i32
      %scan3A_210 = arith.constant 0 : i32
      %scan3A_211 = arith.constant 128 : i32
      %scan3A_212 = arith.addi %scan3A_210, %scan3A_211 : i32
      %scan3A_213 = arith.constant 4 : i32
      scf.for %scan3A_249 = %scan3A_210 to %scan3A_212 step %scan3A_213  : i32 {
        %mul3A_250 = arith.constant 16 : i32
        %mul3A_251 = arith.muli %scan3A_249, %mul3A_250 : i32
        %add3A_252 = arith.constant 0 : i32
        %add3A_253 = arith.addi %add3A_252, %mul3A_251 : i32
        %get3A = arith.constant 3 : i32
        %get3A_254 = arith.index_cast %get3A : i32 to index
        %get3A_255 = arith.index_cast %add3A_253 : i32 to index
        %get3A_256 = tpu.vector_load %arg9[%get3A_254, %get3A_255] {strides = array<i32>} : memref<8x2048xf32, #tpu.memory_space<vmem>>, vector<16xf32>,
        %get3A_257 = arith.constant 3 : i32
        %get3A_258 = arith.index_cast %get3A_257 : i32 to index
        %get3A_259 = arith.index_cast %add3A_253 : i32 to index
        %get3A_260 = tpu.vector_load %arg10[%get3A_258, %get3A_259] {strides = array<i32>} : memref<8x2048xf32, #tpu.memory_space<vmem>>, vector<16xf32>,
        %sub3A = arith.subf %get3A_256, %get3A_260 : vector<16xf32>
        %swap3A = arith.constant 3 : i32
        %swap3A_261 = arith.index_cast %swap3A : i32 to index
        %swap3A_262 = arith.index_cast %add3A_253 : i32 to index
        %swap3A_263 = tpu.vector_load %arg11[%swap3A_261, %swap3A_262] {strides = array<i32>} : memref<8x2048xf32, #tpu.memory_space<vmem>>, vector<16xf32>,
        tpu.vector_store %arg11[%swap3A_261, %swap3A_262], %sub3A {strides = array<i32>} : memref<8x2048xf32, #tpu.memory_space<vmem>>, vector<16xf32>,
        %scan3A_264 = arith.constant 1 : i32
        %scan3A_265 = arith.addi %scan3A_249, %scan3A_264 : i32
        %mul3A_266 = arith.constant 16 : i32
        %mul3A_267 = arith.muli %scan3A_265, %mul3A_266 : i32
        %add3A_268 = arith.constant 0 : i32
        %add3A_269 = arith.addi %add3A_268, %mul3A_267 : i32
        %get3A_270 = arith.constant 3 : i32
        %get3A_271 = arith.index_cast %get3A_270 : i32 to index
        %get3A_272 = arith.index_cast %add3A_269 : i32 to index
        %get3A_273 = tpu.vector_load %arg9[%get3A_271, %get3A_272] {strides = array<i32>} : memref<8x2048xf32, #tpu.memory_space<vmem>>, vector<16xf32>,
        %get3A_274 = arith.constant 3 : i32
        %get3A_275 = arith.index_cast %get3A_274 : i32 to index
        %get3A_276 = arith.index_cast %add3A_269 : i32 to index
        %get3A_277 = tpu.vector_load %arg10[%get3A_275, %get3A_276] {strides = array<i32>} : memref<8x2048xf32, #tpu.memory_space<vmem>>, vector<16xf32>,
        %sub3A_278 = arith.subf %get3A_273, %get3A_277 : vector<16xf32>
        %swap3A_279 = arith.constant 3 : i32
        %swap3A_280 = arith.index_cast %swap3A_279 : i32 to index
        %swap3A_281 = arith.index_cast %add3A_269 : i32 to index
        %swap3A_282 = tpu.vector_load %arg11[%swap3A_280, %swap3A_281] {strides = array<i32>} : memref<8x2048xf32, #tpu.memory_space<vmem>>, vector<16xf32>,
        tpu.vector_store %arg11[%swap3A_280, %swap3A_281], %sub3A_278 {strides = array<i32>} : memref<8x2048xf32, #tpu.memory_space<vmem>>, vector<16xf32>,
        %scan3A_283 = arith.constant 2 : i32
        %scan3A_284 = arith.addi %scan3A_249, %scan3A_283 : i32
        %mul3A_285 = arith.constant 16 : i32
        %mul3A_286 = arith.muli %scan3A_284, %mul3A_285 : i32
        %add3A_287 = arith.constant 0 : i32
        %add3A_288 = arith.addi %add3A_287, %mul3A_286 : i32
        %get3A_289 = arith.constant 3 : i32
        %get3A_290 = arith.index_cast %get3A_289 : i32 to index
        %get3A_291 = arith.index_cast %add3A_288 : i32 to index
        %get3A_292 = tpu.vector_load %arg9[%get3A_290, %get3A_291] {strides = array<i32>} : memref<8x2048xf32, #tpu.memory_space<vmem>>, vector<16xf32>,
        %get3A_293 = arith.constant 3 : i32
        %get3A_294 = arith.index_cast %get3A_293 : i32 to index
        %get3A_295 = arith.index_cast %add3A_288 : i32 to index
        %get3A_296 = tpu.vector_load %arg10[%get3A_294, %get3A_295] {strides = array<i32>} : memref<8x2048xf32, #tpu.memory_space<vmem>>, vector<16xf32>,
        %sub3A_297 = arith.subf %get3A_292, %get3A_296 : vector<16xf32>
        %swap3A_298 = arith.constant 3 : i32
        %swap3A_299 = arith.index_cast %swap3A_298 : i32 to index
        %swap3A_300 = arith.index_cast %add3A_288 : i32 to index
        %swap3A_301 = tpu.vector_load %arg11[%swap3A_299, %swap3A_300] {strides = array<i32>} : memref<8x2048xf32, #tpu.memory_space<vmem>>, vector<16xf32>,
        tpu.vector_store %arg11[%swap3A_299, %swap3A_300], %sub3A_297 {strides = array<i32>} : memref<8x2048xf32, #tpu.memory_space<vmem>>, vector<16xf32>,
        %scan3A_302 = arith.constant 3 : i32
        %scan3A_303 = arith.addi %scan3A_249, %scan3A_302 : i32
        %mul3A_304 = arith.constant 16 : i32
        %mul3A_305 = arith.muli %scan3A_303, %mul3A_304 : i32
        %add3A_306 = arith.constant 0 : i32
        %add3A_307 = arith.addi %add3A_306, %mul3A_305 : i32
        %get3A_308 = arith.constant 3 : i32
        %get3A_309 = arith.index_cast %get3A_308 : i32 to index
        %get3A_310 = arith.index_cast %add3A_307 : i32 to index
        %get3A_311 = tpu.vector_load %arg9[%get3A_309, %get3A_310] {strides = array<i32>} : memref<8x2048xf32, #tpu.memory_space<vmem>>, vector<16xf32>,
        %get3A_312 = arith.constant 3 : i32
        %get3A_313 = arith.index_cast %get3A_312 : i32 to index
        %get3A_314 = arith.index_cast %add3A_307 : i32 to index
        %get3A_315 = tpu.vector_load %arg10[%get3A_313, %get3A_314] {strides = array<i32>} : memref<8x2048xf32, #tpu.memory_space<vmem>>, vector<16xf32>,
        %sub3A_316 = arith.subf %get3A_311, %get3A_315 : vector<16xf32>
        %swap3A_317 = arith.constant 3 : i32
        %swap3A_318 = arith.index_cast %swap3A_317 : i32 to index
        %swap3A_319 = arith.index_cast %add3A_307 : i32 to index
        %swap3A_320 = tpu.vector_load %arg11[%swap3A_318, %swap3A_319] {strides = array<i32>} : memref<8x2048xf32, #tpu.memory_space<vmem>>, vector<16xf32>,
        tpu.vector_store %arg11[%swap3A_318, %swap3A_319], %sub3A_316 {strides = array<i32>} : memref<8x2048xf32, #tpu.memory_space<vmem>>, vector<16xf32>,
      }
      %scan3A_214 = arith.constant 128 : i32
      %scan3A_215 = arith.constant 0 : i32
      %scan3A_216 = arith.constant 128 : i32
      %scan3A_217 = arith.addi %scan3A_215, %scan3A_216 : i32
      %scan3A_218 = arith.constant 4 : i32
      scf.for %scan3A_249 = %scan3A_215 to %scan3A_217 step %scan3A_218  : i32 {
        %mul3A_250 = arith.constant 16 : i32
        %mul3A_251 = arith.muli %scan3A_249, %mul3A_250 : i32
        %add3A_252 = arith.constant 0 : i32
        %add3A_253 = arith.addi %add3A_252, %mul3A_251 : i32
        %get3A = arith.constant 4 : i32
        %get3A_254 = arith.index_cast %get3A : i32 to index
        %get3A_255 = arith.index_cast %add3A_253 : i32 to index
        %get3A_256 = tpu.vector_load %arg9[%get3A_254, %get3A_255] {strides = array<i32>} : memref<8x2048xf32, #tpu.memory_space<vmem>>, vector<16xf32>,
        %get3A_257 = arith.constant 4 : i32
        %get3A_258 = arith.index_cast %get3A_257 : i32 to index
        %get3A_259 = arith.index_cast %add3A_253 : i32 to index
        %get3A_260 = tpu.vector_load %arg10[%get3A_258, %get3A_259] {strides = array<i32>} : memref<8x2048xf32, #tpu.memory_space<vmem>>, vector<16xf32>,
        %sub3A = arith.subf %get3A_256, %get3A_260 : vector<16xf32>
        %swap3A = arith.constant 4 : i32
        %swap3A_261 = arith.index_cast %swap3A : i32 to index
        %swap3A_262 = arith.index_cast %add3A_253 : i32 to index
        %swap3A_263 = tpu.vector_load %arg11[%swap3A_261, %swap3A_262] {strides = array<i32>} : memref<8x2048xf32, #tpu.memory_space<vmem>>, vector<16xf32>,
        tpu.vector_store %arg11[%swap3A_261, %swap3A_262], %sub3A {strides = array<i32>} : memref<8x2048xf32, #tpu.memory_space<vmem>>, vector<16xf32>,
        %scan3A_264 = arith.constant 1 : i32
        %scan3A_265 = arith.addi %scan3A_249, %scan3A_264 : i32
        %mul3A_266 = arith.constant 16 : i32
        %mul3A_267 = arith.muli %scan3A_265, %mul3A_266 : i32
        %add3A_268 = arith.constant 0 : i32
        %add3A_269 = arith.addi %add3A_268, %mul3A_267 : i32
        %get3A_270 = arith.constant 4 : i32
        %get3A_271 = arith.index_cast %get3A_270 : i32 to index
        %get3A_272 = arith.index_cast %add3A_269 : i32 to index
        %get3A_273 = tpu.vector_load %arg9[%get3A_271, %get3A_272] {strides = array<i32>} : memref<8x2048xf32, #tpu.memory_space<vmem>>, vector<16xf32>,
        %get3A_274 = arith.constant 4 : i32
        %get3A_275 = arith.index_cast %get3A_274 : i32 to index
        %get3A_276 = arith.index_cast %add3A_269 : i32 to index
        %get3A_277 = tpu.vector_load %arg10[%get3A_275, %get3A_276] {strides = array<i32>} : memref<8x2048xf32, #tpu.memory_space<vmem>>, vector<16xf32>,
        %sub3A_278 = arith.subf %get3A_273, %get3A_277 : vector<16xf32>
        %swap3A_279 = arith.constant 4 : i32
        %swap3A_280 = arith.index_cast %swap3A_279 : i32 to index
        %swap3A_281 = arith.index_cast %add3A_269 : i32 to index
        %swap3A_282 = tpu.vector_load %arg11[%swap3A_280, %swap3A_281] {strides = array<i32>} : memref<8x2048xf32, #tpu.memory_space<vmem>>, vector<16xf32>,
        tpu.vector_store %arg11[%swap3A_280, %swap3A_281], %sub3A_278 {strides = array<i32>} : memref<8x2048xf32, #tpu.memory_space<vmem>>, vector<16xf32>,
        %scan3A_283 = arith.constant 2 : i32
        %scan3A_284 = arith.addi %scan3A_249, %scan3A_283 : i32
        %mul3A_285 = arith.constant 16 : i32
        %mul3A_286 = arith.muli %scan3A_284, %mul3A_285 : i32
        %add3A_287 = arith.constant 0 : i32
        %add3A_288 = arith.addi %add3A_287, %mul3A_286 : i32
        %get3A_289 = arith.constant 4 : i32
        %get3A_290 = arith.index_cast %get3A_289 : i32 to index
        %get3A_291 = arith.index_cast %add3A_288 : i32 to index
        %get3A_292 = tpu.vector_load %arg9[%get3A_290, %get3A_291] {strides = array<i32>} : memref<8x2048xf32, #tpu.memory_space<vmem>>, vector<16xf32>,
        %get3A_293 = arith.constant 4 : i32
        %get3A_294 = arith.index_cast %get3A_293 : i32 to index
        %get3A_295 = arith.index_cast %add3A_288 : i32 to index
        %get3A_296 = tpu.vector_load %arg10[%get3A_294, %get3A_295] {strides = array<i32>} : memref<8x2048xf32, #tpu.memory_space<vmem>>, vector<16xf32>,
        %sub3A_297 = arith.subf %get3A_292, %get3A_296 : vector<16xf32>
        %swap3A_298 = arith.constant 4 : i32
        %swap3A_299 = arith.index_cast %swap3A_298 : i32 to index
        %swap3A_300 = arith.index_cast %add3A_288 : i32 to index
        %swap3A_301 = tpu.vector_load %arg11[%swap3A_299, %swap3A_300] {strides = array<i32>} : memref<8x2048xf32, #tpu.memory_space<vmem>>, vector<16xf32>,
        tpu.vector_store %arg11[%swap3A_299, %swap3A_300], %sub3A_297 {strides = array<i32>} : memref<8x2048xf32, #tpu.memory_space<vmem>>, vector<16xf32>,
        %scan3A_302 = arith.constant 3 : i32
        %scan3A_303 = arith.addi %scan3A_249, %scan3A_302 : i32
        %mul3A_304 = arith.constant 16 : i32
        %mul3A_305 = arith.muli %scan3A_303, %mul3A_304 : i32
        %add3A_306 = arith.constant 0 : i32
        %add3A_307 = arith.addi %add3A_306, %mul3A_305 : i32
        %get3A_308 = arith.constant 4 : i32
        %get3A_309 = arith.index_cast %get3A_308 : i32 to index
        %get3A_310 = arith.index_cast %add3A_307 : i32 to index
        %get3A_311 = tpu.vector_load %arg9[%get3A_309, %get3A_310] {strides = array<i32>} : memref<8x2048xf32, #tpu.memory_space<vmem>>, vector<16xf32>,
        %get3A_312 = arith.constant 4 : i32
        %get3A_313 = arith.index_cast %get3A_312 : i32 to index
        %get3A_314 = arith.index_cast %add3A_307 : i32 to index
        %get3A_315 = tpu.vector_load %arg10[%get3A_313, %get3A_314] {strides = array<i32>} : memref<8x2048xf32, #tpu.memory_space<vmem>>, vector<16xf32>,
        %sub3A_316 = arith.subf %get3A_311, %get3A_315 : vector<16xf32>
        %swap3A_317 = arith.constant 4 : i32
        %swap3A_318 = arith.index_cast %swap3A_317 : i32 to index
        %swap3A_319 = arith.index_cast %add3A_307 : i32 to index
        %swap3A_320 = tpu.vector_load %arg11[%swap3A_318, %swap3A_319] {strides = array<i32>} : memref<8x2048xf32, #tpu.memory_space<vmem>>, vector<16xf32>,
        tpu.vector_store %arg11[%swap3A_318, %swap3A_319], %sub3A_316 {strides = array<i32>} : memref<8x2048xf32, #tpu.memory_space<vmem>>, vector<16xf32>,
      }
      %scan3A_219 = arith.constant 128 : i32
      %scan3A_220 = arith.constant 0 : i32
      %scan3A_221 = arith.constant 128 : i32
      %scan3A_222 = arith.addi %scan3A_220, %scan3A_221 : i32
      %scan3A_223 = arith.constant 4 : i32
      scf.for %scan3A_249 = %scan3A_220 to %scan3A_222 step %scan3A_223  : i32 {
        %mul3A_250 = arith.constant 16 : i32
        %mul3A_251 = arith.muli %scan3A_249, %mul3A_250 : i32
        %add3A_252 = arith.constant 0 : i32
        %add3A_253 = arith.addi %add3A_252, %mul3A_251 : i32
        %get3A = arith.constant 5 : i32
        %get3A_254 = arith.index_cast %get3A : i32 to index
        %get3A_255 = arith.index_cast %add3A_253 : i32 to index
        %get3A_256 = tpu.vector_load %arg9[%get3A_254, %get3A_255] {strides = array<i32>} : memref<8x2048xf32, #tpu.memory_space<vmem>>, vector<16xf32>,
        %get3A_257 = arith.constant 5 : i32
        %get3A_258 = arith.index_cast %get3A_257 : i32 to index
        %get3A_259 = arith.index_cast %add3A_253 : i32 to index
        %get3A_260 = tpu.vector_load %arg10[%get3A_258, %get3A_259] {strides = array<i32>} : memref<8x2048xf32, #tpu.memory_space<vmem>>, vector<16xf32>,
        %sub3A = arith.subf %get3A_256, %get3A_260 : vector<16xf32>
        %swap3A = arith.constant 5 : i32
        %swap3A_261 = arith.index_cast %swap3A : i32 to index
        %swap3A_262 = arith.index_cast %add3A_253 : i32 to index
        %swap3A_263 = tpu.vector_load %arg11[%swap3A_261, %swap3A_262] {strides = array<i32>} : memref<8x2048xf32, #tpu.memory_space<vmem>>, vector<16xf32>,
        tpu.vector_store %arg11[%swap3A_261, %swap3A_262], %sub3A {strides = array<i32>} : memref<8x2048xf32, #tpu.memory_space<vmem>>, vector<16xf32>,
        %scan3A_264 = arith.constant 1 : i32
        %scan3A_265 = arith.addi %scan3A_249, %scan3A_264 : i32
        %mul3A_266 = arith.constant 16 : i32
        %mul3A_267 = arith.muli %scan3A_265, %mul3A_266 : i32
        %add3A_268 = arith.constant 0 : i32
        %add3A_269 = arith.addi %add3A_268, %mul3A_267 : i32
        %get3A_270 = arith.constant 5 : i32
        %get3A_271 = arith.index_cast %get3A_270 : i32 to index
        %get3A_272 = arith.index_cast %add3A_269 : i32 to index
        %get3A_273 = tpu.vector_load %arg9[%get3A_271, %get3A_272] {strides = array<i32>} : memref<8x2048xf32, #tpu.memory_space<vmem>>, vector<16xf32>,
        %get3A_274 = arith.constant 5 : i32
        %get3A_275 = arith.index_cast %get3A_274 : i32 to index
        %get3A_276 = arith.index_cast %add3A_269 : i32 to index
        %get3A_277 = tpu.vector_load %arg10[%get3A_275, %get3A_276] {strides = array<i32>} : memref<8x2048xf32, #tpu.memory_space<vmem>>, vector<16xf32>,
        %sub3A_278 = arith.subf %get3A_273, %get3A_277 : vector<16xf32>
        %swap3A_279 = arith.constant 5 : i32
        %swap3A_280 = arith.index_cast %swap3A_279 : i32 to index
        %swap3A_281 = arith.index_cast %add3A_269 : i32 to index
        %swap3A_282 = tpu.vector_load %arg11[%swap3A_280, %swap3A_281] {strides = array<i32>} : memref<8x2048xf32, #tpu.memory_space<vmem>>, vector<16xf32>,
        tpu.vector_store %arg11[%swap3A_280, %swap3A_281], %sub3A_278 {strides = array<i32>} : memref<8x2048xf32, #tpu.memory_space<vmem>>, vector<16xf32>,
        %scan3A_283 = arith.constant 2 : i32
        %scan3A_284 = arith.addi %scan3A_249, %scan3A_283 : i32
        %mul3A_285 = arith.constant 16 : i32
        %mul3A_286 = arith.muli %scan3A_284, %mul3A_285 : i32
        %add3A_287 = arith.constant 0 : i32
        %add3A_288 = arith.addi %add3A_287, %mul3A_286 : i32
        %get3A_289 = arith.constant 5 : i32
        %get3A_290 = arith.index_cast %get3A_289 : i32 to index
        %get3A_291 = arith.index_cast %add3A_288 : i32 to index
        %get3A_292 = tpu.vector_load %arg9[%get3A_290, %get3A_291] {strides = array<i32>} : memref<8x2048xf32, #tpu.memory_space<vmem>>, vector<16xf32>,
        %get3A_293 = arith.constant 5 : i32
        %get3A_294 = arith.index_cast %get3A_293 : i32 to index
        %get3A_295 = arith.index_cast %add3A_288 : i32 to index
        %get3A_296 = tpu.vector_load %arg10[%get3A_294, %get3A_295] {strides = array<i32>} : memref<8x2048xf32, #tpu.memory_space<vmem>>, vector<16xf32>,
        %sub3A_297 = arith.subf %get3A_292, %get3A_296 : vector<16xf32>
        %swap3A_298 = arith.constant 5 : i32
        %swap3A_299 = arith.index_cast %swap3A_298 : i32 to index
        %swap3A_300 = arith.index_cast %add3A_288 : i32 to index
        %swap3A_301 = tpu.vector_load %arg11[%swap3A_299, %swap3A_300] {strides = array<i32>} : memref<8x2048xf32, #tpu.memory_space<vmem>>, vector<16xf32>,
        tpu.vector_store %arg11[%swap3A_299, %swap3A_300], %sub3A_297 {strides = array<i32>} : memref<8x2048xf32, #tpu.memory_space<vmem>>, vector<16xf32>,
        %scan3A_302 = arith.constant 3 : i32
        %scan3A_303 = arith.addi %scan3A_249, %scan3A_302 : i32
        %mul3A_304 = arith.constant 16 : i32
        %mul3A_305 = arith.muli %scan3A_303, %mul3A_304 : i32
        %add3A_306 = arith.constant 0 : i32
        %add3A_307 = arith.addi %add3A_306, %mul3A_305 : i32
        %get3A_308 = arith.constant 5 : i32
        %get3A_309 = arith.index_cast %get3A_308 : i32 to index
        %get3A_310 = arith.index_cast %add3A_307 : i32 to index
        %get3A_311 = tpu.vector_load %arg9[%get3A_309, %get3A_310] {strides = array<i32>} : memref<8x2048xf32, #tpu.memory_space<vmem>>, vector<16xf32>,
        %get3A_312 = arith.constant 5 : i32
        %get3A_313 = arith.index_cast %get3A_312 : i32 to index
        %get3A_314 = arith.index_cast %add3A_307 : i32 to index
        %get3A_315 = tpu.vector_load %arg10[%get3A_313, %get3A_314] {strides = array<i32>} : memref<8x2048xf32, #tpu.memory_space<vmem>>, vector<16xf32>,
        %sub3A_316 = arith.subf %get3A_311, %get3A_315 : vector<16xf32>
        %swap3A_317 = arith.constant 5 : i32
        %swap3A_318 = arith.index_cast %swap3A_317 : i32 to index
        %swap3A_319 = arith.index_cast %add3A_307 : i32 to index
        %swap3A_320 = tpu.vector_load %arg11[%swap3A_318, %swap3A_319] {strides = array<i32>} : memref<8x2048xf32, #tpu.memory_space<vmem>>, vector<16xf32>,
        tpu.vector_store %arg11[%swap3A_318, %swap3A_319], %sub3A_316 {strides = array<i32>} : memref<8x2048xf32, #tpu.memory_space<vmem>>, vector<16xf32>,
      }
      %scan3A_224 = arith.constant 128 : i32
      %scan3A_225 = arith.constant 0 : i32
      %scan3A_226 = arith.constant 128 : i32
      %scan3A_227 = arith.addi %scan3A_225, %scan3A_226 : i32
      %scan3A_228 = arith.constant 4 : i32
      scf.for %scan3A_249 = %scan3A_225 to %scan3A_227 step %scan3A_228  : i32 {
        %mul3A_250 = arith.constant 16 : i32
        %mul3A_251 = arith.muli %scan3A_249, %mul3A_250 : i32
        %add3A_252 = arith.constant 0 : i32
        %add3A_253 = arith.addi %add3A_252, %mul3A_251 : i32
        %get3A = arith.constant 6 : i32
        %get3A_254 = arith.index_cast %get3A : i32 to index
        %get3A_255 = arith.index_cast %add3A_253 : i32 to index
        %get3A_256 = tpu.vector_load %arg9[%get3A_254, %get3A_255] {strides = array<i32>} : memref<8x2048xf32, #tpu.memory_space<vmem>>, vector<16xf32>,
        %get3A_257 = arith.constant 6 : i32
        %get3A_258 = arith.index_cast %get3A_257 : i32 to index
        %get3A_259 = arith.index_cast %add3A_253 : i32 to index
        %get3A_260 = tpu.vector_load %arg10[%get3A_258, %get3A_259] {strides = array<i32>} : memref<8x2048xf32, #tpu.memory_space<vmem>>, vector<16xf32>,
        %sub3A = arith.subf %get3A_256, %get3A_260 : vector<16xf32>
        %swap3A = arith.constant 6 : i32
        %swap3A_261 = arith.index_cast %swap3A : i32 to index
        %swap3A_262 = arith.index_cast %add3A_253 : i32 to index
        %swap3A_263 = tpu.vector_load %arg11[%swap3A_261, %swap3A_262] {strides = array<i32>} : memref<8x2048xf32, #tpu.memory_space<vmem>>, vector<16xf32>,
        tpu.vector_store %arg11[%swap3A_261, %swap3A_262], %sub3A {strides = array<i32>} : memref<8x2048xf32, #tpu.memory_space<vmem>>, vector<16xf32>,
        %scan3A_264 = arith.constant 1 : i32
        %scan3A_265 = arith.addi %scan3A_249, %scan3A_264 : i32
        %mul3A_266 = arith.constant 16 : i32
        %mul3A_267 = arith.muli %scan3A_265, %mul3A_266 : i32
        %add3A_268 = arith.constant 0 : i32
        %add3A_269 = arith.addi %add3A_268, %mul3A_267 : i32
        %get3A_270 = arith.constant 6 : i32
        %get3A_271 = arith.index_cast %get3A_270 : i32 to index
        %get3A_272 = arith.index_cast %add3A_269 : i32 to index
        %get3A_273 = tpu.vector_load %arg9[%get3A_271, %get3A_272] {strides = array<i32>} : memref<8x2048xf32, #tpu.memory_space<vmem>>, vector<16xf32>,
        %get3A_274 = arith.constant 6 : i32
        %get3A_275 = arith.index_cast %get3A_274 : i32 to index
        %get3A_276 = arith.index_cast %add3A_269 : i32 to index
        %get3A_277 = tpu.vector_load %arg10[%get3A_275, %get3A_276] {strides = array<i32>} : memref<8x2048xf32, #tpu.memory_space<vmem>>, vector<16xf32>,
        %sub3A_278 = arith.subf %get3A_273, %get3A_277 : vector<16xf32>
        %swap3A_279 = arith.constant 6 : i32
        %swap3A_280 = arith.index_cast %swap3A_279 : i32 to index
        %swap3A_281 = arith.index_cast %add3A_269 : i32 to index
        %swap3A_282 = tpu.vector_load %arg11[%swap3A_280, %swap3A_281] {strides = array<i32>} : memref<8x2048xf32, #tpu.memory_space<vmem>>, vector<16xf32>,
        tpu.vector_store %arg11[%swap3A_280, %swap3A_281], %sub3A_278 {strides = array<i32>} : memref<8x2048xf32, #tpu.memory_space<vmem>>, vector<16xf32>,
        %scan3A_283 = arith.constant 2 : i32
        %scan3A_284 = arith.addi %scan3A_249, %scan3A_283 : i32
        %mul3A_285 = arith.constant 16 : i32
        %mul3A_286 = arith.muli %scan3A_284, %mul3A_285 : i32
        %add3A_287 = arith.constant 0 : i32
        %add3A_288 = arith.addi %add3A_287, %mul3A_286 : i32
        %get3A_289 = arith.constant 6 : i32
        %get3A_290 = arith.index_cast %get3A_289 : i32 to index
        %get3A_291 = arith.index_cast %add3A_288 : i32 to index
        %get3A_292 = tpu.vector_load %arg9[%get3A_290, %get3A_291] {strides = array<i32>} : memref<8x2048xf32, #tpu.memory_space<vmem>>, vector<16xf32>,
        %get3A_293 = arith.constant 6 : i32
        %get3A_294 = arith.index_cast %get3A_293 : i32 to index
        %get3A_295 = arith.index_cast %add3A_288 : i32 to index
        %get3A_296 = tpu.vector_load %arg10[%get3A_294, %get3A_295] {strides = array<i32>} : memref<8x2048xf32, #tpu.memory_space<vmem>>, vector<16xf32>,
        %sub3A_297 = arith.subf %get3A_292, %get3A_296 : vector<16xf32>
        %swap3A_298 = arith.constant 6 : i32
        %swap3A_299 = arith.index_cast %swap3A_298 : i32 to index
        %swap3A_300 = arith.index_cast %add3A_288 : i32 to index
        %swap3A_301 = tpu.vector_load %arg11[%swap3A_299, %swap3A_300] {strides = array<i32>} : memref<8x2048xf32, #tpu.memory_space<vmem>>, vector<16xf32>,
        tpu.vector_store %arg11[%swap3A_299, %swap3A_300], %sub3A_297 {strides = array<i32>} : memref<8x2048xf32, #tpu.memory_space<vmem>>, vector<16xf32>,
        %scan3A_302 = arith.constant 3 : i32
        %scan3A_303 = arith.addi %scan3A_249, %scan3A_302 : i32
        %mul3A_304 = arith.constant 16 : i32
        %mul3A_305 = arith.muli %scan3A_303, %mul3A_304 : i32
        %add3A_306 = arith.constant 0 : i32
        %add3A_307 = arith.addi %add3A_306, %mul3A_305 : i32
        %get3A_308 = arith.constant 6 : i32
        %get3A_309 = arith.index_cast %get3A_308 : i32 to index
        %get3A_310 = arith.index_cast %add3A_307 : i32 to index
        %get3A_311 = tpu.vector_load %arg9[%get3A_309, %get3A_310] {strides = array<i32>} : memref<8x2048xf32, #tpu.memory_space<vmem>>, vector<16xf32>,
        %get3A_312 = arith.constant 6 : i32
        %get3A_313 = arith.index_cast %get3A_312 : i32 to index
        %get3A_314 = arith.index_cast %add3A_307 : i32 to index
        %get3A_315 = tpu.vector_load %arg10[%get3A_313, %get3A_314] {strides = array<i32>} : memref<8x2048xf32, #tpu.memory_space<vmem>>, vector<16xf32>,
        %sub3A_316 = arith.subf %get3A_311, %get3A_315 : vector<16xf32>
        %swap3A_317 = arith.constant 6 : i32
        %swap3A_318 = arith.index_cast %swap3A_317 : i32 to index
        %swap3A_319 = arith.index_cast %add3A_307 : i32 to index
        %swap3A_320 = tpu.vector_load %arg11[%swap3A_318, %swap3A_319] {strides = array<i32>} : memref<8x2048xf32, #tpu.memory_space<vmem>>, vector<16xf32>,
        tpu.vector_store %arg11[%swap3A_318, %swap3A_319], %sub3A_316 {strides = array<i32>} : memref<8x2048xf32, #tpu.memory_space<vmem>>, vector<16xf32>,
      }
      %scan3A_229 = arith.constant 128 : i32
      %scan3A_230 = arith.constant 0 : i32
      %scan3A_231 = arith.constant 128 : i32
      %scan3A_232 = arith.addi %scan3A_230, %scan3A_231 : i32
      %scan3A_233 = arith.constant 4 : i32
      scf.for %scan3A_249 = %scan3A_230 to %scan3A_232 step %scan3A_233  : i32 {
        %mul3A_250 = arith.constant 16 : i32
        %mul3A_251 = arith.muli %scan3A_249, %mul3A_250 : i32
        %add3A_252 = arith.constant 0 : i32
        %add3A_253 = arith.addi %add3A_252, %mul3A_251 : i32
        %get3A = arith.constant 7 : i32
        %get3A_254 = arith.index_cast %get3A : i32 to index
        %get3A_255 = arith.index_cast %add3A_253 : i32 to index
        %get3A_256 = tpu.vector_load %arg9[%get3A_254, %get3A_255] {strides = array<i32>} : memref<8x2048xf32, #tpu.memory_space<vmem>>, vector<16xf32>,
        %get3A_257 = arith.constant 7 : i32
        %get3A_258 = arith.index_cast %get3A_257 : i32 to index
        %get3A_259 = arith.index_cast %add3A_253 : i32 to index
        %get3A_260 = tpu.vector_load %arg10[%get3A_258, %get3A_259] {strides = array<i32>} : memref<8x2048xf32, #tpu.memory_space<vmem>>, vector<16xf32>,
        %sub3A = arith.subf %get3A_256, %get3A_260 : vector<16xf32>
        %swap3A = arith.constant 7 : i32
        %swap3A_261 = arith.index_cast %swap3A : i32 to index
        %swap3A_262 = arith.index_cast %add3A_253 : i32 to index
        %swap3A_263 = tpu.vector_load %arg11[%swap3A_261, %swap3A_262] {strides = array<i32>} : memref<8x2048xf32, #tpu.memory_space<vmem>>, vector<16xf32>,
        tpu.vector_store %arg11[%swap3A_261, %swap3A_262], %sub3A {strides = array<i32>} : memref<8x2048xf32, #tpu.memory_space<vmem>>, vector<16xf32>,
        %scan3A_264 = arith.constant 1 : i32
        %scan3A_265 = arith.addi %scan3A_249, %scan3A_264 : i32
        %mul3A_266 = arith.constant 16 : i32
        %mul3A_267 = arith.muli %scan3A_265, %mul3A_266 : i32
        %add3A_268 = arith.constant 0 : i32
        %add3A_269 = arith.addi %add3A_268, %mul3A_267 : i32
        %get3A_270 = arith.constant 7 : i32
        %get3A_271 = arith.index_cast %get3A_270 : i32 to index
        %get3A_272 = arith.index_cast %add3A_269 : i32 to index
        %get3A_273 = tpu.vector_load %arg9[%get3A_271, %get3A_272] {strides = array<i32>} : memref<8x2048xf32, #tpu.memory_space<vmem>>, vector<16xf32>,
        %get3A_274 = arith.constant 7 : i32
        %get3A_275 = arith.index_cast %get3A_274 : i32 to index
        %get3A_276 = arith.index_cast %add3A_269 : i32 to index
        %get3A_277 = tpu.vector_load %arg10[%get3A_275, %get3A_276] {strides = array<i32>} : memref<8x2048xf32, #tpu.memory_space<vmem>>, vector<16xf32>,
        %sub3A_278 = arith.subf %get3A_273, %get3A_277 : vector<16xf32>
        %swap3A_279 = arith.constant 7 : i32
        %swap3A_280 = arith.index_cast %swap3A_279 : i32 to index
        %swap3A_281 = arith.index_cast %add3A_269 : i32 to index
        %swap3A_282 = tpu.vector_load %arg11[%swap3A_280, %swap3A_281] {strides = array<i32>} : memref<8x2048xf32, #tpu.memory_space<vmem>>, vector<16xf32>,
        tpu.vector_store %arg11[%swap3A_280, %swap3A_281], %sub3A_278 {strides = array<i32>} : memref<8x2048xf32, #tpu.memory_space<vmem>>, vector<16xf32>,
        %scan3A_283 = arith.constant 2 : i32
        %scan3A_284 = arith.addi %scan3A_249, %scan3A_283 : i32
        %mul3A_285 = arith.constant 16 : i32
        %mul3A_286 = arith.muli %scan3A_284, %mul3A_285 : i32
        %add3A_287 = arith.constant 0 : i32
        %add3A_288 = arith.addi %add3A_287, %mul3A_286 : i32
        %get3A_289 = arith.constant 7 : i32
        %get3A_290 = arith.index_cast %get3A_289 : i32 to index
        %get3A_291 = arith.index_cast %add3A_288 : i32 to index
        %get3A_292 = tpu.vector_load %arg9[%get3A_290, %get3A_291] {strides = array<i32>} : memref<8x2048xf32, #tpu.memory_space<vmem>>, vector<16xf32>,
        %get3A_293 = arith.constant 7 : i32
        %get3A_294 = arith.index_cast %get3A_293 : i32 to index
        %get3A_295 = arith.index_cast %add3A_288 : i32 to index
        %get3A_296 = tpu.vector_load %arg10[%get3A_294, %get3A_295] {strides = array<i32>} : memref<8x2048xf32, #tpu.memory_space<vmem>>, vector<16xf32>,
        %sub3A_297 = arith.subf %get3A_292, %get3A_296 : vector<16xf32>
        %swap3A_298 = arith.constant 7 : i32
        %swap3A_299 = arith.index_cast %swap3A_298 : i32 to index
        %swap3A_300 = arith.index_cast %add3A_288 : i32 to index
        %swap3A_301 = tpu.vector_load %arg11[%swap3A_299, %swap3A_300] {strides = array<i32>} : memref<8x2048xf32, #tpu.memory_space<vmem>>, vector<16xf32>,
        tpu.vector_store %arg11[%swap3A_299, %swap3A_300], %sub3A_297 {strides = array<i32>} : memref<8x2048xf32, #tpu.memory_space<vmem>>, vector<16xf32>,
        %scan3A_302 = arith.constant 3 : i32
        %scan3A_303 = arith.addi %scan3A_249, %scan3A_302 : i32
        %mul3A_304 = arith.constant 16 : i32
        %mul3A_305 = arith.muli %scan3A_303, %mul3A_304 : i32
        %add3A_306 = arith.constant 0 : i32
        %add3A_307 = arith.addi %add3A_306, %mul3A_305 : i32
        %get3A_308 = arith.constant 7 : i32
        %get3A_309 = arith.index_cast %get3A_308 : i32 to index
        %get3A_310 = arith.index_cast %add3A_307 : i32 to index
        %get3A_311 = tpu.vector_load %arg9[%get3A_309, %get3A_310] {strides = array<i32>} : memref<8x2048xf32, #tpu.memory_space<vmem>>, vector<16xf32>,
        %get3A_312 = arith.constant 7 : i32
        %get3A_313 = arith.index_cast %get3A_312 : i32 to index
        %get3A_314 = arith.index_cast %add3A_307 : i32 to index
        %get3A_315 = tpu.vector_load %arg10[%get3A_313, %get3A_314] {strides = array<i32>} : memref<8x2048xf32, #tpu.memory_space<vmem>>, vector<16xf32>,
        %sub3A_316 = arith.subf %get3A_311, %get3A_315 : vector<16xf32>
        %swap3A_317 = arith.constant 7 : i32
        %swap3A_318 = arith.index_cast %swap3A_317 : i32 to index
        %swap3A_319 = arith.index_cast %add3A_307 : i32 to index
        %swap3A_320 = tpu.vector_load %arg11[%swap3A_318, %swap3A_319] {strides = array<i32>} : memref<8x2048xf32, #tpu.memory_space<vmem>>, vector<16xf32>,
        tpu.vector_store %arg11[%swap3A_318, %swap3A_319], %sub3A_316 {strides = array<i32>} : memref<8x2048xf32, #tpu.memory_space<vmem>>, vector<16xf32>,
      }
      %scan3A_234 = arith.constant 128 : i32
      %mul3A_235 = arith.constant 8 : i32
      %mul3A_236 = arith.muli %add3A_176, %mul3A_235 : i32
      %add3A_237 = arith.addi %mul3A_2, %mul3A_236 : i32
      %dma_start3A_238 = arith.constant 0 : i32
      %dma_start3A_239 = tpu.memref_slice %arg4[%add3A_237, %dma_start3A_238] : memref<9984x2048xf32, #tpu.memory_space<hbm>> -> memref<8x2048xf32, #tpu.memory_space<hbm>>
      %dma_start3A_240 = arith.constant 0 : i32
      %dma_start3A_241 = tpu.memref_slice %arg4[%add3A_237, %dma_start3A_240] : memref<9984x2048xf32, #tpu.memory_space<hbm>> -> memref<8x2048xf32, #tpu.memory_space<hbm>>
      tpu.enqueue_dma source(%arg11 : memref<8x2048xf32, #tpu.memory_space<vmem>>) target(%dma_start3A_241 : memref<8x2048xf32, #tpu.memory_space<hbm>>) target_semaphore(%arg17 : memref<!tpu.dma_semaphore, #tpu.memory_space<semaphore_mem>>)
      %add3A_242 = arith.constant 2 : i32
      %add3A_243 = arith.addi %add3A_176, %add3A_242 : i32
      %lt3A_244 = arith.constant 39 : i32
      %lt3A_245 = arith.cmpi slt, %add3A_243, %lt3A_244 : i32
      %convert_element_type3A_246 = arith.extui %lt3A_245 : i1 to i32
      %cond3A_247 = arith.constant 0 : i32
      %cond3A_248 = arith.cmpi ne, %convert_element_type3A_246, %cond3A_247 : i32
      scf.if %cond3A_248 {
        %add3A_249 = arith.constant 2 : i32
        %add3A_250 = arith.addi %add3A_176, %add3A_249 : i32
        %mul3A_251 = arith.constant 8 : i32
        %mul3A_252 = arith.muli %add3A_250, %mul3A_251 : i32
        %add3A_253 = arith.addi %mul3A_2, %mul3A_252 : i32
        %mul3A_254 = arith.constant 8 : i32
        %mul3A_255 = arith.muli %add3A_250, %mul3A_254 : i32
        %dma_start3A_256 = arith.constant 0 : i32
        %dma_start3A_257 = tpu.memref_slice %arg3[%add3A_253, %dma_start3A_256] : memref<9984x2048xf32, #tpu.memory_space<hbm>> -> memref<8x2048xf32, #tpu.memory_space<hbm>>
        %dma_start3A_258 = arith.constant 0 : i32
        %dma_start3A_259 = tpu.memref_slice %arg3[%add3A_253, %dma_start3A_258] : memref<9984x2048xf32, #tpu.memory_space<hbm>> -> memref<8x2048xf32, #tpu.memory_space<hbm>>
        tpu.enqueue_dma source(%dma_start3A_259 : memref<8x2048xf32, #tpu.memory_space<hbm>>) target(%arg9 : memref<8x2048xf32, #tpu.memory_space<vmem>>) target_semaphore(%arg15 : memref<!tpu.dma_semaphore, #tpu.memory_space<semaphore_mem>>)
        %dma_start3A_260 = tpu.memref_slice %arg5[%mul3A_255] : memref<312xi32, #tpu.memory_space<vmem>> -> memref<8xi32, #tpu.memory_space<vmem>>
        %dma_start3A_261 = arith.constant 0 : i32
        %dma_start3A_262 = arith.constant 0 : i32
        %dma_start3A_263 = tpu.memref_slice %arg3[%dma_start3A_261, %dma_start3A_262] : memref<9984x2048xf32, #tpu.memory_space<hbm>> -> memref<9984x2048xf32, #tpu.memory_space<hbm>>
        tpu.enqueue_indirect_dma source(%dma_start3A_263 : memref<9984x2048xf32, #tpu.memory_space<hbm>>) target(%arg10 : memref<8x2048xf32, #tpu.memory_space<vmem>>) offsets(%dma_start3A_260 : memref<8xi32, #tpu.memory_space<vmem>>) semaphore(%arg16 : memref<!tpu.dma_semaphore, #tpu.memory_space<semaphore_mem>>)
      } else {
      }
    }
    %scan3A_27 = arith.constant 19 : i32
    %add3A_28 = arith.constant 304 : i32
    %add3A_29 = arith.addi %mul3A_2, %add3A_28 : i32
    %dma_wait3A = arith.constant 0 : i32
    %dma_wait3A_30 = tpu.memref_slice %arg3[%add3A_29, %dma_wait3A] : memref<9984x2048xf32, #tpu.memory_space<hbm>> -> memref<8x2048xf32, #tpu.memory_space<hbm>>
    %dma_wait3A_31 = arith.constant 0 : i32
    %dma_wait3A_32 = tpu.memref_slice %arg3[%add3A_29, %dma_wait3A_31] : memref<9984x2048xf32, #tpu.memory_space<hbm>> -> memref<8x2048xf32, #tpu.memory_space<hbm>>
    tpu.wait_dma2 semaphore(%arg12 : memref<!tpu.dma_semaphore, #tpu.memory_space<semaphore_mem>>) src(%dma_wait3A_32 : memref<8x2048xf32, #tpu.memory_space<hbm>>) dst(%arg6 : memref<8x2048xf32, #tpu.memory_space<vmem>>)
    %dma_wait3A_33 = arith.constant 304 : i32
    %dma_wait3A_34 = tpu.memref_slice %arg5[%dma_wait3A_33] : memref<312xi32, #tpu.memory_space<vmem>> -> memref<8xi32, #tpu.memory_space<vmem>>
    %dma_wait3A_35 = arith.constant 0 : i32
    %dma_wait3A_36 = arith.constant 0 : i32
    %dma_wait3A_37 = tpu.memref_slice %arg3[%dma_wait3A_35, %dma_wait3A_36] : memref<9984x2048xf32, #tpu.memory_space<hbm>> -> memref<9984x2048xf32, #tpu.memory_space<hbm>>
    tpu.wait_indirect_dma semaphore(%arg13 : memref<!tpu.dma_semaphore, #tpu.memory_space<semaphore_mem>>) src(%dma_wait3A_37 : memref<9984x2048xf32, #tpu.memory_space<hbm>>) dst(%arg7 : memref<8x2048xf32, #tpu.memory_space<vmem>>)
    %add3A_38 = arith.constant 288 : i32
    %add3A_39 = arith.addi %mul3A_2, %add3A_38 : i32
    %dma_wait3A_40 = arith.constant 0 : i32
    %dma_wait3A_41 = tpu.memref_slice %arg4[%add3A_39, %dma_wait3A_40] : memref<9984x2048xf32, #tpu.memory_space<hbm>> -> memref<8x2048xf32, #tpu.memory_space<hbm>>
    %dma_wait3A_42 = arith.constant 0 : i32
    %dma_wait3A_43 = tpu.memref_slice %arg4[%add3A_39, %dma_wait3A_42] : memref<9984x2048xf32, #tpu.memory_space<hbm>> -> memref<8x2048xf32, #tpu.memory_space<hbm>>
    tpu.wait_dma2 semaphore(%arg14 : memref<!tpu.dma_semaphore, #tpu.memory_space<semaphore_mem>>) src(%arg8 : memref<8x2048xf32, #tpu.memory_space<vmem>>) dst(%dma_wait3A_43 : memref<8x2048xf32, #tpu.memory_space<hbm>>)
    %scan3A_44 = arith.constant 0 : i32
    %scan3A_45 = arith.constant 128 : i32
    %scan3A_46 = arith.addi %scan3A_44, %scan3A_45 : i32
    %scan3A_47 = arith.constant 4 : i32
    scf.for %scan3A_102 = %scan3A_44 to %scan3A_46 step %scan3A_47  : i32 {
      %mul3A_103 = arith.constant 16 : i32
      %mul3A_104 = arith.muli %scan3A_102, %mul3A_103 : i32
      %add3A_105 = arith.constant 0 : i32
      %add3A_106 = arith.addi %add3A_105, %mul3A_104 : i32
      %get3A = arith.constant 0 : i32
      %get3A_107 = arith.index_cast %get3A : i32 to index
      %get3A_108 = arith.index_cast %add3A_106 : i32 to index
      %get3A_109 = tpu.vector_load %arg6[%get3A_107, %get3A_108] {strides = array<i32>} : memref<8x2048xf32, #tpu.memory_space<vmem>>, vector<16xf32>,
      %get3A_110 = arith.constant 0 : i32
      %get3A_111 = arith.index_cast %get3A_110 : i32 to index
      %get3A_112 = arith.index_cast %add3A_106 : i32 to index
      %get3A_113 = tpu.vector_load %arg7[%get3A_111, %get3A_112] {strides = array<i32>} : memref<8x2048xf32, #tpu.memory_space<vmem>>, vector<16xf32>,
      %sub3A = arith.subf %get3A_109, %get3A_113 : vector<16xf32>
      %swap3A = arith.constant 0 : i32
      %swap3A_114 = arith.index_cast %swap3A : i32 to index
      %swap3A_115 = arith.index_cast %add3A_106 : i32 to index
      %swap3A_116 = tpu.vector_load %arg8[%swap3A_114, %swap3A_115] {strides = array<i32>} : memref<8x2048xf32, #tpu.memory_space<vmem>>, vector<16xf32>,
      tpu.vector_store %arg8[%swap3A_114, %swap3A_115], %sub3A {strides = array<i32>} : memref<8x2048xf32, #tpu.memory_space<vmem>>, vector<16xf32>,
      %scan3A_117 = arith.constant 1 : i32
      %scan3A_118 = arith.addi %scan3A_102, %scan3A_117 : i32
      %mul3A_119 = arith.constant 16 : i32
      %mul3A_120 = arith.muli %scan3A_118, %mul3A_119 : i32
      %add3A_121 = arith.constant 0 : i32
      %add3A_122 = arith.addi %add3A_121, %mul3A_120 : i32
      %get3A_123 = arith.constant 0 : i32
      %get3A_124 = arith.index_cast %get3A_123 : i32 to index
      %get3A_125 = arith.index_cast %add3A_122 : i32 to index
      %get3A_126 = tpu.vector_load %arg6[%get3A_124, %get3A_125] {strides = array<i32>} : memref<8x2048xf32, #tpu.memory_space<vmem>>, vector<16xf32>,
      %get3A_127 = arith.constant 0 : i32
      %get3A_128 = arith.index_cast %get3A_127 : i32 to index
      %get3A_129 = arith.index_cast %add3A_122 : i32 to index
      %get3A_130 = tpu.vector_load %arg7[%get3A_128, %get3A_129] {strides = array<i32>} : memref<8x2048xf32, #tpu.memory_space<vmem>>, vector<16xf32>,
      %sub3A_131 = arith.subf %get3A_126, %get3A_130 : vector<16xf32>
      %swap3A_132 = arith.constant 0 : i32
      %swap3A_133 = arith.index_cast %swap3A_132 : i32 to index
      %swap3A_134 = arith.index_cast %add3A_122 : i32 to index
      %swap3A_135 = tpu.vector_load %arg8[%swap3A_133, %swap3A_134] {strides = array<i32>} : memref<8x2048xf32, #tpu.memory_space<vmem>>, vector<16xf32>,
      tpu.vector_store %arg8[%swap3A_133, %swap3A_134], %sub3A_131 {strides = array<i32>} : memref<8x2048xf32, #tpu.memory_space<vmem>>, vector<16xf32>,
      %scan3A_136 = arith.constant 2 : i32
      %scan3A_137 = arith.addi %scan3A_102, %scan3A_136 : i32
      %mul3A_138 = arith.constant 16 : i32
      %mul3A_139 = arith.muli %scan3A_137, %mul3A_138 : i32
      %add3A_140 = arith.constant 0 : i32
      %add3A_141 = arith.addi %add3A_140, %mul3A_139 : i32
      %get3A_142 = arith.constant 0 : i32
      %get3A_143 = arith.index_cast %get3A_142 : i32 to index
      %get3A_144 = arith.index_cast %add3A_141 : i32 to index
      %get3A_145 = tpu.vector_load %arg6[%get3A_143, %get3A_144] {strides = array<i32>} : memref<8x2048xf32, #tpu.memory_space<vmem>>, vector<16xf32>,
      %get3A_146 = arith.constant 0 : i32
      %get3A_147 = arith.index_cast %get3A_146 : i32 to index
      %get3A_148 = arith.index_cast %add3A_141 : i32 to index
      %get3A_149 = tpu.vector_load %arg7[%get3A_147, %get3A_148] {strides = array<i32>} : memref<8x2048xf32, #tpu.memory_space<vmem>>, vector<16xf32>,
      %sub3A_150 = arith.subf %get3A_145, %get3A_149 : vector<16xf32>
      %swap3A_151 = arith.constant 0 : i32
      %swap3A_152 = arith.index_cast %swap3A_151 : i32 to index
      %swap3A_153 = arith.index_cast %add3A_141 : i32 to index
      %swap3A_154 = tpu.vector_load %arg8[%swap3A_152, %swap3A_153] {strides = array<i32>} : memref<8x2048xf32, #tpu.memory_space<vmem>>, vector<16xf32>,
      tpu.vector_store %arg8[%swap3A_152, %swap3A_153], %sub3A_150 {strides = array<i32>} : memref<8x2048xf32, #tpu.memory_space<vmem>>, vector<16xf32>,
      %scan3A_155 = arith.constant 3 : i32
      %scan3A_156 = arith.addi %scan3A_102, %scan3A_155 : i32
      %mul3A_157 = arith.constant 16 : i32
      %mul3A_158 = arith.muli %scan3A_156, %mul3A_157 : i32
      %add3A_159 = arith.constant 0 : i32
      %add3A_160 = arith.addi %add3A_159, %mul3A_158 : i32
      %get3A_161 = arith.constant 0 : i32
      %get3A_162 = arith.index_cast %get3A_161 : i32 to index
      %get3A_163 = arith.index_cast %add3A_160 : i32 to index
      %get3A_164 = tpu.vector_load %arg6[%get3A_162, %get3A_163] {strides = array<i32>} : memref<8x2048xf32, #tpu.memory_space<vmem>>, vector<16xf32>,
      %get3A_165 = arith.constant 0 : i32
      %get3A_166 = arith.index_cast %get3A_165 : i32 to index
      %get3A_167 = arith.index_cast %add3A_160 : i32 to index
      %get3A_168 = tpu.vector_load %arg7[%get3A_166, %get3A_167] {strides = array<i32>} : memref<8x2048xf32, #tpu.memory_space<vmem>>, vector<16xf32>,
      %sub3A_169 = arith.subf %get3A_164, %get3A_168 : vector<16xf32>
      %swap3A_170 = arith.constant 0 : i32
      %swap3A_171 = arith.index_cast %swap3A_170 : i32 to index
      %swap3A_172 = arith.index_cast %add3A_160 : i32 to index
      %swap3A_173 = tpu.vector_load %arg8[%swap3A_171, %swap3A_172] {strides = array<i32>} : memref<8x2048xf32, #tpu.memory_space<vmem>>, vector<16xf32>,
      tpu.vector_store %arg8[%swap3A_171, %swap3A_172], %sub3A_169 {strides = array<i32>} : memref<8x2048xf32, #tpu.memory_space<vmem>>, vector<16xf32>,
    }
    %scan3A_48 = arith.constant 128 : i32
    %scan3A_49 = arith.constant 0 : i32
    %scan3A_50 = arith.constant 128 : i32
    %scan3A_51 = arith.addi %scan3A_49, %scan3A_50 : i32
    %scan3A_52 = arith.constant 4 : i32
    scf.for %scan3A_102 = %scan3A_49 to %scan3A_51 step %scan3A_52  : i32 {
      %mul3A_103 = arith.constant 16 : i32
      %mul3A_104 = arith.muli %scan3A_102, %mul3A_103 : i32
      %add3A_105 = arith.constant 0 : i32
      %add3A_106 = arith.addi %add3A_105, %mul3A_104 : i32
      %get3A = arith.constant 1 : i32
      %get3A_107 = arith.index_cast %get3A : i32 to index
      %get3A_108 = arith.index_cast %add3A_106 : i32 to index
      %get3A_109 = tpu.vector_load %arg6[%get3A_107, %get3A_108] {strides = array<i32>} : memref<8x2048xf32, #tpu.memory_space<vmem>>, vector<16xf32>,
      %get3A_110 = arith.constant 1 : i32
      %get3A_111 = arith.index_cast %get3A_110 : i32 to index
      %get3A_112 = arith.index_cast %add3A_106 : i32 to index
      %get3A_113 = tpu.vector_load %arg7[%get3A_111, %get3A_112] {strides = array<i32>} : memref<8x2048xf32, #tpu.memory_space<vmem>>, vector<16xf32>,
      %sub3A = arith.subf %get3A_109, %get3A_113 : vector<16xf32>
      %swap3A = arith.constant 1 : i32
      %swap3A_114 = arith.index_cast %swap3A : i32 to index
      %swap3A_115 = arith.index_cast %add3A_106 : i32 to index
      %swap3A_116 = tpu.vector_load %arg8[%swap3A_114, %swap3A_115] {strides = array<i32>} : memref<8x2048xf32, #tpu.memory_space<vmem>>, vector<16xf32>,
      tpu.vector_store %arg8[%swap3A_114, %swap3A_115], %sub3A {strides = array<i32>} : memref<8x2048xf32, #tpu.memory_space<vmem>>, vector<16xf32>,
      %scan3A_117 = arith.constant 1 : i32
      %scan3A_118 = arith.addi %scan3A_102, %scan3A_117 : i32
      %mul3A_119 = arith.constant 16 : i32
      %mul3A_120 = arith.muli %scan3A_118, %mul3A_119 : i32
      %add3A_121 = arith.constant 0 : i32
      %add3A_122 = arith.addi %add3A_121, %mul3A_120 : i32
      %get3A_123 = arith.constant 1 : i32
      %get3A_124 = arith.index_cast %get3A_123 : i32 to index
      %get3A_125 = arith.index_cast %add3A_122 : i32 to index
      %get3A_126 = tpu.vector_load %arg6[%get3A_124, %get3A_125] {strides = array<i32>} : memref<8x2048xf32, #tpu.memory_space<vmem>>, vector<16xf32>,
      %get3A_127 = arith.constant 1 : i32
      %get3A_128 = arith.index_cast %get3A_127 : i32 to index
      %get3A_129 = arith.index_cast %add3A_122 : i32 to index
      %get3A_130 = tpu.vector_load %arg7[%get3A_128, %get3A_129] {strides = array<i32>} : memref<8x2048xf32, #tpu.memory_space<vmem>>, vector<16xf32>,
      %sub3A_131 = arith.subf %get3A_126, %get3A_130 : vector<16xf32>
      %swap3A_132 = arith.constant 1 : i32
      %swap3A_133 = arith.index_cast %swap3A_132 : i32 to index
      %swap3A_134 = arith.index_cast %add3A_122 : i32 to index
      %swap3A_135 = tpu.vector_load %arg8[%swap3A_133, %swap3A_134] {strides = array<i32>} : memref<8x2048xf32, #tpu.memory_space<vmem>>, vector<16xf32>,
      tpu.vector_store %arg8[%swap3A_133, %swap3A_134], %sub3A_131 {strides = array<i32>} : memref<8x2048xf32, #tpu.memory_space<vmem>>, vector<16xf32>,
      %scan3A_136 = arith.constant 2 : i32
      %scan3A_137 = arith.addi %scan3A_102, %scan3A_136 : i32
      %mul3A_138 = arith.constant 16 : i32
      %mul3A_139 = arith.muli %scan3A_137, %mul3A_138 : i32
      %add3A_140 = arith.constant 0 : i32
      %add3A_141 = arith.addi %add3A_140, %mul3A_139 : i32
      %get3A_142 = arith.constant 1 : i32
      %get3A_143 = arith.index_cast %get3A_142 : i32 to index
      %get3A_144 = arith.index_cast %add3A_141 : i32 to index
      %get3A_145 = tpu.vector_load %arg6[%get3A_143, %get3A_144] {strides = array<i32>} : memref<8x2048xf32, #tpu.memory_space<vmem>>, vector<16xf32>,
      %get3A_146 = arith.constant 1 : i32
      %get3A_147 = arith.index_cast %get3A_146 : i32 to index
      %get3A_148 = arith.index_cast %add3A_141 : i32 to index
      %get3A_149 = tpu.vector_load %arg7[%get3A_147, %get3A_148] {strides = array<i32>} : memref<8x2048xf32, #tpu.memory_space<vmem>>, vector<16xf32>,
      %sub3A_150 = arith.subf %get3A_145, %get3A_149 : vector<16xf32>
      %swap3A_151 = arith.constant 1 : i32
      %swap3A_152 = arith.index_cast %swap3A_151 : i32 to index
      %swap3A_153 = arith.index_cast %add3A_141 : i32 to index
      %swap3A_154 = tpu.vector_load %arg8[%swap3A_152, %swap3A_153] {strides = array<i32>} : memref<8x2048xf32, #tpu.memory_space<vmem>>, vector<16xf32>,
      tpu.vector_store %arg8[%swap3A_152, %swap3A_153], %sub3A_150 {strides = array<i32>} : memref<8x2048xf32, #tpu.memory_space<vmem>>, vector<16xf32>,
      %scan3A_155 = arith.constant 3 : i32
      %scan3A_156 = arith.addi %scan3A_102, %scan3A_155 : i32
      %mul3A_157 = arith.constant 16 : i32
      %mul3A_158 = arith.muli %scan3A_156, %mul3A_157 : i32
      %add3A_159 = arith.constant 0 : i32
      %add3A_160 = arith.addi %add3A_159, %mul3A_158 : i32
      %get3A_161 = arith.constant 1 : i32
      %get3A_162 = arith.index_cast %get3A_161 : i32 to index
      %get3A_163 = arith.index_cast %add3A_160 : i32 to index
      %get3A_164 = tpu.vector_load %arg6[%get3A_162, %get3A_163] {strides = array<i32>} : memref<8x2048xf32, #tpu.memory_space<vmem>>, vector<16xf32>,
      %get3A_165 = arith.constant 1 : i32
      %get3A_166 = arith.index_cast %get3A_165 : i32 to index
      %get3A_167 = arith.index_cast %add3A_160 : i32 to index
      %get3A_168 = tpu.vector_load %arg7[%get3A_166, %get3A_167] {strides = array<i32>} : memref<8x2048xf32, #tpu.memory_space<vmem>>, vector<16xf32>,
      %sub3A_169 = arith.subf %get3A_164, %get3A_168 : vector<16xf32>
      %swap3A_170 = arith.constant 1 : i32
      %swap3A_171 = arith.index_cast %swap3A_170 : i32 to index
      %swap3A_172 = arith.index_cast %add3A_160 : i32 to index
      %swap3A_173 = tpu.vector_load %arg8[%swap3A_171, %swap3A_172] {strides = array<i32>} : memref<8x2048xf32, #tpu.memory_space<vmem>>, vector<16xf32>,
      tpu.vector_store %arg8[%swap3A_171, %swap3A_172], %sub3A_169 {strides = array<i32>} : memref<8x2048xf32, #tpu.memory_space<vmem>>, vector<16xf32>,
    }
    %scan3A_53 = arith.constant 128 : i32
    %scan3A_54 = arith.constant 0 : i32
    %scan3A_55 = arith.constant 128 : i32
    %scan3A_56 = arith.addi %scan3A_54, %scan3A_55 : i32
    %scan3A_57 = arith.constant 4 : i32
    scf.for %scan3A_102 = %scan3A_54 to %scan3A_56 step %scan3A_57  : i32 {
      %mul3A_103 = arith.constant 16 : i32
      %mul3A_104 = arith.muli %scan3A_102, %mul3A_103 : i32
      %add3A_105 = arith.constant 0 : i32
      %add3A_106 = arith.addi %add3A_105, %mul3A_104 : i32
      %get3A = arith.constant 2 : i32
      %get3A_107 = arith.index_cast %get3A : i32 to index
      %get3A_108 = arith.index_cast %add3A_106 : i32 to index
      %get3A_109 = tpu.vector_load %arg6[%get3A_107, %get3A_108] {strides = array<i32>} : memref<8x2048xf32, #tpu.memory_space<vmem>>, vector<16xf32>,
      %get3A_110 = arith.constant 2 : i32
      %get3A_111 = arith.index_cast %get3A_110 : i32 to index
      %get3A_112 = arith.index_cast %add3A_106 : i32 to index
      %get3A_113 = tpu.vector_load %arg7[%get3A_111, %get3A_112] {strides = array<i32>} : memref<8x2048xf32, #tpu.memory_space<vmem>>, vector<16xf32>,
      %sub3A = arith.subf %get3A_109, %get3A_113 : vector<16xf32>
      %swap3A = arith.constant 2 : i32
      %swap3A_114 = arith.index_cast %swap3A : i32 to index
      %swap3A_115 = arith.index_cast %add3A_106 : i32 to index
      %swap3A_116 = tpu.vector_load %arg8[%swap3A_114, %swap3A_115] {strides = array<i32>} : memref<8x2048xf32, #tpu.memory_space<vmem>>, vector<16xf32>,
      tpu.vector_store %arg8[%swap3A_114, %swap3A_115], %sub3A {strides = array<i32>} : memref<8x2048xf32, #tpu.memory_space<vmem>>, vector<16xf32>,
      %scan3A_117 = arith.constant 1 : i32
      %scan3A_118 = arith.addi %scan3A_102, %scan3A_117 : i32
      %mul3A_119 = arith.constant 16 : i32
      %mul3A_120 = arith.muli %scan3A_118, %mul3A_119 : i32
      %add3A_121 = arith.constant 0 : i32
      %add3A_122 = arith.addi %add3A_121, %mul3A_120 : i32
      %get3A_123 = arith.constant 2 : i32
      %get3A_124 = arith.index_cast %get3A_123 : i32 to index
      %get3A_125 = arith.index_cast %add3A_122 : i32 to index
      %get3A_126 = tpu.vector_load %arg6[%get3A_124, %get3A_125] {strides = array<i32>} : memref<8x2048xf32, #tpu.memory_space<vmem>>, vector<16xf32>,
      %get3A_127 = arith.constant 2 : i32
      %get3A_128 = arith.index_cast %get3A_127 : i32 to index
      %get3A_129 = arith.index_cast %add3A_122 : i32 to index
      %get3A_130 = tpu.vector_load %arg7[%get3A_128, %get3A_129] {strides = array<i32>} : memref<8x2048xf32, #tpu.memory_space<vmem>>, vector<16xf32>,
      %sub3A_131 = arith.subf %get3A_126, %get3A_130 : vector<16xf32>
      %swap3A_132 = arith.constant 2 : i32
      %swap3A_133 = arith.index_cast %swap3A_132 : i32 to index
      %swap3A_134 = arith.index_cast %add3A_122 : i32 to index
      %swap3A_135 = tpu.vector_load %arg8[%swap3A_133, %swap3A_134] {strides = array<i32>} : memref<8x2048xf32, #tpu.memory_space<vmem>>, vector<16xf32>,
      tpu.vector_store %arg8[%swap3A_133, %swap3A_134], %sub3A_131 {strides = array<i32>} : memref<8x2048xf32, #tpu.memory_space<vmem>>, vector<16xf32>,
      %scan3A_136 = arith.constant 2 : i32
      %scan3A_137 = arith.addi %scan3A_102, %scan3A_136 : i32
      %mul3A_138 = arith.constant 16 : i32
      %mul3A_139 = arith.muli %scan3A_137, %mul3A_138 : i32
      %add3A_140 = arith.constant 0 : i32
      %add3A_141 = arith.addi %add3A_140, %mul3A_139 : i32
      %get3A_142 = arith.constant 2 : i32
      %get3A_143 = arith.index_cast %get3A_142 : i32 to index
      %get3A_144 = arith.index_cast %add3A_141 : i32 to index
      %get3A_145 = tpu.vector_load %arg6[%get3A_143, %get3A_144] {strides = array<i32>} : memref<8x2048xf32, #tpu.memory_space<vmem>>, vector<16xf32>,
      %get3A_146 = arith.constant 2 : i32
      %get3A_147 = arith.index_cast %get3A_146 : i32 to index
      %get3A_148 = arith.index_cast %add3A_141 : i32 to index
      %get3A_149 = tpu.vector_load %arg7[%get3A_147, %get3A_148] {strides = array<i32>} : memref<8x2048xf32, #tpu.memory_space<vmem>>, vector<16xf32>,
      %sub3A_150 = arith.subf %get3A_145, %get3A_149 : vector<16xf32>
      %swap3A_151 = arith.constant 2 : i32
      %swap3A_152 = arith.index_cast %swap3A_151 : i32 to index
      %swap3A_153 = arith.index_cast %add3A_141 : i32 to index
      %swap3A_154 = tpu.vector_load %arg8[%swap3A_152, %swap3A_153] {strides = array<i32>} : memref<8x2048xf32, #tpu.memory_space<vmem>>, vector<16xf32>,
      tpu.vector_store %arg8[%swap3A_152, %swap3A_153], %sub3A_150 {strides = array<i32>} : memref<8x2048xf32, #tpu.memory_space<vmem>>, vector<16xf32>,
      %scan3A_155 = arith.constant 3 : i32
      %scan3A_156 = arith.addi %scan3A_102, %scan3A_155 : i32
      %mul3A_157 = arith.constant 16 : i32
      %mul3A_158 = arith.muli %scan3A_156, %mul3A_157 : i32
      %add3A_159 = arith.constant 0 : i32
      %add3A_160 = arith.addi %add3A_159, %mul3A_158 : i32
      %get3A_161 = arith.constant 2 : i32
      %get3A_162 = arith.index_cast %get3A_161 : i32 to index
      %get3A_163 = arith.index_cast %add3A_160 : i32 to index
      %get3A_164 = tpu.vector_load %arg6[%get3A_162, %get3A_163] {strides = array<i32>} : memref<8x2048xf32, #tpu.memory_space<vmem>>, vector<16xf32>,
      %get3A_165 = arith.constant 2 : i32
      %get3A_166 = arith.index_cast %get3A_165 : i32 to index
      %get3A_167 = arith.index_cast %add3A_160 : i32 to index
      %get3A_168 = tpu.vector_load %arg7[%get3A_166, %get3A_167] {strides = array<i32>} : memref<8x2048xf32, #tpu.memory_space<vmem>>, vector<16xf32>,
      %sub3A_169 = arith.subf %get3A_164, %get3A_168 : vector<16xf32>
      %swap3A_170 = arith.constant 2 : i32
      %swap3A_171 = arith.index_cast %swap3A_170 : i32 to index
      %swap3A_172 = arith.index_cast %add3A_160 : i32 to index
      %swap3A_173 = tpu.vector_load %arg8[%swap3A_171, %swap3A_172] {strides = array<i32>} : memref<8x2048xf32, #tpu.memory_space<vmem>>, vector<16xf32>,
      tpu.vector_store %arg8[%swap3A_171, %swap3A_172], %sub3A_169 {strides = array<i32>} : memref<8x2048xf32, #tpu.memory_space<vmem>>, vector<16xf32>,
    }
    %scan3A_58 = arith.constant 128 : i32
    %scan3A_59 = arith.constant 0 : i32
    %scan3A_60 = arith.constant 128 : i32
    %scan3A_61 = arith.addi %scan3A_59, %scan3A_60 : i32
    %scan3A_62 = arith.constant 4 : i32
    scf.for %scan3A_102 = %scan3A_59 to %scan3A_61 step %scan3A_62  : i32 {
      %mul3A_103 = arith.constant 16 : i32
      %mul3A_104 = arith.muli %scan3A_102, %mul3A_103 : i32
      %add3A_105 = arith.constant 0 : i32
      %add3A_106 = arith.addi %add3A_105, %mul3A_104 : i32
      %get3A = arith.constant 3 : i32
      %get3A_107 = arith.index_cast %get3A : i32 to index
      %get3A_108 = arith.index_cast %add3A_106 : i32 to index
      %get3A_109 = tpu.vector_load %arg6[%get3A_107, %get3A_108] {strides = array<i32>} : memref<8x2048xf32, #tpu.memory_space<vmem>>, vector<16xf32>,
      %get3A_110 = arith.constant 3 : i32
      %get3A_111 = arith.index_cast %get3A_110 : i32 to index
      %get3A_112 = arith.index_cast %add3A_106 : i32 to index
      %get3A_113 = tpu.vector_load %arg7[%get3A_111, %get3A_112] {strides = array<i32>} : memref<8x2048xf32, #tpu.memory_space<vmem>>, vector<16xf32>,
      %sub3A = arith.subf %get3A_109, %get3A_113 : vector<16xf32>
      %swap3A = arith.constant 3 : i32
      %swap3A_114 = arith.index_cast %swap3A : i32 to index
      %swap3A_115 = arith.index_cast %add3A_106 : i32 to index
      %swap3A_116 = tpu.vector_load %arg8[%swap3A_114, %swap3A_115] {strides = array<i32>} : memref<8x2048xf32, #tpu.memory_space<vmem>>, vector<16xf32>,
      tpu.vector_store %arg8[%swap3A_114, %swap3A_115], %sub3A {strides = array<i32>} : memref<8x2048xf32, #tpu.memory_space<vmem>>, vector<16xf32>,
      %scan3A_117 = arith.constant 1 : i32
      %scan3A_118 = arith.addi %scan3A_102, %scan3A_117 : i32
      %mul3A_119 = arith.constant 16 : i32
      %mul3A_120 = arith.muli %scan3A_118, %mul3A_119 : i32
      %add3A_121 = arith.constant 0 : i32
      %add3A_122 = arith.addi %add3A_121, %mul3A_120 : i32
      %get3A_123 = arith.constant 3 : i32
      %get3A_124 = arith.index_cast %get3A_123 : i32 to index
      %get3A_125 = arith.index_cast %add3A_122 : i32 to index
      %get3A_126 = tpu.vector_load %arg6[%get3A_124, %get3A_125] {strides = array<i32>} : memref<8x2048xf32, #tpu.memory_space<vmem>>, vector<16xf32>,
      %get3A_127 = arith.constant 3 : i32
      %get3A_128 = arith.index_cast %get3A_127 : i32 to index
      %get3A_129 = arith.index_cast %add3A_122 : i32 to index
      %get3A_130 = tpu.vector_load %arg7[%get3A_128, %get3A_129] {strides = array<i32>} : memref<8x2048xf32, #tpu.memory_space<vmem>>, vector<16xf32>,
      %sub3A_131 = arith.subf %get3A_126, %get3A_130 : vector<16xf32>
      %swap3A_132 = arith.constant 3 : i32
      %swap3A_133 = arith.index_cast %swap3A_132 : i32 to index
      %swap3A_134 = arith.index_cast %add3A_122 : i32 to index
      %swap3A_135 = tpu.vector_load %arg8[%swap3A_133, %swap3A_134] {strides = array<i32>} : memref<8x2048xf32, #tpu.memory_space<vmem>>, vector<16xf32>,
      tpu.vector_store %arg8[%swap3A_133, %swap3A_134], %sub3A_131 {strides = array<i32>} : memref<8x2048xf32, #tpu.memory_space<vmem>>, vector<16xf32>,
      %scan3A_136 = arith.constant 2 : i32
      %scan3A_137 = arith.addi %scan3A_102, %scan3A_136 : i32
      %mul3A_138 = arith.constant 16 : i32
      %mul3A_139 = arith.muli %scan3A_137, %mul3A_138 : i32
      %add3A_140 = arith.constant 0 : i32
      %add3A_141 = arith.addi %add3A_140, %mul3A_139 : i32
      %get3A_142 = arith.constant 3 : i32
      %get3A_143 = arith.index_cast %get3A_142 : i32 to index
      %get3A_144 = arith.index_cast %add3A_141 : i32 to index
      %get3A_145 = tpu.vector_load %arg6[%get3A_143, %get3A_144] {strides = array<i32>} : memref<8x2048xf32, #tpu.memory_space<vmem>>, vector<16xf32>,
      %get3A_146 = arith.constant 3 : i32
      %get3A_147 = arith.index_cast %get3A_146 : i32 to index
      %get3A_148 = arith.index_cast %add3A_141 : i32 to index
      %get3A_149 = tpu.vector_load %arg7[%get3A_147, %get3A_148] {strides = array<i32>} : memref<8x2048xf32, #tpu.memory_space<vmem>>, vector<16xf32>,
      %sub3A_150 = arith.subf %get3A_145, %get3A_149 : vector<16xf32>
      %swap3A_151 = arith.constant 3 : i32
      %swap3A_152 = arith.index_cast %swap3A_151 : i32 to index
      %swap3A_153 = arith.index_cast %add3A_141 : i32 to index
      %swap3A_154 = tpu.vector_load %arg8[%swap3A_152, %swap3A_153] {strides = array<i32>} : memref<8x2048xf32, #tpu.memory_space<vmem>>, vector<16xf32>,
      tpu.vector_store %arg8[%swap3A_152, %swap3A_153], %sub3A_150 {strides = array<i32>} : memref<8x2048xf32, #tpu.memory_space<vmem>>, vector<16xf32>,
      %scan3A_155 = arith.constant 3 : i32
      %scan3A_156 = arith.addi %scan3A_102, %scan3A_155 : i32
      %mul3A_157 = arith.constant 16 : i32
      %mul3A_158 = arith.muli %scan3A_156, %mul3A_157 : i32
      %add3A_159 = arith.constant 0 : i32
      %add3A_160 = arith.addi %add3A_159, %mul3A_158 : i32
      %get3A_161 = arith.constant 3 : i32
      %get3A_162 = arith.index_cast %get3A_161 : i32 to index
      %get3A_163 = arith.index_cast %add3A_160 : i32 to index
      %get3A_164 = tpu.vector_load %arg6[%get3A_162, %get3A_163] {strides = array<i32>} : memref<8x2048xf32, #tpu.memory_space<vmem>>, vector<16xf32>,
      %get3A_165 = arith.constant 3 : i32
      %get3A_166 = arith.index_cast %get3A_165 : i32 to index
      %get3A_167 = arith.index_cast %add3A_160 : i32 to index
      %get3A_168 = tpu.vector_load %arg7[%get3A_166, %get3A_167] {strides = array<i32>} : memref<8x2048xf32, #tpu.memory_space<vmem>>, vector<16xf32>,
      %sub3A_169 = arith.subf %get3A_164, %get3A_168 : vector<16xf32>
      %swap3A_170 = arith.constant 3 : i32
      %swap3A_171 = arith.index_cast %swap3A_170 : i32 to index
      %swap3A_172 = arith.index_cast %add3A_160 : i32 to index
      %swap3A_173 = tpu.vector_load %arg8[%swap3A_171, %swap3A_172] {strides = array<i32>} : memref<8x2048xf32, #tpu.memory_space<vmem>>, vector<16xf32>,
      tpu.vector_store %arg8[%swap3A_171, %swap3A_172], %sub3A_169 {strides = array<i32>} : memref<8x2048xf32, #tpu.memory_space<vmem>>, vector<16xf32>,
    }
    %scan3A_63 = arith.constant 128 : i32
    %scan3A_64 = arith.constant 0 : i32
    %scan3A_65 = arith.constant 128 : i32
    %scan3A_66 = arith.addi %scan3A_64, %scan3A_65 : i32
    %scan3A_67 = arith.constant 4 : i32
    scf.for %scan3A_102 = %scan3A_64 to %scan3A_66 step %scan3A_67  : i32 {
      %mul3A_103 = arith.constant 16 : i32
      %mul3A_104 = arith.muli %scan3A_102, %mul3A_103 : i32
      %add3A_105 = arith.constant 0 : i32
      %add3A_106 = arith.addi %add3A_105, %mul3A_104 : i32
      %get3A = arith.constant 4 : i32
      %get3A_107 = arith.index_cast %get3A : i32 to index
      %get3A_108 = arith.index_cast %add3A_106 : i32 to index
      %get3A_109 = tpu.vector_load %arg6[%get3A_107, %get3A_108] {strides = array<i32>} : memref<8x2048xf32, #tpu.memory_space<vmem>>, vector<16xf32>,
      %get3A_110 = arith.constant 4 : i32
      %get3A_111 = arith.index_cast %get3A_110 : i32 to index
      %get3A_112 = arith.index_cast %add3A_106 : i32 to index
      %get3A_113 = tpu.vector_load %arg7[%get3A_111, %get3A_112] {strides = array<i32>} : memref<8x2048xf32, #tpu.memory_space<vmem>>, vector<16xf32>,
      %sub3A = arith.subf %get3A_109, %get3A_113 : vector<16xf32>
      %swap3A = arith.constant 4 : i32
      %swap3A_114 = arith.index_cast %swap3A : i32 to index
      %swap3A_115 = arith.index_cast %add3A_106 : i32 to index
      %swap3A_116 = tpu.vector_load %arg8[%swap3A_114, %swap3A_115] {strides = array<i32>} : memref<8x2048xf32, #tpu.memory_space<vmem>>, vector<16xf32>,
      tpu.vector_store %arg8[%swap3A_114, %swap3A_115], %sub3A {strides = array<i32>} : memref<8x2048xf32, #tpu.memory_space<vmem>>, vector<16xf32>,
      %scan3A_117 = arith.constant 1 : i32
      %scan3A_118 = arith.addi %scan3A_102, %scan3A_117 : i32
      %mul3A_119 = arith.constant 16 : i32
      %mul3A_120 = arith.muli %scan3A_118, %mul3A_119 : i32
      %add3A_121 = arith.constant 0 : i32
      %add3A_122 = arith.addi %add3A_121, %mul3A_120 : i32
      %get3A_123 = arith.constant 4 : i32
      %get3A_124 = arith.index_cast %get3A_123 : i32 to index
      %get3A_125 = arith.index_cast %add3A_122 : i32 to index
      %get3A_126 = tpu.vector_load %arg6[%get3A_124, %get3A_125] {strides = array<i32>} : memref<8x2048xf32, #tpu.memory_space<vmem>>, vector<16xf32>,
      %get3A_127 = arith.constant 4 : i32
      %get3A_128 = arith.index_cast %get3A_127 : i32 to index
      %get3A_129 = arith.index_cast %add3A_122 : i32 to index
      %get3A_130 = tpu.vector_load %arg7[%get3A_128, %get3A_129] {strides = array<i32>} : memref<8x2048xf32, #tpu.memory_space<vmem>>, vector<16xf32>,
      %sub3A_131 = arith.subf %get3A_126, %get3A_130 : vector<16xf32>
      %swap3A_132 = arith.constant 4 : i32
      %swap3A_133 = arith.index_cast %swap3A_132 : i32 to index
      %swap3A_134 = arith.index_cast %add3A_122 : i32 to index
      %swap3A_135 = tpu.vector_load %arg8[%swap3A_133, %swap3A_134] {strides = array<i32>} : memref<8x2048xf32, #tpu.memory_space<vmem>>, vector<16xf32>,
      tpu.vector_store %arg8[%swap3A_133, %swap3A_134], %sub3A_131 {strides = array<i32>} : memref<8x2048xf32, #tpu.memory_space<vmem>>, vector<16xf32>,
      %scan3A_136 = arith.constant 2 : i32
      %scan3A_137 = arith.addi %scan3A_102, %scan3A_136 : i32
      %mul3A_138 = arith.constant 16 : i32
      %mul3A_139 = arith.muli %scan3A_137, %mul3A_138 : i32
      %add3A_140 = arith.constant 0 : i32
      %add3A_141 = arith.addi %add3A_140, %mul3A_139 : i32
      %get3A_142 = arith.constant 4 : i32
      %get3A_143 = arith.index_cast %get3A_142 : i32 to index
      %get3A_144 = arith.index_cast %add3A_141 : i32 to index
      %get3A_145 = tpu.vector_load %arg6[%get3A_143, %get3A_144] {strides = array<i32>} : memref<8x2048xf32, #tpu.memory_space<vmem>>, vector<16xf32>,
      %get3A_146 = arith.constant 4 : i32
      %get3A_147 = arith.index_cast %get3A_146 : i32 to index
      %get3A_148 = arith.index_cast %add3A_141 : i32 to index
      %get3A_149 = tpu.vector_load %arg7[%get3A_147, %get3A_148] {strides = array<i32>} : memref<8x2048xf32, #tpu.memory_space<vmem>>, vector<16xf32>,
      %sub3A_150 = arith.subf %get3A_145, %get3A_149 : vector<16xf32>
      %swap3A_151 = arith.constant 4 : i32
      %swap3A_152 = arith.index_cast %swap3A_151 : i32 to index
      %swap3A_153 = arith.index_cast %add3A_141 : i32 to index
      %swap3A_154 = tpu.vector_load %arg8[%swap3A_152, %swap3A_153] {strides = array<i32>} : memref<8x2048xf32, #tpu.memory_space<vmem>>, vector<16xf32>,
      tpu.vector_store %arg8[%swap3A_152, %swap3A_153], %sub3A_150 {strides = array<i32>} : memref<8x2048xf32, #tpu.memory_space<vmem>>, vector<16xf32>,
      %scan3A_155 = arith.constant 3 : i32
      %scan3A_156 = arith.addi %scan3A_102, %scan3A_155 : i32
      %mul3A_157 = arith.constant 16 : i32
      %mul3A_158 = arith.muli %scan3A_156, %mul3A_157 : i32
      %add3A_159 = arith.constant 0 : i32
      %add3A_160 = arith.addi %add3A_159, %mul3A_158 : i32
      %get3A_161 = arith.constant 4 : i32
      %get3A_162 = arith.index_cast %get3A_161 : i32 to index
      %get3A_163 = arith.index_cast %add3A_160 : i32 to index
      %get3A_164 = tpu.vector_load %arg6[%get3A_162, %get3A_163] {strides = array<i32>} : memref<8x2048xf32, #tpu.memory_space<vmem>>, vector<16xf32>,
      %get3A_165 = arith.constant 4 : i32
      %get3A_166 = arith.index_cast %get3A_165 : i32 to index
      %get3A_167 = arith.index_cast %add3A_160 : i32 to index
      %get3A_168 = tpu.vector_load %arg7[%get3A_166, %get3A_167] {strides = array<i32>} : memref<8x2048xf32, #tpu.memory_space<vmem>>, vector<16xf32>,
      %sub3A_169 = arith.subf %get3A_164, %get3A_168 : vector<16xf32>
      %swap3A_170 = arith.constant 4 : i32
      %swap3A_171 = arith.index_cast %swap3A_170 : i32 to index
      %swap3A_172 = arith.index_cast %add3A_160 : i32 to index
      %swap3A_173 = tpu.vector_load %arg8[%swap3A_171, %swap3A_172] {strides = array<i32>} : memref<8x2048xf32, #tpu.memory_space<vmem>>, vector<16xf32>,
      tpu.vector_store %arg8[%swap3A_171, %swap3A_172], %sub3A_169 {strides = array<i32>} : memref<8x2048xf32, #tpu.memory_space<vmem>>, vector<16xf32>,
    }
    %scan3A_68 = arith.constant 128 : i32
    %scan3A_69 = arith.constant 0 : i32
    %scan3A_70 = arith.constant 128 : i32
    %scan3A_71 = arith.addi %scan3A_69, %scan3A_70 : i32
    %scan3A_72 = arith.constant 4 : i32
    scf.for %scan3A_102 = %scan3A_69 to %scan3A_71 step %scan3A_72  : i32 {
      %mul3A_103 = arith.constant 16 : i32
      %mul3A_104 = arith.muli %scan3A_102, %mul3A_103 : i32
      %add3A_105 = arith.constant 0 : i32
      %add3A_106 = arith.addi %add3A_105, %mul3A_104 : i32
      %get3A = arith.constant 5 : i32
      %get3A_107 = arith.index_cast %get3A : i32 to index
      %get3A_108 = arith.index_cast %add3A_106 : i32 to index
      %get3A_109 = tpu.vector_load %arg6[%get3A_107, %get3A_108] {strides = array<i32>} : memref<8x2048xf32, #tpu.memory_space<vmem>>, vector<16xf32>,
      %get3A_110 = arith.constant 5 : i32
      %get3A_111 = arith.index_cast %get3A_110 : i32 to index
      %get3A_112 = arith.index_cast %add3A_106 : i32 to index
      %get3A_113 = tpu.vector_load %arg7[%get3A_111, %get3A_112] {strides = array<i32>} : memref<8x2048xf32, #tpu.memory_space<vmem>>, vector<16xf32>,
      %sub3A = arith.subf %get3A_109, %get3A_113 : vector<16xf32>
      %swap3A = arith.constant 5 : i32
      %swap3A_114 = arith.index_cast %swap3A : i32 to index
      %swap3A_115 = arith.index_cast %add3A_106 : i32 to index
      %swap3A_116 = tpu.vector_load %arg8[%swap3A_114, %swap3A_115] {strides = array<i32>} : memref<8x2048xf32, #tpu.memory_space<vmem>>, vector<16xf32>,
      tpu.vector_store %arg8[%swap3A_114, %swap3A_115], %sub3A {strides = array<i32>} : memref<8x2048xf32, #tpu.memory_space<vmem>>, vector<16xf32>,
      %scan3A_117 = arith.constant 1 : i32
      %scan3A_118 = arith.addi %scan3A_102, %scan3A_117 : i32
      %mul3A_119 = arith.constant 16 : i32
      %mul3A_120 = arith.muli %scan3A_118, %mul3A_119 : i32
      %add3A_121 = arith.constant 0 : i32
      %add3A_122 = arith.addi %add3A_121, %mul3A_120 : i32
      %get3A_123 = arith.constant 5 : i32
      %get3A_124 = arith.index_cast %get3A_123 : i32 to index
      %get3A_125 = arith.index_cast %add3A_122 : i32 to index
      %get3A_126 = tpu.vector_load %arg6[%get3A_124, %get3A_125] {strides = array<i32>} : memref<8x2048xf32, #tpu.memory_space<vmem>>, vector<16xf32>,
      %get3A_127 = arith.constant 5 : i32
      %get3A_128 = arith.index_cast %get3A_127 : i32 to index
      %get3A_129 = arith.index_cast %add3A_122 : i32 to index
      %get3A_130 = tpu.vector_load %arg7[%get3A_128, %get3A_129] {strides = array<i32>} : memref<8x2048xf32, #tpu.memory_space<vmem>>, vector<16xf32>,
      %sub3A_131 = arith.subf %get3A_126, %get3A_130 : vector<16xf32>
      %swap3A_132 = arith.constant 5 : i32
      %swap3A_133 = arith.index_cast %swap3A_132 : i32 to index
      %swap3A_134 = arith.index_cast %add3A_122 : i32 to index
      %swap3A_135 = tpu.vector_load %arg8[%swap3A_133, %swap3A_134] {strides = array<i32>} : memref<8x2048xf32, #tpu.memory_space<vmem>>, vector<16xf32>,
      tpu.vector_store %arg8[%swap3A_133, %swap3A_134], %sub3A_131 {strides = array<i32>} : memref<8x2048xf32, #tpu.memory_space<vmem>>, vector<16xf32>,
      %scan3A_136 = arith.constant 2 : i32
      %scan3A_137 = arith.addi %scan3A_102, %scan3A_136 : i32
      %mul3A_138 = arith.constant 16 : i32
      %mul3A_139 = arith.muli %scan3A_137, %mul3A_138 : i32
      %add3A_140 = arith.constant 0 : i32
      %add3A_141 = arith.addi %add3A_140, %mul3A_139 : i32
      %get3A_142 = arith.constant 5 : i32
      %get3A_143 = arith.index_cast %get3A_142 : i32 to index
      %get3A_144 = arith.index_cast %add3A_141 : i32 to index
      %get3A_145 = tpu.vector_load %arg6[%get3A_143, %get3A_144] {strides = array<i32>} : memref<8x2048xf32, #tpu.memory_space<vmem>>, vector<16xf32>,
      %get3A_146 = arith.constant 5 : i32
      %get3A_147 = arith.index_cast %get3A_146 : i32 to index
      %get3A_148 = arith.index_cast %add3A_141 : i32 to index
      %get3A_149 = tpu.vector_load %arg7[%get3A_147, %get3A_148] {strides = array<i32>} : memref<8x2048xf32, #tpu.memory_space<vmem>>, vector<16xf32>,
      %sub3A_150 = arith.subf %get3A_145, %get3A_149 : vector<16xf32>
      %swap3A_151 = arith.constant 5 : i32
      %swap3A_152 = arith.index_cast %swap3A_151 : i32 to index
      %swap3A_153 = arith.index_cast %add3A_141 : i32 to index
      %swap3A_154 = tpu.vector_load %arg8[%swap3A_152, %swap3A_153] {strides = array<i32>} : memref<8x2048xf32, #tpu.memory_space<vmem>>, vector<16xf32>,
      tpu.vector_store %arg8[%swap3A_152, %swap3A_153], %sub3A_150 {strides = array<i32>} : memref<8x2048xf32, #tpu.memory_space<vmem>>, vector<16xf32>,
      %scan3A_155 = arith.constant 3 : i32
      %scan3A_156 = arith.addi %scan3A_102, %scan3A_155 : i32
      %mul3A_157 = arith.constant 16 : i32
      %mul3A_158 = arith.muli %scan3A_156, %mul3A_157 : i32
      %add3A_159 = arith.constant 0 : i32
      %add3A_160 = arith.addi %add3A_159, %mul3A_158 : i32
      %get3A_161 = arith.constant 5 : i32
      %get3A_162 = arith.index_cast %get3A_161 : i32 to index
      %get3A_163 = arith.index_cast %add3A_160 : i32 to index
      %get3A_164 = tpu.vector_load %arg6[%get3A_162, %get3A_163] {strides = array<i32>} : memref<8x2048xf32, #tpu.memory_space<vmem>>, vector<16xf32>,
      %get3A_165 = arith.constant 5 : i32
      %get3A_166 = arith.index_cast %get3A_165 : i32 to index
      %get3A_167 = arith.index_cast %add3A_160 : i32 to index
      %get3A_168 = tpu.vector_load %arg7[%get3A_166, %get3A_167] {strides = array<i32>} : memref<8x2048xf32, #tpu.memory_space<vmem>>, vector<16xf32>,
      %sub3A_169 = arith.subf %get3A_164, %get3A_168 : vector<16xf32>
      %swap3A_170 = arith.constant 5 : i32
      %swap3A_171 = arith.index_cast %swap3A_170 : i32 to index
      %swap3A_172 = arith.index_cast %add3A_160 : i32 to index
      %swap3A_173 = tpu.vector_load %arg8[%swap3A_171, %swap3A_172] {strides = array<i32>} : memref<8x2048xf32, #tpu.memory_space<vmem>>, vector<16xf32>,
      tpu.vector_store %arg8[%swap3A_171, %swap3A_172], %sub3A_169 {strides = array<i32>} : memref<8x2048xf32, #tpu.memory_space<vmem>>, vector<16xf32>,
    }
    %scan3A_73 = arith.constant 128 : i32
    %scan3A_74 = arith.constant 0 : i32
    %scan3A_75 = arith.constant 128 : i32
    %scan3A_76 = arith.addi %scan3A_74, %scan3A_75 : i32
    %scan3A_77 = arith.constant 4 : i32
    scf.for %scan3A_102 = %scan3A_74 to %scan3A_76 step %scan3A_77  : i32 {
      %mul3A_103 = arith.constant 16 : i32
      %mul3A_104 = arith.muli %scan3A_102, %mul3A_103 : i32
      %add3A_105 = arith.constant 0 : i32
      %add3A_106 = arith.addi %add3A_105, %mul3A_104 : i32
      %get3A = arith.constant 6 : i32
      %get3A_107 = arith.index_cast %get3A : i32 to index
      %get3A_108 = arith.index_cast %add3A_106 : i32 to index
      %get3A_109 = tpu.vector_load %arg6[%get3A_107, %get3A_108] {strides = array<i32>} : memref<8x2048xf32, #tpu.memory_space<vmem>>, vector<16xf32>,
      %get3A_110 = arith.constant 6 : i32
      %get3A_111 = arith.index_cast %get3A_110 : i32 to index
      %get3A_112 = arith.index_cast %add3A_106 : i32 to index
      %get3A_113 = tpu.vector_load %arg7[%get3A_111, %get3A_112] {strides = array<i32>} : memref<8x2048xf32, #tpu.memory_space<vmem>>, vector<16xf32>,
      %sub3A = arith.subf %get3A_109, %get3A_113 : vector<16xf32>
      %swap3A = arith.constant 6 : i32
      %swap3A_114 = arith.index_cast %swap3A : i32 to index
      %swap3A_115 = arith.index_cast %add3A_106 : i32 to index
      %swap3A_116 = tpu.vector_load %arg8[%swap3A_114, %swap3A_115] {strides = array<i32>} : memref<8x2048xf32, #tpu.memory_space<vmem>>, vector<16xf32>,
      tpu.vector_store %arg8[%swap3A_114, %swap3A_115], %sub3A {strides = array<i32>} : memref<8x2048xf32, #tpu.memory_space<vmem>>, vector<16xf32>,
      %scan3A_117 = arith.constant 1 : i32
      %scan3A_118 = arith.addi %scan3A_102, %scan3A_117 : i32
      %mul3A_119 = arith.constant 16 : i32
      %mul3A_120 = arith.muli %scan3A_118, %mul3A_119 : i32
      %add3A_121 = arith.constant 0 : i32
      %add3A_122 = arith.addi %add3A_121, %mul3A_120 : i32
      %get3A_123 = arith.constant 6 : i32
      %get3A_124 = arith.index_cast %get3A_123 : i32 to index
      %get3A_125 = arith.index_cast %add3A_122 : i32 to index
      %get3A_126 = tpu.vector_load %arg6[%get3A_124, %get3A_125] {strides = array<i32>} : memref<8x2048xf32, #tpu.memory_space<vmem>>, vector<16xf32>,
      %get3A_127 = arith.constant 6 : i32
      %get3A_128 = arith.index_cast %get3A_127 : i32 to index
      %get3A_129 = arith.index_cast %add3A_122 : i32 to index
      %get3A_130 = tpu.vector_load %arg7[%get3A_128, %get3A_129] {strides = array<i32>} : memref<8x2048xf32, #tpu.memory_space<vmem>>, vector<16xf32>,
      %sub3A_131 = arith.subf %get3A_126, %get3A_130 : vector<16xf32>
      %swap3A_132 = arith.constant 6 : i32
      %swap3A_133 = arith.index_cast %swap3A_132 : i32 to index
      %swap3A_134 = arith.index_cast %add3A_122 : i32 to index
      %swap3A_135 = tpu.vector_load %arg8[%swap3A_133, %swap3A_134] {strides = array<i32>} : memref<8x2048xf32, #tpu.memory_space<vmem>>, vector<16xf32>,
      tpu.vector_store %arg8[%swap3A_133, %swap3A_134], %sub3A_131 {strides = array<i32>} : memref<8x2048xf32, #tpu.memory_space<vmem>>, vector<16xf32>,
      %scan3A_136 = arith.constant 2 : i32
      %scan3A_137 = arith.addi %scan3A_102, %scan3A_136 : i32
      %mul3A_138 = arith.constant 16 : i32
      %mul3A_139 = arith.muli %scan3A_137, %mul3A_138 : i32
      %add3A_140 = arith.constant 0 : i32
      %add3A_141 = arith.addi %add3A_140, %mul3A_139 : i32
      %get3A_142 = arith.constant 6 : i32
      %get3A_143 = arith.index_cast %get3A_142 : i32 to index
      %get3A_144 = arith.index_cast %add3A_141 : i32 to index
      %get3A_145 = tpu.vector_load %arg6[%get3A_143, %get3A_144] {strides = array<i32>} : memref<8x2048xf32, #tpu.memory_space<vmem>>, vector<16xf32>,
      %get3A_146 = arith.constant 6 : i32
      %get3A_147 = arith.index_cast %get3A_146 : i32 to index
      %get3A_148 = arith.index_cast %add3A_141 : i32 to index
      %get3A_149 = tpu.vector_load %arg7[%get3A_147, %get3A_148] {strides = array<i32>} : memref<8x2048xf32, #tpu.memory_space<vmem>>, vector<16xf32>,
      %sub3A_150 = arith.subf %get3A_145, %get3A_149 : vector<16xf32>
      %swap3A_151 = arith.constant 6 : i32
      %swap3A_152 = arith.index_cast %swap3A_151 : i32 to index
      %swap3A_153 = arith.index_cast %add3A_141 : i32 to index
      %swap3A_154 = tpu.vector_load %arg8[%swap3A_152, %swap3A_153] {strides = array<i32>} : memref<8x2048xf32, #tpu.memory_space<vmem>>, vector<16xf32>,
      tpu.vector_store %arg8[%swap3A_152, %swap3A_153], %sub3A_150 {strides = array<i32>} : memref<8x2048xf32, #tpu.memory_space<vmem>>, vector<16xf32>,
      %scan3A_155 = arith.constant 3 : i32
      %scan3A_156 = arith.addi %scan3A_102, %scan3A_155 : i32
      %mul3A_157 = arith.constant 16 : i32
      %mul3A_158 = arith.muli %scan3A_156, %mul3A_157 : i32
      %add3A_159 = arith.constant 0 : i32
      %add3A_160 = arith.addi %add3A_159, %mul3A_158 : i32
      %get3A_161 = arith.constant 6 : i32
      %get3A_162 = arith.index_cast %get3A_161 : i32 to index
      %get3A_163 = arith.index_cast %add3A_160 : i32 to index
      %get3A_164 = tpu.vector_load %arg6[%get3A_162, %get3A_163] {strides = array<i32>} : memref<8x2048xf32, #tpu.memory_space<vmem>>, vector<16xf32>,
      %get3A_165 = arith.constant 6 : i32
      %get3A_166 = arith.index_cast %get3A_165 : i32 to index
      %get3A_167 = arith.index_cast %add3A_160 : i32 to index
      %get3A_168 = tpu.vector_load %arg7[%get3A_166, %get3A_167] {strides = array<i32>} : memref<8x2048xf32, #tpu.memory_space<vmem>>, vector<16xf32>,
      %sub3A_169 = arith.subf %get3A_164, %get3A_168 : vector<16xf32>
      %swap3A_170 = arith.constant 6 : i32
      %swap3A_171 = arith.index_cast %swap3A_170 : i32 to index
      %swap3A_172 = arith.index_cast %add3A_160 : i32 to index
      %swap3A_173 = tpu.vector_load %arg8[%swap3A_171, %swap3A_172] {strides = array<i32>} : memref<8x2048xf32, #tpu.memory_space<vmem>>, vector<16xf32>,
      tpu.vector_store %arg8[%swap3A_171, %swap3A_172], %sub3A_169 {strides = array<i32>} : memref<8x2048xf32, #tpu.memory_space<vmem>>, vector<16xf32>,
    }
    %scan3A_78 = arith.constant 128 : i32
    %scan3A_79 = arith.constant 0 : i32
    %scan3A_80 = arith.constant 128 : i32
    %scan3A_81 = arith.addi %scan3A_79, %scan3A_80 : i32
    %scan3A_82 = arith.constant 4 : i32
    scf.for %scan3A_102 = %scan3A_79 to %scan3A_81 step %scan3A_82  : i32 {
      %mul3A_103 = arith.constant 16 : i32
      %mul3A_104 = arith.muli %scan3A_102, %mul3A_103 : i32
      %add3A_105 = arith.constant 0 : i32
      %add3A_106 = arith.addi %add3A_105, %mul3A_104 : i32
      %get3A = arith.constant 7 : i32
      %get3A_107 = arith.index_cast %get3A : i32 to index
      %get3A_108 = arith.index_cast %add3A_106 : i32 to index
      %get3A_109 = tpu.vector_load %arg6[%get3A_107, %get3A_108] {strides = array<i32>} : memref<8x2048xf32, #tpu.memory_space<vmem>>, vector<16xf32>,
      %get3A_110 = arith.constant 7 : i32
      %get3A_111 = arith.index_cast %get3A_110 : i32 to index
      %get3A_112 = arith.index_cast %add3A_106 : i32 to index
      %get3A_113 = tpu.vector_load %arg7[%get3A_111, %get3A_112] {strides = array<i32>} : memref<8x2048xf32, #tpu.memory_space<vmem>>, vector<16xf32>,
      %sub3A = arith.subf %get3A_109, %get3A_113 : vector<16xf32>
      %swap3A = arith.constant 7 : i32
      %swap3A_114 = arith.index_cast %swap3A : i32 to index
      %swap3A_115 = arith.index_cast %add3A_106 : i32 to index
      %swap3A_116 = tpu.vector_load %arg8[%swap3A_114, %swap3A_115] {strides = array<i32>} : memref<8x2048xf32, #tpu.memory_space<vmem>>, vector<16xf32>,
      tpu.vector_store %arg8[%swap3A_114, %swap3A_115], %sub3A {strides = array<i32>} : memref<8x2048xf32, #tpu.memory_space<vmem>>, vector<16xf32>,
      %scan3A_117 = arith.constant 1 : i32
      %scan3A_118 = arith.addi %scan3A_102, %scan3A_117 : i32
      %mul3A_119 = arith.constant 16 : i32
      %mul3A_120 = arith.muli %scan3A_118, %mul3A_119 : i32
      %add3A_121 = arith.constant 0 : i32
      %add3A_122 = arith.addi %add3A_121, %mul3A_120 : i32
      %get3A_123 = arith.constant 7 : i32
      %get3A_124 = arith.index_cast %get3A_123 : i32 to index
      %get3A_125 = arith.index_cast %add3A_122 : i32 to index
      %get3A_126 = tpu.vector_load %arg6[%get3A_124, %get3A_125] {strides = array<i32>} : memref<8x2048xf32, #tpu.memory_space<vmem>>, vector<16xf32>,
      %get3A_127 = arith.constant 7 : i32
      %get3A_128 = arith.index_cast %get3A_127 : i32 to index
      %get3A_129 = arith.index_cast %add3A_122 : i32 to index
      %get3A_130 = tpu.vector_load %arg7[%get3A_128, %get3A_129] {strides = array<i32>} : memref<8x2048xf32, #tpu.memory_space<vmem>>, vector<16xf32>,
      %sub3A_131 = arith.subf %get3A_126, %get3A_130 : vector<16xf32>
      %swap3A_132 = arith.constant 7 : i32
      %swap3A_133 = arith.index_cast %swap3A_132 : i32 to index
      %swap3A_134 = arith.index_cast %add3A_122 : i32 to index
      %swap3A_135 = tpu.vector_load %arg8[%swap3A_133, %swap3A_134] {strides = array<i32>} : memref<8x2048xf32, #tpu.memory_space<vmem>>, vector<16xf32>,
      tpu.vector_store %arg8[%swap3A_133, %swap3A_134], %sub3A_131 {strides = array<i32>} : memref<8x2048xf32, #tpu.memory_space<vmem>>, vector<16xf32>,
      %scan3A_136 = arith.constant 2 : i32
      %scan3A_137 = arith.addi %scan3A_102, %scan3A_136 : i32
      %mul3A_138 = arith.constant 16 : i32
      %mul3A_139 = arith.muli %scan3A_137, %mul3A_138 : i32
      %add3A_140 = arith.constant 0 : i32
      %add3A_141 = arith.addi %add3A_140, %mul3A_139 : i32
      %get3A_142 = arith.constant 7 : i32
      %get3A_143 = arith.index_cast %get3A_142 : i32 to index
      %get3A_144 = arith.index_cast %add3A_141 : i32 to index
      %get3A_145 = tpu.vector_load %arg6[%get3A_143, %get3A_144] {strides = array<i32>} : memref<8x2048xf32, #tpu.memory_space<vmem>>, vector<16xf32>,
      %get3A_146 = arith.constant 7 : i32
      %get3A_147 = arith.index_cast %get3A_146 : i32 to index
      %get3A_148 = arith.index_cast %add3A_141 : i32 to index
      %get3A_149 = tpu.vector_load %arg7[%get3A_147, %get3A_148] {strides = array<i32>} : memref<8x2048xf32, #tpu.memory_space<vmem>>, vector<16xf32>,
      %sub3A_150 = arith.subf %get3A_145, %get3A_149 : vector<16xf32>
      %swap3A_151 = arith.constant 7 : i32
      %swap3A_152 = arith.index_cast %swap3A_151 : i32 to index
      %swap3A_153 = arith.index_cast %add3A_141 : i32 to index
      %swap3A_154 = tpu.vector_load %arg8[%swap3A_152, %swap3A_153] {strides = array<i32>} : memref<8x2048xf32, #tpu.memory_space<vmem>>, vector<16xf32>,
      tpu.vector_store %arg8[%swap3A_152, %swap3A_153], %sub3A_150 {strides = array<i32>} : memref<8x2048xf32, #tpu.memory_space<vmem>>, vector<16xf32>,
      %scan3A_155 = arith.constant 3 : i32
      %scan3A_156 = arith.addi %scan3A_102, %scan3A_155 : i32
      %mul3A_157 = arith.constant 16 : i32
      %mul3A_158 = arith.muli %scan3A_156, %mul3A_157 : i32
      %add3A_159 = arith.constant 0 : i32
      %add3A_160 = arith.addi %add3A_159, %mul3A_158 : i32
      %get3A_161 = arith.constant 7 : i32
      %get3A_162 = arith.index_cast %get3A_161 : i32 to index
      %get3A_163 = arith.index_cast %add3A_160 : i32 to index
      %get3A_164 = tpu.vector_load %arg6[%get3A_162, %get3A_163] {strides = array<i32>} : memref<8x2048xf32, #tpu.memory_space<vmem>>, vector<16xf32>,
      %get3A_165 = arith.constant 7 : i32
      %get3A_166 = arith.index_cast %get3A_165 : i32 to index
      %get3A_167 = arith.index_cast %add3A_160 : i32 to index
      %get3A_168 = tpu.vector_load %arg7[%get3A_166, %get3A_167] {strides = array<i32>} : memref<8x2048xf32, #tpu.memory_space<vmem>>, vector<16xf32>,
      %sub3A_169 = arith.subf %get3A_164, %get3A_168 : vector<16xf32>
      %swap3A_170 = arith.constant 7 : i32
      %swap3A_171 = arith.index_cast %swap3A_170 : i32 to index
      %swap3A_172 = arith.index_cast %add3A_160 : i32 to index
      %swap3A_173 = tpu.vector_load %arg8[%swap3A_171, %swap3A_172] {strides = array<i32>} : memref<8x2048xf32, #tpu.memory_space<vmem>>, vector<16xf32>,
      tpu.vector_store %arg8[%swap3A_171, %swap3A_172], %sub3A_169 {strides = array<i32>} : memref<8x2048xf32, #tpu.memory_space<vmem>>, vector<16xf32>,
    }
    %scan3A_83 = arith.constant 128 : i32
    %add3A_84 = arith.constant 304 : i32
    %add3A_85 = arith.addi %mul3A_2, %add3A_84 : i32
    %dma_start3A_86 = arith.constant 0 : i32
    %dma_start3A_87 = tpu.memref_slice %arg4[%add3A_85, %dma_start3A_86] : memref<9984x2048xf32, #tpu.memory_space<hbm>> -> memref<8x2048xf32, #tpu.memory_space<hbm>>
    %dma_start3A_88 = arith.constant 0 : i32
    %dma_start3A_89 = tpu.memref_slice %arg4[%add3A_85, %dma_start3A_88] : memref<9984x2048xf32, #tpu.memory_space<hbm>> -> memref<8x2048xf32, #tpu.memory_space<hbm>>
    tpu.enqueue_dma source(%arg8 : memref<8x2048xf32, #tpu.memory_space<vmem>>) target(%dma_start3A_89 : memref<8x2048xf32, #tpu.memory_space<hbm>>) target_semaphore(%arg14 : memref<!tpu.dma_semaphore, #tpu.memory_space<semaphore_mem>>)
    %add3A_90 = arith.constant 296 : i32
    %add3A_91 = arith.addi %mul3A_2, %add3A_90 : i32
    %dma_wait3A_92 = arith.constant 0 : i32
    %dma_wait3A_93 = tpu.memref_slice %arg4[%add3A_91, %dma_wait3A_92] : memref<9984x2048xf32, #tpu.memory_space<hbm>> -> memref<8x2048xf32, #tpu.memory_space<hbm>>
    %dma_wait3A_94 = arith.constant 0 : i32
    %dma_wait3A_95 = tpu.memref_slice %arg4[%add3A_91, %dma_wait3A_94] : memref<9984x2048xf32, #tpu.memory_space<hbm>> -> memref<8x2048xf32, #tpu.memory_space<hbm>>
    tpu.wait_dma2 semaphore(%arg17 : memref<!tpu.dma_semaphore, #tpu.memory_space<semaphore_mem>>) src(%arg11 : memref<8x2048xf32, #tpu.memory_space<vmem>>) dst(%dma_wait3A_95 : memref<8x2048xf32, #tpu.memory_space<hbm>>)
    %add3A_96 = arith.constant 304 : i32
    %add3A_97 = arith.addi %mul3A_2, %add3A_96 : i32
    %dma_wait3A_98 = arith.constant 0 : i32
    %dma_wait3A_99 = tpu.memref_slice %arg4[%add3A_97, %dma_wait3A_98] : memref<9984x2048xf32, #tpu.memory_space<hbm>> -> memref<8x2048xf32, #tpu.memory_space<hbm>>
    %dma_wait3A_100 = arith.constant 0 : i32
    %dma_wait3A_101 = tpu.memref_slice %arg4[%add3A_97, %dma_wait3A_100] : memref<9984x2048xf32, #tpu.memory_space<hbm>> -> memref<8x2048xf32, #tpu.memory_space<hbm>>
    tpu.wait_dma2 semaphore(%arg14 : memref<!tpu.dma_semaphore, #tpu.memory_space<semaphore_mem>>) src(%arg8 : memref<8x2048xf32, #tpu.memory_space<vmem>>) dst(%dma_wait3A_101 : memref<8x2048xf32, #tpu.memory_space<hbm>>)
    return
  }
}

</mosaic_0001>

<sc_bundles>
// kernel: kernel.3.cloned.1.call-start
scs
__scs_entry_jumppad:
0x0: {  	(pc) =	sbr.rel $0x88, $3  }
0x1: {  	(tag) =	ssettag $0x0;
	lr =	simm.s32 $0x1  }
0x2: {  	[smem:$0x3F9F] =	sst lr;
	_ =	strace $0xD0000000  }
0x3: {  	_ = 	snop  }
0x4: {  	_ = 	snop  }
0x5: {  	_ = 	snop  }
0x6: {  	_ = 	snop  }
0x7: {  	_ = 	snop  }
__scs_overlays_trampoline_lowered:
0x8: {  	[smem:$0x3FAE] =	sst s0  }
0x9: {  	[smem:$0x3FAF] =	sst s1  }
0xa: {  	[smem:$0x3FB0] =	sst s2  }
0xb: {  	[smem:$0x3FB1] =	sst s3  }
0xc: {  	[smem:$0x3FB2] =	sst s4  }
0xd: {  	[smem:$0x3FB3] =	sst s5  }
0xe: {  	[smem:$0x3FB4] =	sst s6  }
0xf: {  	[smem:$0x3FB5] =	sst s7  }
0x10: {  	[smem:$0x3FB6] =	sst s8  }
0x11: {  	[smem:$0x3FB7] =	sst s9;
	s0 =	simm.s32 @!p0 $0x0  }
0x12: {  	s1 =	sld [smem:$0x3F9D];
	s0 =	simm.s32 @p0 $0x1  }
0x13: {  	[smem:$0x3FB8] =	sst s0;
	s0 =	simm.s32 @!p1 $0x0  }
0x14: {  	s2 =	sld [smem:$0x3F9C];
	s0 =	simm.s32 @p1 $0x1  }
0x15: {  	[smem:$0x3FB9] =	sst s0;
	s0 =	simm.s32 @!p2 $0x0  }
0x16: {  	s3 =	sld [smem:$0x3FDB];
	s0 =	simm.s32 @p2 $0x1  }
0x17: {  	s4 =	simm.s32 $0x1BF5;
	[smem:$0x3FBB] =	sst s0  }
0x18: {  	s0 =	sld [smem:$0x3F9E];
	_ =	swait.ge [sflag:s4], $0x0  }
0x19: {  	s7 =	sld [smem:$0x3F9F]  }
0x1a: {  	s8 =	sadd.s32 $0xFFFFE003, lr  }
0x1b: {  	s9 =	sadd.s32 $0xFFFFFEF7, lr;
	s5 =	simm.s32 $0xFFFFFFFF;
	p2 =	slt.u32 s8, $0xFFFFF086  }
0x1c: {  	p1 =	slt.u32 s9, $0xF7A;
	s5 =	simm.s32 @!p2 $0x0  }
0x1d: {  	s5 =	simm.s32 @p1 $0x1;
	p0 =	seq.s32 s7, s2  }
0x1e: {  	s7 =	smul.u32 @!p0 $0xF7A, s2;
	p2 =	seq.s32 @!p0 s5, $0x0  }
0x1f: {  	s9 =	smul.u32 $0xF7A, s1;
	s8 =	simm.s32 @!p0 $0x1BF5;
	p2 =	por !p2, p0  }
0x20: {  	[sflag:s8] =	ssyncset.s32 @!p0 $0xFFFFF086;
	s6 =	sadd.s32 @!p0 s3, s7;
	s7 =	simm.s32 @!p0 $0x108  }
0x21: {  	s3 =	sadd.s32 s3, s9;
	s6 =	sadd.s32 @!p0 $0x88, s6;
	s7 =	simm.s32 @p2 $0x1082  }
0x22: {  	[simem:s7], [sflag:s8] =	dma.local @!p0 [hbm:s6], $0xF7A  }
0x23: {  	s9 =	sor.u32 $0xD0000000, s2;
	s6 =	simm.s32 $0x108;
	_ =	swait.ge @!p0 [sflag:s8], $0x0  }
0x24: {  	s3 =	sadd.s32 $0x88, s3;
	s6 =	simm.s32 @!p1 $0x1082;
	[sflag:s4] =	ssyncset.s32 $0xFFFFF086  }
0x25: {  	[simem:s6], [sflag:s4] =	dma.local [hbm:s3], $0xF7A  }
0x26: {  	[smem:$0x3F9F] =	sst s1;
	(tag) =	ssettag s2;
	_ =	strace s9  }
0x27: {  	s1 =	sld [smem:$0x3FAF]  }
0x28: {  	s2 =	sld [smem:$0x3FB0]  }
0x29: {  	s4 =	sld [smem:$0x3FB2]  }
0x2a: {  	p0 =	seq.s32 s5, $0x0;
	s5 =	sld [smem:$0x3FB3]  }
0x2b: {  	s6 =	sld [smem:$0x3FB4]  }
0x2c: {  	s7 =	sld [smem:$0x3FB5]  }
0x2d: {  	s3 =	simm.s32 $0x108;
	s8 =	sld [smem:$0x3FB6]  }
0x2e: {  	s3 =	simm.s32 @!p0 $0x1082;
	s9 =	sld [smem:$0x3FB7]  }
0x2f: {  	lr =	sadd.s32 s0, s3;
	s0 =	sld [smem:$0x3FAE]  }
0x30: {  	s3 =	sld [smem:$0x3FB1]  }
0x31: {  	[smem:$0x3FBA] =	sst s10  }
0x32: {  	s10 =	sld [smem:$0x3FB8];
	_ =	sdelay $0x3  }
0x33: {  	p0 =	seq.s32 s10, $0x1;
	s10 =	sld [smem:$0x3FBA];
	_ =	sdelay $0x3  }
0x34: {  	[smem:$0x3FBA] =	sst s10  }
0x35: {  	s10 =	sld [smem:$0x3FB9];
	_ =	sdelay $0x3  }
0x36: {  	p1 =	seq.s32 s10, $0x1;
	s10 =	sld [smem:$0x3FBA];
	_ =	sdelay $0x3  }
0x37: {  	[smem:$0x3FBA] =	sst s10  }
0x38: {  	s10 =	sld [smem:$0x3FBB]  }
0x39: {  	_ = 	snop;
	(pc) =	sbr.ind lr, $3  }
0x3a: {  	_ = 	snop  }
0x3b: {  	_ = 	snop  }
0x3c: {  	p2 =	seq.s32 s10, $0x1;
	s10 =	sld [smem:$0x3FBA]  }
0x3d: {  	_ =	shalt  }
0x3e: {  	_ =	shalt  }
0x3f: {  	_ =	shalt  }
0x40: {  	_ =	shalt  }
0x41: {  	_ =	shalt  }
0x42: {  	_ =	shalt  }
0x43: {  	_ =	shalt  }
0x44: {  	_ =	shalt  }
0x45: {  	_ =	shalt  }
0x46: {  	_ =	shalt  }
0x47: {  	_ =	shalt  }
0x48: {  	_ =	shalt  }
0x49: {  	_ =	shalt  }
0x4a: {  	_ =	shalt  }
0x4b: {  	_ =	shalt  }
0x4c: {  	_ =	shalt  }
0x4d: {  	_ =	shalt  }
0x4e: {  	_ =	shalt  }
0x4f: {  	_ =	shalt  }
0x50: {  	_ =	shalt  }
0x51: {  	_ =	shalt  }
0x52: {  	_ =	shalt  }
0x53: {  	_ =	shalt  }
0x54: {  	_ =	shalt  }
0x55: {  	_ =	shalt  }
0x56: {  	_ =	shalt  }
0x57: {  	_ =	shalt  }
0x58: {  	_ =	shalt  }
0x59: {  	_ =	shalt  }
0x5a: {  	_ =	shalt  }
0x5b: {  	_ =	shalt  }
0x5c: {  	_ =	shalt  }
0x5d: {  	_ =	shalt  }
0x5e: {  	_ =	shalt  }
0x5f: {  	_ =	shalt  }
0x60: {  	_ =	shalt  }
0x61: {  	_ =	shalt  }
0x62: {  	_ =	shalt  }
0x63: {  	_ =	shalt  }
0x64: {  	_ =	shalt  }
0x65: {  	_ =	shalt  }
0x66: {  	_ =	shalt  }
0x67: {  	_ =	shalt  }
0x68: {  	_ =	shalt  }
0x69: {  	_ =	shalt  }
0x6a: {  	_ =	shalt  }
0x6b: {  	_ =	shalt  }
0x6c: {  	_ =	shalt  }
0x6d: {  	_ =	shalt  }
0x6e: {  	_ =	shalt  }
0x6f: {  	_ =	shalt  }
0x70: {  	_ =	shalt  }
0x71: {  	_ =	shalt  }
0x72: {  	_ =	shalt  }
0x73: {  	_ =	shalt  }
0x74: {  	_ =	shalt  }
0x75: {  	_ =	shalt  }
0x76: {  	_ =	shalt  }
0x77: {  	_ =	shalt  }
0x78: {  	_ =	shalt  }
0x79: {  	_ =	shalt  }
0x7a: {  	_ =	shalt  }
0x7b: {  	_ =	shalt  }
0x7c: {  	_ =	shalt  }
0x7d: {  	_ =	shalt  }
0x7e: {  	_ =	shalt  }
0x7f: {  	_ =	shalt  }
0x80: {  	_ =	shalt  }
0x81: {  	_ =	shalt  }
0x82: {  	_ =	shalt  }
0x83: {  	_ =	shalt  }
0x84: {  	_ =	shalt  }
0x85: {  	_ =	shalt  }
0x86: {  	_ =	shalt  }
0x87: {  	_ =	shalt  }
.Lfunc_end0:
.L_simem_size_0:
called_computation_lowered:
.L_overlay_start_0:
0x88: {  	s2 =	sld [smem:$0x3FD9]  }
0x89: {  	s3 =	sld [smem:$0x3FFE];
	_ =	sdelay $0x1  }
0x8a: {  	s1 =	srdreg.scid  }
0x8b: {  	s0 =	sand.u32 $0x1, s1  }
0x8c: {  	s17 =	sshll.u32 s0, $0xA;
	s2 =	sadd.s32 s3, s2  }
0x8d: {  	s2 =	sadd.s32 s2, s17  }
0x8e: {  	[smem:$0x3FC6] =	sst s2  }
0x8f: {  	_ = 	snop  }
0x90: {  	s2 =	sld [smem:$0x3FC9]  }
0x91: {  	s18 =	sld [smem:$0x3FD0];
	(tm) =	ssettm $0x1  }
0x92: {  	s4 =	sld [smem:$0x3FFB];
	_ =	sdelay $0x3  }
0x93: {  	_ =	strace s4  }
0x94: {  	s4 =	sld [smem:$0x3FFC];
	_ =	sdelay $0x3  }
0x95: {  	_ =	strace s4  }
0x96: {  	s4 =	sld [smem:$0x3FFD];
	_ =	sdelay $0x3  }
0x97: {  	_ =	strace s4  }
0x98: {  	_ =	strace $0x8FFFFFFF  }
0x99: {  	s19 =	sld [smem:$0x3FDB];
	_ =	sdelay $0x1  }
0x9a: {  	s5 =	simm.s32 $_scs_section_size  }
0x9b: {  	s6 =	simm.s32 $_size__tile_overlayer_lowered;
	s7 =	simm.s32 $_tile_overlayer_lowered  }
0x9c: {  	s22 =	simm.s32 $0x1BFF;
	s21 =	sshll.u32 s7, $0x1;
	s4 =	sadd.s32 s5, s19  }
0x9d: {  	s8 =	simm.s32 $0x0;
	s20 =	sshll.u32 s6, $0x1;
	s6 =	sadd.s32 s21, s4  }
0x9e: {  	[timem:s8], [sflag:s22] =	dma.local [hbm:s6], s20  }
0x9f: {  	_ =	swait.ge [sflag:s22], s20  }
0xa0: {  	s5 =	ssub.s32 $0x0, s20;
	[sflag:s22] =	ssyncset.done $0x0  }
0xa1: {  	[sflag:s22] =	ssyncadd.s32 s5;
	_ =	sdelay $0x1  }
0xa2: {  	s23 =	simm.s32 $0x1B8B  }
0xa3: {  	_ =	swait.ge [sflag:s23], $0x1  }
0xa4: {  	[sflag:s23] =	ssyncset.done $0x0  }
0xa5: {  	s25 =	simm.s32 $0x1B8E;
	s24 =	sld [smem:$0x3FFE];
	[sflag:s23] =	ssyncadd.s32 $0xFFFFFFFF  }
0xa6: {  	s26 =	simm.s32 $execute0_lowered;
	[smem:$0x3FD2] =	sst s25  }
0xa7: {  	s6 =	sshll.u32 s26, $0x1;
	_ =	strace $0x80000046;
	[dreg:$0x1] =	wrdreg $0xFFFFFFFF  }
0xa8: {  	s28 =	simm.s32 $_size_execute0_lowered;
	s4 =	sadd.s32 s4, s6;
	[dreg:$0x0] =	wrdreg $0x0  }
0xa9: {  	s6 =	sshll.u32 s28, $0x1;
	[dreg:$0x2] =	wrdreg s4  }
0xaa: {  	[dreg:$0x3] =	wrdreg s6  }
0xab: {  	[dreg:$0x4] =	wrdreg $0xC0  }
0xac: {  	_ =	task [dreg:s8], $0x5FFFF  }
0xad: {  	[dreg:$0x1] =	wrdreg $0xFFFFFFFF  }
0xae: {  	[dreg:$0x0] =	wrdreg $0x60  }
0xaf: {  	[dreg:$0x2] =	wrdreg s24  }
0xb0: {  	[dreg:$0x3] =	wrdreg s2  }
0xb1: {  	[dreg:$0x4] =	wrdreg s18  }
0xb2: {  	[dreg:$0x5] =	wrdreg $0x9  }
0xb3: {  	_ =	task.clear_ibuf [dreg:s8], $0x6FFFF;
	_ =	strace $0x90000046  }
0xb4: {  	s29 =	simm.s32 $0x9;
	_ =	strace $0x80000048  }
0xb5: {  	_ =	swait.ge [sflag:s29], $0x1  }
0xb6: {  	[sflag:s29] =	ssyncadd.s32 $0xFFFFFFFF  }
0xb7: {  	_ =	strace $0x90000048  }
0xb8: {  	_ =	sfence  }
0xb9: {  	s30 =	sld [smem:$0x0];
	_ =	sdelay $0x2  }
0xba: {  	s31 =	sshll.u32 s1, $0xD;
	s1 =	sshrl.u32 s1, $0x2  }
0xbb: {  	s3 =	sand.u32 $0x4000, s31;
	s1 =	sadd.s32 s1, s30  }
0xbc: {  	s0 =	sor.u32 s3, s0;
	s1 =	sshll.u32 s1, $0x11  }
0xbd: {  	s0 =	sor.u32 s1, s0  }
0xbe: {  	s0 =	sadd.s32 $0x8F2B, s0  }
0xbf: {  	[sflag:s0] =	ssyncadd.remote.s32 $0x1  }
0xc0: {  	_ =	sfence.sel $0xFFFF  }
0xc1: {  	[dreg:$0x0] =	wrdreg $0xFFFFFFFF;
	(pc) =	sbr.abs _section_cstart, $3  }
0xc2: {  	[dreg:$0x1] =	wrdreg $0xFFFFFFFF  }
0xc3: {  	_ =	task.clear_ibuf [dreg:s8], $0x2FFFF;
	_ =	strace $0x9FFFFFFF  }
0xc4: {  	(tm) =	ssettm $0x7FFFFFFF  }
0xc5: {  	_ =	shalt  }
tec
execute0_lowered:
.L_overlay_start_1:
0x0: {  	(tag) =	ssettag $0x1  }
0x1: {  	s0 =	rddreg [dreg:$0x0];
	s1 =	srdreg.scid  }
0x2: {  	s3 =	stileid.u32;
	s2 =	rddreg [dreg:$0x1]  }
0x3: {  	s31 =	simm.s32 $0x1;
	s19 =	simm.s32 $0x0;
	s1 =	sand.u32 $0x1, s1  }
0x4: {  	s4 =	sshll.u32 s3, $0x1;
	s3 =	rddreg [dreg:$0x2];
	s10 =	sadd.s32 $0x200, s2  }
0x5: {  	s11 =	sadd.s32 $0x300, s2;
	s12 =	sadd.s32 $0x400, s2;
	s13 =	sadd.s32 $0x500, s2  }
0x6: {  	s14 =	sadd.s32 $0x600, s2;
	s15 =	sadd.s32 $0x700, s2;
	s6 =	sor.u32 s1, s4  }
0x7: {  	s4 =	simm.s32 $0x0;
	s1 =	ssub.s32 $0x2, s1;
	s5 =	smul.u32 $0x138, s6  }
0x8: {  	[smem:$0x7FF] =	sst s4;
	s8 =	sshrl.u32 s1, $0x1;
	s9 =	smul.u32 $0x13800, s6  }
0x9: {  	_ =	strace $0x80000047;
	s1 =	ssub.s32 s1, s8;
	s8 =	smul.u32 $0x9C000, s6  }
0xa: {  	s7 =	sshrl.u32 s5, $0x3;
	s26 =	sadd.s32 s2, s9;
	s9 =	sadd.s32 $0x100, s2  }
0xb: {  	s17 =	sadd.s32 $0x8, s5;
	s30 =	smax.u32 s1, $0x1;
	s1 =	simm.s32 $0x2  }
0xc: {  	s0 =	sadd.s32 s7, s0;
	[dreg:$0x5] =	wrdreg s26;
	s28 =	sshrl.u32 s8, $0x3  }
0xd: {  	[dreg:$0x8] =	wrdreg s30;
	s0 =	sadd.s32 $0x400, s0;
	s29 =	sadd.s32 s2, s28  }
0xe: {  	v0 =	vlaneseq.u32;
	[dreg:$0x4] =	wrdreg s0;
	s6 =	sadd.s32 $0x800, s29;
	s0 =	sadd.s32 s3, s28  }
0xf: {  	v1 =	vshrl.u32 v0, $0x3;
	s7 =	simm.s32 $0x5;
	[dreg:$0x6] =	wrdreg s6;
	s0 =	sadd.s32 $0x13000, s0  }
0x10: {  	vm0 =	vmmov $0xffff;
	v0 =	vand.u32 $0x7, v0;
	v1 =	vmul.u32 $0x8, v1;
	s6 =	simm.s32 $0x4;
	[dreg:$0x7] =	wrdreg s0;
	s0 =	simm.s32 $0x8180  }
.LBB2_1:
0x11: {  	[dreg:$0x9] =	wrdreg s19  }
0x12: {  	s16 =	rddreg [dreg:$0x4];
	s22 =	simm.s32 $0x7  }
0x13: {  	[tilespmem:s4], [sflag:$0x7] =	stream.linear.gather [hbm4b:s16+s4], $0x138, $0x38;
	[tilespmem:$0x18180] =	vst v63  }
0x14: {  	_ =	swait.ge [sflag:s22], $0x138  }
0x15: {  	[sflag:s22] =	ssyncset.done $0x0  }
0x16: {  	s18 =	simm.s32 $0x180;
	s23 =	rddreg [dreg:$0x5];
	[sflag:s22] =	ssyncadd.s32 $0xFFFFFEC8  }
0x17: {  	[tilespmem:s18], [sflag:$0x1] =	stream.linear.gather [hbm4b:s23+s4], $0x4000, $0x38;
	[tilespmem:$0x18180] =	vst v63  }
0x18: {  	v2 =	vld.msk [tilespmem:$0x0], $0xff;
	_ =	sdelay $0x4  }
0x19: {  	v3 =	vshll.u32 v2, $0x4  }
0x1a: {  	v2 =	vand.u32 $0x7, v2;
	v3 =	vand.u32 $0xFFFFFF80, v3  }
0x1b: {  	v2 =	vor.u32 v2, v3  }
0x1c: {  	v2 =	vperm.xlane v2, v0;
	_ =	sdelay $0x1  }
0x1d: {  	v2 =	vadd.s32 v1, v2;
	_ =	sdelay $0x3  }
0x1e: {  	s24 =	simm.s32 $0x4180  }
0x1f: {  	[tilespmem:s24], [sflag:$0x2] =	stream.indirect_vreg.gather [hbm4b:s2+s4], $0x80, v2, vm0, $0xb8;
	[tilespmem:$0x18180] =	vst v63  }
0x20: {  	s25 =	simm.s32 $0x4980  }
0x21: {  	[tilespmem:s25], [sflag:$0x2] =	stream.indirect_vreg.gather [hbm4b:s9+s4], $0x80, v2, vm0, $0xb8;
	[tilespmem:$0x18180] =	vst v63  }
0x22: {  	s26 =	simm.s32 $0x5180  }
0x23: {  	[tilespmem:s26], [sflag:$0x2] =	stream.indirect_vreg.gather [hbm4b:s10+s4], $0x80, v2, vm0, $0xb8;
	[tilespmem:$0x18180] =	vst v63  }
0x24: {  	s28 =	simm.s32 $0x5980  }
0x25: {  	[tilespmem:s28], [sflag:$0x2] =	stream.indirect_vreg.gather [hbm4b:s11+s4], $0x80, v2, vm0, $0xb8;
	[tilespmem:$0x18180] =	vst v63  }
0x26: {  	s29 =	simm.s32 $0x6180  }
0x27: {  	[tilespmem:s29], [sflag:$0x2] =	stream.indirect_vreg.gather [hbm4b:s12+s4], $0x80, v2, vm0, $0xb8;
	[tilespmem:$0x18180] =	vst v63  }
0x28: {  	s30 =	simm.s32 $0x6980  }
0x29: {  	[tilespmem:s30], [sflag:$0x2] =	stream.indirect_vreg.gather [hbm4b:s13+s4], $0x80, v2, vm0, $0xb8;
	[tilespmem:$0x18180] =	vst v63  }
0x2a: {  	s18 =	simm.s32 $0x7180  }
0x2b: {  	[tilespmem:s18], [sflag:$0x2] =	stream.indirect_vreg.gather [hbm4b:s14+s4], $0x80, v2, vm0, $0xb8;
	[tilespmem:$0x18180] =	vst v63  }
0x2c: {  	s19 =	simm.s32 $0x7980  }
0x2d: {  	[tilespmem:s19], [sflag:$0x2] =	stream.indirect_vreg.gather [hbm4b:s15+s4], $0x80, v2, vm0, $0xb8;
	[tilespmem:$0x18180] =	vst v63  }
0x2e: {  	s21 =	simm.s32 $0xC180;
	s20 =	rddreg [dreg:$0x6]  }
0x2f: {  	[tilespmem:s21], [sflag:$0x4] =	stream.linear.gather [hbm4b:s20+s4], $0x4000, $0x38;
	[tilespmem:$0x18180] =	vst v63  }
0x30: {  	v2 =	vld.msk [tilespmem:$0x8], $0xff;
	_ =	sdelay $0x4  }
0x31: {  	v3 =	vshll.u32 v2, $0x4  }
0x32: {  	v2 =	vand.u32 $0x7, v2;
	v3 =	vand.u32 $0xFFFFFF80, v3  }
0x33: {  	v2 =	vor.u32 v2, v3  }
0x34: {  	v2 =	vperm.xlane v2, v0;
	_ =	sdelay $0x1  }
0x35: {  	v2 =	vadd.s32 v1, v2;
	_ =	sdelay $0x3  }
0x36: {  	s22 =	simm.s32 $0x10180  }
0x37: {  	[tilespmem:s22], [sflag:$0x5] =	stream.indirect_vreg.gather [hbm4b:s2+s4], $0x80, v2, vm0, $0xb8;
	[tilespmem:$0x18180] =	vst v63  }
0x38: {  	s23 =	simm.s32 $0x10980  }
0x39: {  	[tilespmem:s23], [sflag:$0x5] =	stream.indirect_vreg.gather [hbm4b:s9+s4], $0x80, v2, vm0, $0xb8;
	[tilespmem:$0x18180] =	vst v63  }
0x3a: {  	s24 =	simm.s32 $0x11180  }
0x3b: {  	[tilespmem:s24], [sflag:$0x5] =	stream.indirect_vreg.gather [hbm4b:s10+s4], $0x80, v2, vm0, $0xb8;
	[tilespmem:$0x18180] =	vst v63  }
0x3c: {  	s25 =	simm.s32 $0x11980  }
0x3d: {  	[tilespmem:s25], [sflag:$0x5] =	stream.indirect_vreg.gather [hbm4b:s11+s4], $0x80, v2, vm0, $0xb8;
	[tilespmem:$0x18180] =	vst v63  }
0x3e: {  	s26 =	simm.s32 $0x12180  }
0x3f: {  	[tilespmem:s26], [sflag:$0x5] =	stream.indirect_vreg.gather [hbm4b:s12+s4], $0x80, v2, vm0, $0xb8;
	[tilespmem:$0x18180] =	vst v63  }
0x40: {  	s28 =	simm.s32 $0x12980  }
0x41: {  	[tilespmem:s28], [sflag:$0x5] =	stream.indirect_vreg.gather [hbm4b:s13+s4], $0x80, v2, vm0, $0xb8;
	[tilespmem:$0x18180] =	vst v63  }
0x42: {  	s29 =	simm.s32 $0x13180  }
0x43: {  	[tilespmem:s29], [sflag:$0x5] =	stream.indirect_vreg.gather [hbm4b:s14+s4], $0x80, v2, vm0, $0xb8;
	[tilespmem:$0x18180] =	vst v63  }
0x44: {  	s30 =	simm.s32 $0x13980;
	s18 =	simm.s32 $0x0  }
0x45: {  	[tilespmem:s30], [sflag:$0x5] =	stream.indirect_vreg.gather [hbm4b:s15+s4], $0x80, v2, vm0, $0xb8;
	[tilespmem:$0x18180] =	vst v63  }
.LBB2_2:
0x46: {  	_ =	swait.ge [sflag:s31], $0x4000  }
0x47: {  	[sflag:s31] =	ssyncset.done $0x0  }
0x48: {  	[sflag:s31] =	ssyncadd.s32 $0xFFFFC000  }
0x49: {  	_ =	swait.ge [sflag:s1], $0x4000  }
0x4a: {  	p0 =	seq.s32 s18, $0x0;
	[sflag:s1] =	ssyncset.done $0x0  }
0x4b: {  	s16 =	simm.s32 @!p0 $0x3;
	[sflag:s1] =	ssyncadd.s32 $0xFFFFC000  }
0x4c: {  	s19 =	simm.s32 $0x0;
	_ =	swait.ge @!p0 [sflag:s16], $0x4000  }
0x4d: {  	s20 =	sand.u32 $0x40, s19;
	s19 =	sand.u32 $0x3C00, s19;
	[sflag:s16] =	ssyncset.done @!p0 $0x0  }
0x4e: {  	[sflag:s16] =	ssyncadd.s32 @!p0 $0xFFFFC000;
	s16 =	sor.u32 s20, s19  }
0x4f: {  	v2 =	vld [tilespmem:s16+$0x1B0]  }
0x50: {  	v3 =	vld [tilespmem:s16+$0x41B0]  }
0x51: {  	v4 =	vld [tilespmem:s16+$0x180]  }
0x52: {  	v5 =	vld [tilespmem:s16+$0x4180]  }
0x53: {  	v7 =	vld [tilespmem:s16+$0x190]  }
0x54: {  	s29 =	simm.s32 $0x200;
	s30 =	simm.s32 $0x40;
	v8 =	vld [tilespmem:s16+$0x4190]  }
0x55: {  	s21 =	sand.u32 $0x3C00, s29;
	s20 =	sand.u32 $0x40, s30;
	v9 =	vld [tilespmem:s16+$0x1A0];
	v3 =	vsub.f32 v2, v3  }
0x56: {  	s22 =	sor.u32 s20, s21;
	v10 =	vld [tilespmem:s16+$0x41A0]  }
0x57: {  	v2 =	vld [tilespmem:s22+$0x1B0];
	v4 =	vsub.f32 v4, v5;
	[tilespmem:s16+$0x81B0] =	vst v3  }
0x58: {  	v6 =	vld [tilespmem:s22+$0x41B0]  }
0x59: {  	v7 =	vsub.f32 v7, v8;
	v3 =	vld [tilespmem:s22+$0x180];
	[tilespmem:s16+$0x8180] =	vst v4  }
0x5a: {  	v5 =	vld [tilespmem:s22+$0x4180]  }
0x5b: {  	s23 =	simm.s32 $0x4;
	s24 =	simm.s32 $0x400;
	v8 =	vsub.f32 v9, v10;
	v4 =	vld [tilespmem:s22+$0x190];
	[tilespmem:s16+$0x8190] =	vst v7  }
0x5c: {  	s26 =	simm.s32 $0x80;
	s19 =	sshll.u32 s18, $0x4;
	s25 =	smov.u32 s16;
	v7 =	vld [tilespmem:s22+$0x4190]  }
.LBB2_3:
0x5d: {  	s28 =	sand.u32 $0x40, s26;
	s29 =	sand.u32 $0x3C00, s24;
	v9 =	vld [tilespmem:s22+$0x1A0];
	v6 =	vsub.f32 v2, v6;
	[tilespmem:s25+$0x81A0] =	vst v8;
	s25 =	smov.u32 s22  }
0x5e: {  	s23 =	sadd.s32 $0x4, s23;
	s22 =	sor.u32 s28, s29;
	v8 =	vld [tilespmem:s25+$0x41A0]  }
0x5f: {  	p1 =	slt.u32 s23, $0x7C;
	v2 =	vld [tilespmem:s22+$0x1B0];
	v5 =	vsub.f32 v3, v5;
	[tilespmem:s25+$0x81B0] =	vst v6  }
.Ltmp0:
0x60: {  	v6 =	vld [tilespmem:s22+$0x41B0];
	(pc) =	sbr.rel @p1 .LBB2_3-.Ltmp0, $4  }
0x61: {  	v3 =	vld [tilespmem:s22+$0x180];
	[tilespmem:s25+$0x8180] =	vst v5;
	v7 =	vsub.f32 v4, v7  }
0x62: {  	v5 =	vld [tilespmem:s22+$0x4180]  }
0x63: {  	v4 =	vld [tilespmem:s22+$0x190];
	[tilespmem:s25+$0x8190] =	vst v7;
	v8 =	vsub.f32 v9, v8  }
0x64: {  	s24 =	sadd.s32 $0x200, s24;
	s26 =	sadd.s32 $0x40, s26;
	v7 =	vld [tilespmem:s22+$0x4190]  }
0x65: {  	v9 =	vld [tilespmem:s22+$0x1A0];
	[tilespmem:s25+$0x81A0] =	vst v8  }
0x66: {  	v8 =	vld [tilespmem:s22+$0x41A0];
	_ =	sdelay $0x1  }
0x67: {  	v2 =	vsub.f32 v2, v6  }
0x68: {  	v3 =	vsub.f32 v3, v5  }
0x69: {  	[tilespmem:s22+$0x81B0] =	vst v2;
	v2 =	vsub.f32 v4, v7  }
0x6a: {  	[tilespmem:s22+$0x8180] =	vst v3;
	v3 =	vsub.f32 v9, v8  }
0x6b: {  	[tilespmem:s22+$0x8190] =	vst v2  }
0x6c: {  	[tilespmem:s22+$0x81A0] =	vst v3  }
0x6d: {  	v2 =	vld [tilespmem:s16+$0x230]  }
0x6e: {  	v3 =	vld [tilespmem:s16+$0x4230]  }
0x6f: {  	v4 =	vld [tilespmem:s16+$0x200]  }
0x70: {  	v5 =	vld [tilespmem:s16+$0x4200]  }
0x71: {  	v7 =	vld [tilespmem:s16+$0x210]  }
0x72: {  	v8 =	vld [tilespmem:s16+$0x4210]  }
0x73: {  	v9 =	vld [tilespmem:s16+$0x220];
	v3 =	vsub.f32 v2, v3  }
0x74: {  	s20 =	sor.u32 s20, s21;
	v10 =	vld [tilespmem:s16+$0x4220]  }
0x75: {  	v2 =	vld [tilespmem:s20+$0x230];
	v4 =	vsub.f32 v4, v5;
	[tilespmem:s16+$0x8230] =	vst v3  }
0x76: {  	v6 =	vld [tilespmem:s20+$0x4230]  }
0x77: {  	v7 =	vsub.f32 v7, v8;
	v3 =	vld [tilespmem:s20+$0x200];
	[tilespmem:s16+$0x8200] =	vst v4  }
0x78: {  	v5 =	vld [tilespmem:s20+$0x4200]  }
0x79: {  	v8 =	vsub.f32 v9, v10;
	v4 =	vld [tilespmem:s20+$0x210];
	[tilespmem:s16+$0x8210] =	vst v7  }
0x7a: {  	s21 =	simm.s32 $0x4;
	s23 =	simm.s32 $0x80;
	s22 =	simm.s32 $0x400;
	v7 =	vld [tilespmem:s20+$0x4210]  }
.LBB2_5:
0x7b: {  	s24 =	sand.u32 $0x40, s23;
	s25 =	sand.u32 $0x3C00, s22;
	v9 =	vld [tilespmem:s20+$0x220];
	v6 =	vsub.f32 v2, v6;
	[tilespmem:s16+$0x8220] =	vst v8;
	s16 =	smov.u32 s20  }
0x7c: {  	s21 =	sadd.s32 $0x4, s21;
	s20 =	sor.u32 s24, s25;
	v8 =	vld [tilespmem:s16+$0x4220]  }
0x7d: {  	p1 =	slt.u32 s21, $0x7C;
	v2 =	vld [tilespmem:s20+$0x230];
	v5 =	vsub.f32 v3, v5;
	[tilespmem:s16+$0x8230] =	vst v6  }
.Ltmp1:
0x7e: {  	v6 =	vld [tilespmem:s20+$0x4230];
	(pc) =	sbr.rel @p1 .LBB2_5-.Ltmp1, $4  }
0x7f: {  	v3 =	vld [tilespmem:s20+$0x200];
	[tilespmem:s16+$0x8200] =	vst v5;
	v7 =	vsub.f32 v4, v7  }
0x80: {  	v5 =	vld [tilespmem:s20+$0x4200]  }
0x81: {  	v4 =	vld [tilespmem:s20+$0x210];
	[tilespmem:s16+$0x8210] =	vst v7;
	v8 =	vsub.f32 v9, v8  }
0x82: {  	s22 =	sadd.s32 $0x200, s22;
	s23 =	sadd.s32 $0x40, s23;
	v7 =	vld [tilespmem:s20+$0x4210]  }
0x83: {  	v9 =	vld [tilespmem:s20+$0x220];
	[tilespmem:s16+$0x8220] =	vst v8  }
0x84: {  	v8 =	vld [tilespmem:s20+$0x4220];
	_ =	sdelay $0x1  }
0x85: {  	v2 =	vsub.f32 v2, v6  }
0x86: {  	v3 =	vsub.f32 v3, v5  }
0x87: {  	[tilespmem:s20+$0x8230] =	vst v2;
	v2 =	vsub.f32 v4, v7  }
0x88: {  	s30 =	simm.s32 $0x0;
	[tilespmem:s20+$0x8200] =	vst v3;
	v3 =	vsub.f32 v9, v8  }
0x89: {  	s21 =	sand.u32 $0x40, s30;
	s16 =	sand.u32 $0x3C00, s30;
	[tilespmem:s20+$0x8210] =	vst v2  }
0x8a: {  	s16 =	sor.u32 s21, s16;
	[tilespmem:s20+$0x8220] =	vst v3  }
0x8b: {  	p2 =	por $0x1, $0x1;
	v4 =	vld [tilespmem:s16+$0x2B0]  }
.Ltmp2:
0x8c: {  	v7 =	vld [tilespmem:s16+$0x42B0];
	(pc) =	sbr.rel @!p2 .LBB2_7-.Ltmp2, $4  }
0x8d: {  	v2 =	vld [tilespmem:s16+$0x280]  }
0x8e: {  	v5 =	vld [tilespmem:s16+$0x4280]  }
0x8f: {  	v3 =	vld [tilespmem:s16+$0x290]  }
0x90: {  	p1 =	por $0x0, $0x0;
	s21 =	simm.s32 $0x40;
	s20 =	simm.s32 $0x200;
	v6 =	vld [tilespmem:s16+$0x4290]  }
0x91: {  	s22 =	sand.u32 $0x40, s21;
	s23 =	sand.u32 $0x3C00, s20;
	v8 =	vld [tilespmem:s16+$0x2A0];
	v7 =	vsub.f32 v4, v7  }
0x92: {  	v9 =	vld [tilespmem:s16+$0x42A0];
	s22 =	sor.u32 s22, s23  }
0x93: {  	p4 =	por $0x1, $0x1;
	v4 =	vld [tilespmem:s22+$0x2B0];
	[tilespmem:s16+$0x82B0] =	vst v7;
	v5 =	vsub.f32 v2, v5  }
.Ltmp3:
0x94: {  	v7 =	vld [tilespmem:s22+$0x42B0];
	(pc) =	sbr.rel @!p4 .LBB2_9-.Ltmp3, $4  }
0x95: {  	v2 =	vld [tilespmem:s22+$0x280];
	[tilespmem:s16+$0x8280] =	vst v5;
	v6 =	vsub.f32 v3, v6  }
0x96: {  	v5 =	vld [tilespmem:s22+$0x4280]  }
0x97: {  	s25 =	simm.s32 $0x400;
	s26 =	simm.s32 $0x80;
	v3 =	vld [tilespmem:s22+$0x290];
	v8 =	vsub.f32 v8, v9;
	[tilespmem:s16+$0x8290] =	vst v6  }
0x98: {  	p3 =	por $0x1, $0x1;
	s24 =	smov.u32 s16;
	s23 =	simm.s32 $0x4;
	v6 =	vld [tilespmem:s22+$0x4290]  }
.LBB2_10:
0x99: {  	s28 =	sand.u32 $0x40, s26;
	s29 =	sand.u32 $0x3C00, s25;
	v9 =	vld [tilespmem:s22+$0x2A0];
	v7 =	vsub.f32 v4, v7;
	[tilespmem:s24+$0x82A0] =	vst v8;
	s24 =	smov.u32 s22  }
0x9a: {  	s23 =	sadd.s32 $0x4, s23;
	s22 =	sor.u32 s28, s29;
	v8 =	vld [tilespmem:s24+$0x42A0]  }
0x9b: {  	p4 =	slt.u32 s23, $0x7C;
	v4 =	vld [tilespmem:s22+$0x2B0];
	v5 =	vsub.f32 v2, v5;
	[tilespmem:s24+$0x82B0] =	vst v7  }
.Ltmp4:
0x9c: {  	v7 =	vld [tilespmem:s22+$0x42B0];
	(pc) =	sbr.rel @p4 .LBB2_10-.Ltmp4, $4  }
0x9d: {  	v2 =	vld [tilespmem:s22+$0x280];
	[tilespmem:s24+$0x8280] =	vst v5;
	v6 =	vsub.f32 v3, v6  }
0x9e: {  	v5 =	vld [tilespmem:s22+$0x4280]  }
0x9f: {  	v3 =	vld [tilespmem:s22+$0x290];
	[tilespmem:s24+$0x8290] =	vst v6;
	v8 =	vsub.f32 v9, v8  }
0xa0: {  	s25 =	sadd.s32 $0x200, s25;
	s26 =	sadd.s32 $0x40, s26;
	v6 =	vld [tilespmem:s22+$0x4290]  }
.LBB2_11:
0xa1: {  	v9 =	vld [tilespmem:s22+$0x2A0];
	[tilespmem:s24+$0x82A0] =	vst @p3 v8  }
0xa2: {  	v8 =	vld [tilespmem:s22+$0x42A0];
	_ =	sdelay $0x1  }
0xa3: {  	v4 =	vsub.f32 v4, v7  }
0xa4: {  	v2 =	vsub.f32 v2, v5  }
0xa5: {  	[tilespmem:s22+$0x82B0] =	vst v4;
	v3 =	vsub.f32 v3, v6  }
0xa6: {  	[tilespmem:s22+$0x8280] =	vst v2;
	v2 =	vsub.f32 v9, v8  }
0xa7: {  	[tilespmem:s22+$0x8290] =	vst v3  }
0xa8: {  	[tilespmem:s22+$0x82A0] =	vst v2  }
0xa9: {  	v4 =	vld [tilespmem:s16+$0x330]  }
.Ltmp5:
0xaa: {  	v7 =	vld [tilespmem:s16+$0x4330];
	(pc) =	sbr.rel @!p2 .LBB2_12-.Ltmp5, $4  }
0xab: {  	v3 =	vld [tilespmem:s16+$0x300]  }
0xac: {  	v5 =	vld [tilespmem:s16+$0x4300]  }
0xad: {  	v2 =	vld [tilespmem:s16+$0x310]  }
0xae: {  	v6 =	vld [tilespmem:s16+$0x4310]  }
0xaf: {  	s21 =	sand.u32 $0x40, s21;
	s20 =	sand.u32 $0x3C00, s20;
	v8 =	vld [tilespmem:s16+$0x320];
	v7 =	vsub.f32 v4, v7  }
0xb0: {  	v9 =	vld [tilespmem:s16+$0x4320];
	s20 =	sor.u32 s21, s20  }
0xb1: {  	p2 =	por $0x1, $0x1;
	v4 =	vld [tilespmem:s20+$0x330];
	[tilespmem:s16+$0x8330] =	vst v7;
	v5 =	vsub.f32 v3, v5  }
.Ltmp6:
0xb2: {  	v7 =	vld [tilespmem:s20+$0x4330];
	(pc) =	sbr.rel @!p2 .LBB2_15-.Ltmp6, $4  }
0xb3: {  	v3 =	vld [tilespmem:s20+$0x300];
	[tilespmem:s16+$0x8300] =	vst v5;
	v6 =	vsub.f32 v2, v6  }
0xb4: {  	v5 =	vld [tilespmem:s20+$0x4300]  }
0xb5: {  	s22 =	simm.s32 $0x400;
	v2 =	vld [tilespmem:s20+$0x310];
	v8 =	vsub.f32 v8, v9;
	[tilespmem:s16+$0x8310] =	vst v6  }
0xb6: {  	s23 =	simm.s32 $0x80;
	p1 =	por $0x1, $0x1;
	s21 =	simm.s32 $0x4;
	v6 =	vld [tilespmem:s20+$0x4310]  }
.LBB2_14:
0xb7: {  	s24 =	sand.u32 $0x40, s23;
	s25 =	sand.u32 $0x3C00, s22;
	v9 =	vld [tilespmem:s20+$0x320];
	v7 =	vsub.f32 v4, v7;
	[tilespmem:s16+$0x8320] =	vst v8;
	s16 =	smov.u32 s20  }
0xb8: {  	s21 =	sadd.s32 $0x4, s21;
	s20 =	sor.u32 s24, s25;
	v8 =	vld [tilespmem:s16+$0x4320]  }
0xb9: {  	p2 =	slt.u32 s21, $0x7C;
	v4 =	vld [tilespmem:s20+$0x330];
	v5 =	vsub.f32 v3, v5;
	[tilespmem:s16+$0x8330] =	vst v7  }
.Ltmp7:
0xba: {  	v7 =	vld [tilespmem:s20+$0x4330];
	(pc) =	sbr.rel @p2 .LBB2_14-.Ltmp7, $4  }
0xbb: {  	v3 =	vld [tilespmem:s20+$0x300];
	[tilespmem:s16+$0x8300] =	vst v5;
	v6 =	vsub.f32 v2, v6  }
0xbc: {  	v5 =	vld [tilespmem:s20+$0x4300]  }
0xbd: {  	v2 =	vld [tilespmem:s20+$0x310];
	[tilespmem:s16+$0x8310] =	vst v6;
	v8 =	vsub.f32 v9, v8  }
0xbe: {  	s22 =	sadd.s32 $0x200, s22;
	s23 =	sadd.s32 $0x40, s23;
	v6 =	vld [tilespmem:s20+$0x4310]  }
.LBB2_15:
0xbf: {  	v9 =	vld [tilespmem:s20+$0x320];
	[tilespmem:s16+$0x8320] =	vst @p1 v8  }
0xc0: {  	v8 =	vld [tilespmem:s20+$0x4320];
	_ =	sdelay $0x1  }
0xc1: {  	v4 =	vsub.f32 v4, v7  }
0xc2: {  	p1 =	por $0x0, $0x0;
	s16 =	simm.s32 $0x1;
	v3 =	vsub.f32 v3, v5  }
0xc3: {  	s16 =	simm.s32 @!p1 $0x0;
	[tilespmem:s20+$0x8330] =	vst v4;
	v2 =	vsub.f32 v2, v6  }
0xc4: {  	s16 =	sshll.u32 s16, $0x6;
	[tilespmem:s20+$0x8300] =	vst v3;
	v3 =	vsub.f32 v9, v8  }
0xc5: {  	s21 =	sadd.s32 $0x0, s16;
	[tilespmem:s20+$0x8310] =	vst v2  }
0xc6: {  	s16 =	sor.u32 $0x200, s21;
	[tilespmem:s20+$0x8320] =	vst v3  }
0xc7: {  	v2 =	vld [tilespmem:s16+$0x180]  }
0xc8: {  	v3 =	vld [tilespmem:s16+$0x4180];
	_ =	sdelay $0x4  }
0xc9: {  	v2 =	vsub.f32 v2, v3;
	_ =	sdelay $0x1  }
0xca: {  	s29 =	sor.u32 $0x210, s21;
	[tilespmem:s16+$0x8180] =	vst v2  }
0xcb: {  	v2 =	vld [tilespmem:s29+$0x180]  }
0xcc: {  	v3 =	vld [tilespmem:s29+$0x4180];
	_ =	sdelay $0x4  }
0xcd: {  	v2 =	vsub.f32 v2, v3;
	_ =	sdelay $0x1  }
0xce: {  	s30 =	sor.u32 $0x220, s21;
	[tilespmem:s29+$0x8180] =	vst v2  }
0xcf: {  	v2 =	vld [tilespmem:s30+$0x180]  }
0xd0: {  	v3 =	vld [tilespmem:s30+$0x4180];
	_ =	sdelay $0x3  }
0xd1: {  	p3 =	por $0x1, $0x1  }
.Ltmp8:
0xd2: {  	v2 =	vsub.f32 v2, v3;
	(pc) =	sbr.rel @!p3 .LBB2_17-.Ltmp8, $4  }
0xd3: {  	_ = 	snop  }
0xd4: {  	s24 =	sor.u32 $0x230, s21;
	[tilespmem:s30+$0x8180] =	vst v2  }
0xd5: {  	s22 =	simm.s32 $0x0;
	s23 =	simm.s32 $0x0;
	v2 =	vld [tilespmem:s24+$0x180]  }
0xd6: {  	p2 =	por $0x0, $0x0;
	s20 =	simm.s32 $0x0;
	s16 =	simm.s32 $0xFFFFFFFC;
	v3 =	vld [tilespmem:s24+$0x4180]  }
.LBB2_16:
0xd7: {  	_ = 	snop  }
0xd8: {  	s22 =	sadd.s32 $0x4, s22  }
0xd9: {  	s23 =	sadd.s32 $0x200, s23;
	p2 =	por !p2, !p2;
	s25 =	simm.s32 $0x1  }
0xda: {  	s25 =	simm.s32 @!p2 $0x0;
	p3 =	slt.u32 s22, $0x7C  }
0xdb: {  	s25 =	sshll.u32 s25, $0x6;
	v2 =	vsub.f32 v2, v3  }
0xdc: {  	s25 =	sadd.s32 s25, s23  }
0xdd: {  	s26 =	sor.u32 $0x200, s25;
	[tilespmem:s24+$0x8180] =	vst v2  }
0xde: {  	v2 =	vld [tilespmem:s26+$0x180]  }
0xdf: {  	v3 =	vld [tilespmem:s26+$0x4180];
	_ =	sdelay $0x4  }
0xe0: {  	v2 =	vsub.f32 v2, v3;
	_ =	sdelay $0x1  }
0xe1: {  	s24 =	sor.u32 $0x210, s25;
	[tilespmem:s26+$0x8180] =	vst v2  }
0xe2: {  	v2 =	vld [tilespmem:s24+$0x180]  }
0xe3: {  	v3 =	vld [tilespmem:s24+$0x4180];
	_ =	sdelay $0x4  }
0xe4: {  	v2 =	vsub.f32 v2, v3;
	_ =	sdelay $0x1  }
0xe5: {  	[tilespmem:s24+$0x8180] =	vst v2;
	s24 =	sor.u32 $0x220, s25  }
0xe6: {  	v2 =	vld [tilespmem:s24+$0x180]  }
0xe7: {  	v3 =	vld [tilespmem:s24+$0x4180];
	_ =	sdelay $0x4  }
.Ltmp9:
0xe8: {  	v2 =	vsub.f32 v2, v3;
	(pc) =	sbr.rel @p3 .LBB2_16-.Ltmp9, $4  }
0xe9: {  	_ = 	snop  }
0xea: {  	[tilespmem:s24+$0x8180] =	vst v2;
	s24 =	sor.u32 $0x230, s25  }
0xeb: {  	v2 =	vld [tilespmem:s24+$0x180]  }
0xec: {  	v3 =	vld [tilespmem:s24+$0x4180]  }
.LBB2_17:
0xed: {  	_ =	sdelay $0x3  }
0xee: {  	v2 =	vsub.f32 v2, v3;
	_ =	sdelay $0x1  }
0xef: {  	s22 =	sor.u32 $0x280, s21;
	[tilespmem:s24+$0x8180] =	vst v2  }
0xf0: {  	v2 =	vld [tilespmem:s22+$0x180]  }
0xf1: {  	v3 =	vld [tilespmem:s22+$0x4180];
	_ =	sdelay $0x4  }
0xf2: {  	v2 =	vsub.f32 v2, v3;
	_ =	sdelay $0x1  }
0xf3: {  	s29 =	sor.u32 $0x290, s21;
	[tilespmem:s22+$0x8180] =	vst v2  }
0xf4: {  	v2 =	vld [tilespmem:s29+$0x180]  }
0xf5: {  	v3 =	vld [tilespmem:s29+$0x4180];
	_ =	sdelay $0x4  }
0xf6: {  	v2 =	vsub.f32 v2, v3;
	_ =	sdelay $0x1  }
0xf7: {  	s30 =	sor.u32 $0x2A0, s21;
	[tilespmem:s29+$0x8180] =	vst v2  }
0xf8: {  	v2 =	vld [tilespmem:s30+$0x180]  }
0xf9: {  	v3 =	vld [tilespmem:s30+$0x4180];
	_ =	sdelay $0x4  }
0xfa: {  	p3 =	por $0x1, $0x1;
	v2 =	vsub.f32 v2, v3  }
.Ltmp10:
0xfb: {  	_ = 	snop;
	(pc) =	sbr.rel @!p3 .LBB2_19-.Ltmp10, $4  }
0xfc: {  	s23 =	sor.u32 $0x2B0, s21;
	[tilespmem:s30+$0x8180] =	vst v2  }
0xfd: {  	v2 =	vld [tilespmem:s23+$0x180]  }
0xfe: {  	v3 =	vld [tilespmem:s23+$0x4180]  }
0xff: {  	s21 =	simm.s32 $0x0;
	p2 =	por $0x0, $0x0;
	s22 =	simm.s32 $0x0  }
.LBB2_18:
0x100: {  	s21 =	sadd.s32 $0x4, s21  }
0x101: {  	s22 =	sadd.s32 $0x200, s22;
	p2 =	por !p2, !p2;
	s24 =	simm.s32 $0x1  }
0x102: {  	s24 =	simm.s32 @!p2 $0x0;
	p3 =	slt.u32 s21, $0x7C  }
0x103: {  	s24 =	sshll.u32 s24, $0x6;
	v2 =	vsub.f32 v2, v3  }
0x104: {  	s24 =	sadd.s32 s24, s22  }
0x105: {  	s25 =	sor.u32 $0x280, s24;
	[tilespmem:s23+$0x8180] =	vst v2  }
0x106: {  	v2 =	vld [tilespmem:s25+$0x180]  }
0x107: {  	v3 =	vld [tilespmem:s25+$0x4180];
	_ =	sdelay $0x4  }
0x108: {  	v2 =	vsub.f32 v2, v3;
	_ =	sdelay $0x1  }
0x109: {  	s23 =	sor.u32 $0x290, s24;
	[tilespmem:s25+$0x8180] =	vst v2  }
0x10a: {  	v2 =	vld [tilespmem:s23+$0x180]  }
0x10b: {  	v3 =	vld [tilespmem:s23+$0x4180];
	_ =	sdelay $0x4  }
0x10c: {  	v2 =	vsub.f32 v2, v3;
	_ =	sdelay $0x1  }
0x10d: {  	[tilespmem:s23+$0x8180] =	vst v2;
	s23 =	sor.u32 $0x2A0, s24  }
0x10e: {  	v2 =	vld [tilespmem:s23+$0x180]  }
0x10f: {  	v3 =	vld [tilespmem:s23+$0x4180];
	_ =	sdelay $0x4  }
0x110: {  	v2 =	vsub.f32 v2, v3;
	_ =	sdelay $0x1  }
.Ltmp11:
0x111: {  	[tilespmem:s23+$0x8180] =	vst v2;
	s23 =	sor.u32 $0x2B0, s24;
	(pc) =	sbr.rel @p3 .LBB2_18-.Ltmp11, $2  }
0x112: {  	v2 =	vld [tilespmem:s23+$0x180]  }
0x113: {  	v3 =	vld [tilespmem:s23+$0x4180];
	_ =	sdelay $0x2  }
.LBB2_19:
0x114: {  	_ = 	snop  }
0x115: {  	s21 =	simm.s32 $0x1  }
0x116: {  	s21 =	simm.s32 @!p1 $0x0  }
0x117: {  	s21 =	sshll.u32 s21, $0x6;
	v2 =	vsub.f32 v2, v3  }
0x118: {  	s21 =	sadd.s32 s21, s20  }
0x119: {  	s22 =	sor.u32 $0x300, s21;
	[tilespmem:s23+$0x8180] =	vst v2  }
0x11a: {  	v2 =	vld [tilespmem:s22+$0x180]  }
0x11b: {  	v3 =	vld [tilespmem:s22+$0x4180];
	_ =	sdelay $0x4  }
0x11c: {  	v2 =	vsub.f32 v2, v3;
	_ =	sdelay $0x1  }
0x11d: {  	s29 =	sor.u32 $0x310, s21;
	[tilespmem:s22+$0x8180] =	vst v2  }
0x11e: {  	v2 =	vld [tilespmem:s29+$0x180]  }
0x11f: {  	v3 =	vld [tilespmem:s29+$0x4180];
	_ =	sdelay $0x4  }
0x120: {  	v2 =	vsub.f32 v2, v3;
	_ =	sdelay $0x1  }
0x121: {  	s30 =	sor.u32 $0x320, s21;
	[tilespmem:s29+$0x8180] =	vst v2  }
0x122: {  	v2 =	vld [tilespmem:s30+$0x180]  }
0x123: {  	v3 =	vld [tilespmem:s30+$0x4180];
	_ =	sdelay $0x2  }
0x124: {  	s22 =	sadd.s32 $0x4, s16  }
0x125: {  	p3 =	slt.u32 s22, $0x7C  }
.Ltmp12:
0x126: {  	v2 =	vsub.f32 v2, v3;
	(pc) =	sbr.rel @!p3 .LBB2_21-.Ltmp12, $4  }
0x127: {  	_ = 	snop  }
0x128: {  	s24 =	sor.u32 $0x330, s21;
	[tilespmem:s30+$0x8180] =	vst v2  }
0x129: {  	v2 =	vld [tilespmem:s24+$0x180]  }
0x12a: {  	p2 =	por p1, p1;
	s23 =	smov.u32 s20;
	v3 =	vld [tilespmem:s24+$0x4180]  }
.LBB2_20:
0x12b: {  	_ = 	snop  }
0x12c: {  	s22 =	sadd.s32 $0x4, s22  }
0x12d: {  	s23 =	sadd.s32 $0x200, s23;
	p2 =	por !p2, !p2;
	s25 =	simm.s32 $0x1  }
0x12e: {  	s25 =	simm.s32 @!p2 $0x0;
	p3 =	slt.u32 s22, $0x7C  }
0x12f: {  	s25 =	sshll.u32 s25, $0x6;
	v2 =	vsub.f32 v2, v3  }
0x130: {  	s25 =	sadd.s32 s25, s23  }
0x131: {  	s26 =	sor.u32 $0x300, s25;
	[tilespmem:s24+$0x8180] =	vst v2  }
0x132: {  	v2 =	vld [tilespmem:s26+$0x180]  }
0x133: {  	v3 =	vld [tilespmem:s26+$0x4180];
	_ =	sdelay $0x4  }
0x134: {  	v2 =	vsub.f32 v2, v3;
	_ =	sdelay $0x1  }
0x135: {  	s24 =	sor.u32 $0x310, s25;
	[tilespmem:s26+$0x8180] =	vst v2  }
0x136: {  	v2 =	vld [tilespmem:s24+$0x180]  }
0x137: {  	v3 =	vld [tilespmem:s24+$0x4180];
	_ =	sdelay $0x4  }
0x138: {  	v2 =	vsub.f32 v2, v3;
	_ =	sdelay $0x1  }
0x139: {  	[tilespmem:s24+$0x8180] =	vst v2;
	s24 =	sor.u32 $0x320, s25  }
0x13a: {  	v2 =	vld [tilespmem:s24+$0x180]  }
0x13b: {  	v3 =	vld [tilespmem:s24+$0x4180];
	_ =	sdelay $0x4  }
.Ltmp13:
0x13c: {  	v2 =	vsub.f32 v2, v3;
	(pc) =	sbr.rel @p3 .LBB2_20-.Ltmp13, $4  }
0x13d: {  	_ = 	snop  }
0x13e: {  	[tilespmem:s24+$0x8180] =	vst v2;
	s24 =	sor.u32 $0x330, s25  }
0x13f: {  	v2 =	vld [tilespmem:s24+$0x180]  }
0x140: {  	v3 =	vld [tilespmem:s24+$0x4180]  }
.LBB2_21:
0x141: {  	_ =	sdelay $0x3  }
0x142: {  	v2 =	vsub.f32 v2, v3;
	_ =	sdelay $0x1  }
0x143: {  	s22 =	sor.u32 $0x380, s21;
	[tilespmem:s24+$0x8180] =	vst v2  }
0x144: {  	v2 =	vld [tilespmem:s22+$0x180]  }
0x145: {  	v3 =	vld [tilespmem:s22+$0x4180];
	_ =	sdelay $0x4  }
0x146: {  	v2 =	vsub.f32 v2, v3;
	_ =	sdelay $0x1  }
0x147: {  	s29 =	sor.u32 $0x390, s21;
	[tilespmem:s22+$0x8180] =	vst v2  }
0x148: {  	v2 =	vld [tilespmem:s29+$0x180]  }
0x149: {  	v3 =	vld [tilespmem:s29+$0x4180];
	_ =	sdelay $0x4  }
0x14a: {  	v2 =	vsub.f32 v2, v3;
	_ =	sdelay $0x1  }
0x14b: {  	s30 =	sor.u32 $0x3A0, s21;
	[tilespmem:s29+$0x8180] =	vst v2  }
0x14c: {  	v2 =	vld [tilespmem:s30+$0x180]  }
0x14d: {  	v3 =	vld [tilespmem:s30+$0x4180];
	_ =	sdelay $0x2  }
0x14e: {  	s16 =	sadd.s32 $0x4, s16  }
0x14f: {  	p2 =	slt.u32 s16, $0x7C  }
.Ltmp14:
0x150: {  	v2 =	vsub.f32 v2, v3;
	(pc) =	sbr.rel @!p2 .LBB2_23-.Ltmp14, $4  }
0x151: {  	_ = 	snop  }
0x152: {  	s21 =	sor.u32 $0x3B0, s21;
	[tilespmem:s30+$0x8180] =	vst v2  }
0x153: {  	v2 =	vld [tilespmem:s21+$0x180]  }
0x154: {  	v3 =	vld [tilespmem:s21+$0x4180]  }
.LBB2_22:
0x155: {  	_ = 	snop  }
0x156: {  	s16 =	sadd.s32 $0x4, s16  }
0x157: {  	s20 =	sadd.s32 $0x200, s20;
	p1 =	por !p1, !p1;
	s22 =	simm.s32 $0x1  }
0x158: {  	s22 =	simm.s32 @!p1 $0x0;
	p2 =	slt.u32 s16, $0x7C  }
0x159: {  	s22 =	sshll.u32 s22, $0x6;
	v2 =	vsub.f32 v2, v3  }
0x15a: {  	s22 =	sadd.s32 s22, s20  }
0x15b: {  	s23 =	sor.u32 $0x380, s22;
	[tilespmem:s21+$0x8180] =	vst v2  }
0x15c: {  	v2 =	vld [tilespmem:s23+$0x180]  }
0x15d: {  	v3 =	vld [tilespmem:s23+$0x4180];
	_ =	sdelay $0x4  }
0x15e: {  	v2 =	vsub.f32 v2, v3;
	_ =	sdelay $0x1  }
0x15f: {  	s21 =	sor.u32 $0x390, s22;
	[tilespmem:s23+$0x8180] =	vst v2  }
0x160: {  	v2 =	vld [tilespmem:s21+$0x180]  }
0x161: {  	v3 =	vld [tilespmem:s21+$0x4180];
	_ =	sdelay $0x4  }
0x162: {  	v2 =	vsub.f32 v2, v3;
	_ =	sdelay $0x1  }
0x163: {  	[tilespmem:s21+$0x8180] =	vst v2;
	s21 =	sor.u32 $0x3A0, s22  }
0x164: {  	v2 =	vld [tilespmem:s21+$0x180]  }
0x165: {  	v3 =	vld [tilespmem:s21+$0x4180];
	_ =	sdelay $0x4  }
.Ltmp15:
0x166: {  	v2 =	vsub.f32 v2, v3;
	(pc) =	sbr.rel @p2 .LBB2_22-.Ltmp15, $4  }
0x167: {  	_ = 	snop  }
0x168: {  	[tilespmem:s21+$0x8180] =	vst v2;
	s21 =	sor.u32 $0x3B0, s22  }
0x169: {  	v2 =	vld [tilespmem:s21+$0x180]  }
0x16a: {  	v3 =	vld [tilespmem:s21+$0x4180]  }
.LBB2_23:
0x16b: {  	_ =	sdelay $0x2  }
0x16c: {  	s16 =	sshll.u32 s18, $0xF  }
0x16d: {  	s16 =	sadd.s32 s8, s16;
	v2 =	vsub.f32 v2, v3  }
0x16e: {  	s16 =	sshrl.u32 s16, $0x3  }
0x16f: {  	s25 =	sadd.s32 $0x10, s19;
	s16 =	sadd.s32 s3, s16;
	[tilespmem:s21+$0x8180] =	vst v2  }
0x170: {  	[hbm4b:s16+s4] =	stream.linear.scatter [tilespmem:s0], [sflag:$0x3], $0x4000, $0x38;
	[tilespmem:$0x18180] =	vst v63  }
0x171: {  	s16 =	sadd.s32 s5, s25  }
0x172: {  	s16 =	sshll.u32 s16, $0x8  }
0x173: {  	s20 =	simm.s32 $0x180;
	s16 =	sadd.s32 s2, s16  }
0x174: {  	[tilespmem:s20], [sflag:$0x1] =	stream.linear.gather [hbm4b:s16+s4], $0x4000, $0x38;
	[tilespmem:$0x18180] =	vst v63  }
0x175: {  	v2 =	vld.msk [tilespmem:s19+$0x10], $0xff;
	_ =	sdelay $0x4  }
0x176: {  	v3 =	vshll.u32 v2, $0x4  }
0x177: {  	v2 =	vand.u32 $0x7, v2;
	v3 =	vand.u32 $0xFFFFFF80, v3  }
0x178: {  	v2 =	vor.u32 v2, v3  }
0x179: {  	v2 =	vperm.xlane v2, v0;
	_ =	sdelay $0x1  }
0x17a: {  	v2 =	vadd.s32 v1, v2;
	_ =	sdelay $0x3  }
0x17b: {  	s26 =	simm.s32 $0x4180  }
0x17c: {  	[tilespmem:s26], [sflag:$0x2] =	stream.indirect_vreg.gather [hbm4b:s2+s4], $0x80, v2, vm0, $0xb8;
	[tilespmem:$0x18180] =	vst v63  }
0x17d: {  	s29 =	simm.s32 $0x4980  }
0x17e: {  	[tilespmem:s29], [sflag:$0x2] =	stream.indirect_vreg.gather [hbm4b:s9+s4], $0x80, v2, vm0, $0xb8;
	[tilespmem:$0x18180] =	vst v63  }
0x17f: {  	s30 =	simm.s32 $0x5180  }
0x180: {  	[tilespmem:s30], [sflag:$0x2] =	stream.indirect_vreg.gather [hbm4b:s10+s4], $0x80, v2, vm0, $0xb8;
	[tilespmem:$0x18180] =	vst v63  }
0x181: {  	s20 =	simm.s32 $0x5980  }
0x182: {  	[tilespmem:s20], [sflag:$0x2] =	stream.indirect_vreg.gather [hbm4b:s11+s4], $0x80, v2, vm0, $0xb8;
	[tilespmem:$0x18180] =	vst v63  }
0x183: {  	s21 =	simm.s32 $0x6180  }
0x184: {  	[tilespmem:s21], [sflag:$0x2] =	stream.indirect_vreg.gather [hbm4b:s12+s4], $0x80, v2, vm0, $0xb8;
	[tilespmem:$0x18180] =	vst v63  }
0x185: {  	s22 =	simm.s32 $0x6980  }
0x186: {  	[tilespmem:s22], [sflag:$0x2] =	stream.indirect_vreg.gather [hbm4b:s13+s4], $0x80, v2, vm0, $0xb8;
	[tilespmem:$0x18180] =	vst v63  }
0x187: {  	s23 =	simm.s32 $0x7180  }
0x188: {  	[tilespmem:s23], [sflag:$0x2] =	stream.indirect_vreg.gather [hbm4b:s14+s4], $0x80, v2, vm0, $0xb8;
	[tilespmem:$0x18180] =	vst v63  }
0x189: {  	s24 =	simm.s32 $0x7980  }
0x18a: {  	[tilespmem:s24], [sflag:$0x2] =	stream.indirect_vreg.gather [hbm4b:s15+s4], $0x80, v2, vm0, $0xb8;
	[tilespmem:$0x18180] =	vst v63  }
0x18b: {  	_ =	swait.ge [sflag:s6], $0x4000  }
0x18c: {  	[sflag:s6] =	ssyncset.done $0x0  }
0x18d: {  	[sflag:s6] =	ssyncadd.s32 $0xFFFFC000  }
0x18e: {  	_ =	swait.ge [sflag:s7], $0x4000  }
0x18f: {  	[sflag:s7] =	ssyncset.done $0x0  }
0x190: {  	s16 =	simm.s32 @!p0 $0x6;
	[sflag:s7] =	ssyncadd.s32 $0xFFFFC000  }
0x191: {  	s25 =	simm.s32 $0x0;
	_ =	swait.ge @!p0 [sflag:s16], $0x4000  }
0x192: {  	s26 =	sand.u32 $0x40, s25;
	s20 =	sand.u32 $0x3C00, s25;
	[sflag:s16] =	ssyncset.done @!p0 $0x0  }
0x193: {  	[sflag:s16] =	ssyncadd.s32 @!p0 $0xFFFFC000;
	s16 =	sor.u32 s26, s20  }
0x194: {  	v2 =	vld [tilespmem:s16+$0xC1B0]  }
0x195: {  	v3 =	vld [tilespmem:s16+$0x101B0]  }
0x196: {  	v4 =	vld [tilespmem:s16+$0xC180]  }
0x197: {  	v5 =	vld [tilespmem:s16+$0x10180]  }
0x198: {  	v7 =	vld [tilespmem:s16+$0xC190]  }
0x199: {  	s29 =	simm.s32 $0x200;
	s30 =	simm.s32 $0x40;
	v8 =	vld [tilespmem:s16+$0x10190]  }
0x19a: {  	s21 =	sand.u32 $0x40, s30;
	s22 =	sand.u32 $0x3C00, s29;
	v9 =	vld [tilespmem:s16+$0xC1A0];
	v3 =	vsub.f32 v2, v3  }
0x19b: {  	s23 =	sor.u32 s21, s22;
	v10 =	vld [tilespmem:s16+$0x101A0]  }
0x19c: {  	v2 =	vld [tilespmem:s23+$0xC1B0];
	v4 =	vsub.f32 v4, v5;
	[tilespmem:s16+$0x141B0] =	vst v3  }
0x19d: {  	v6 =	vld [tilespmem:s23+$0x101B0]  }
0x19e: {  	v7 =	vsub.f32 v7, v8;
	v3 =	vld [tilespmem:s23+$0xC180];
	[tilespmem:s16+$0x14180] =	vst v4  }
0x19f: {  	v5 =	vld [tilespmem:s23+$0x10180]  }
0x1a0: {  	s28 =	simm.s32 $0x80;
	s25 =	simm.s32 $0x400;
	v8 =	vsub.f32 v9, v10;
	v4 =	vld [tilespmem:s23+$0xC190];
	[tilespmem:s16+$0x14190] =	vst v7  }
0x1a1: {  	s24 =	simm.s32 $0x4;
	s20 =	sadd.s32 s19, s17;
	s26 =	smov.u32 s16;
	v7 =	vld [tilespmem:s23+$0x10190]  }
.LBB2_24:
0x1a2: {  	s29 =	sand.u32 $0x40, s28;
	s30 =	sand.u32 $0x3C00, s25;
	v9 =	vld [tilespmem:s23+$0xC1A0];
	v6 =	vsub.f32 v2, v6;
	[tilespmem:s26+$0x141A0] =	vst v8;
	s26 =	smov.u32 s23  }
0x1a3: {  	s24 =	sadd.s32 $0x4, s24;
	s23 =	sor.u32 s29, s30;
	v8 =	vld [tilespmem:s26+$0x101A0]  }
0x1a4: {  	p0 =	slt.u32 s24, $0x7C;
	v2 =	vld [tilespmem:s23+$0xC1B0];
	v5 =	vsub.f32 v3, v5;
	[tilespmem:s26+$0x141B0] =	vst v6  }
.Ltmp16:
0x1a5: {  	v6 =	vld [tilespmem:s23+$0x101B0];
	(pc) =	sbr.rel @p0 .LBB2_24-.Ltmp16, $4  }
0x1a6: {  	v3 =	vld [tilespmem:s23+$0xC180];
	[tilespmem:s26+$0x14180] =	vst v5;
	v7 =	vsub.f32 v4, v7  }
0x1a7: {  	v5 =	vld [tilespmem:s23+$0x10180]  }
0x1a8: {  	v4 =	vld [tilespmem:s23+$0xC190];
	[tilespmem:s26+$0x14190] =	vst v7;
	v8 =	vsub.f32 v9, v8  }
0x1a9: {  	s25 =	sadd.s32 $0x200, s25;
	s28 =	sadd.s32 $0x40, s28;
	v7 =	vld [tilespmem:s23+$0x10190]  }
0x1aa: {  	v9 =	vld [tilespmem:s23+$0xC1A0];
	[tilespmem:s26+$0x141A0] =	vst v8  }
0x1ab: {  	v8 =	vld [tilespmem:s23+$0x101A0];
	_ =	sdelay $0x1  }
0x1ac: {  	v2 =	vsub.f32 v2, v6  }
0x1ad: {  	v3 =	vsub.f32 v3, v5  }
0x1ae: {  	[tilespmem:s23+$0x141B0] =	vst v2;
	v2 =	vsub.f32 v4, v7  }
0x1af: {  	[tilespmem:s23+$0x14180] =	vst v3;
	v3 =	vsub.f32 v9, v8  }
0x1b0: {  	[tilespmem:s23+$0x14190] =	vst v2  }
0x1b1: {  	[tilespmem:s23+$0x141A0] =	vst v3  }
0x1b2: {  	v2 =	vld [tilespmem:s16+$0xC230]  }
0x1b3: {  	v3 =	vld [tilespmem:s16+$0x10230]  }
0x1b4: {  	v4 =	vld [tilespmem:s16+$0xC200]  }
0x1b5: {  	v5 =	vld [tilespmem:s16+$0x10200]  }
0x1b6: {  	v7 =	vld [tilespmem:s16+$0xC210]  }
0x1b7: {  	v8 =	vld [tilespmem:s16+$0x10210]  }
0x1b8: {  	v9 =	vld [tilespmem:s16+$0xC220];
	v3 =	vsub.f32 v2, v3  }
0x1b9: {  	s21 =	sor.u32 s21, s22;
	v10 =	vld [tilespmem:s16+$0x10220]  }
0x1ba: {  	v2 =	vld [tilespmem:s21+$0xC230];
	v4 =	vsub.f32 v4, v5;
	[tilespmem:s16+$0x14230] =	vst v3  }
0x1bb: {  	v6 =	vld [tilespmem:s21+$0x10230]  }
0x1bc: {  	v7 =	vsub.f32 v7, v8;
	v3 =	vld [tilespmem:s21+$0xC200];
	[tilespmem:s16+$0x14200] =	vst v4  }
0x1bd: {  	v5 =	vld [tilespmem:s21+$0x10200]  }
0x1be: {  	v8 =	vsub.f32 v9, v10;
	v4 =	vld [tilespmem:s21+$0xC210];
	[tilespmem:s16+$0x14210] =	vst v7  }
0x1bf: {  	s22 =	simm.s32 $0x4;
	s24 =	simm.s32 $0x80;
	s23 =	simm.s32 $0x400;
	v7 =	vld [tilespmem:s21+$0x10210]  }
.LBB2_26:
0x1c0: {  	s25 =	sand.u32 $0x40, s24;
	s26 =	sand.u32 $0x3C00, s23;
	v9 =	vld [tilespmem:s21+$0xC220];
	v6 =	vsub.f32 v2, v6;
	[tilespmem:s16+$0x14220] =	vst v8;
	s16 =	smov.u32 s21  }
0x1c1: {  	s22 =	sadd.s32 $0x4, s22;
	s21 =	sor.u32 s25, s26;
	v8 =	vld [tilespmem:s16+$0x10220]  }
0x1c2: {  	p0 =	slt.u32 s22, $0x7C;
	v2 =	vld [tilespmem:s21+$0xC230];
	v5 =	vsub.f32 v3, v5;
	[tilespmem:s16+$0x14230] =	vst v6  }
.Ltmp17:
0x1c3: {  	v6 =	vld [tilespmem:s21+$0x10230];
	(pc) =	sbr.rel @p0 .LBB2_26-.Ltmp17, $4  }
0x1c4: {  	v3 =	vld [tilespmem:s21+$0xC200];
	[tilespmem:s16+$0x14200] =	vst v5;
	v7 =	vsub.f32 v4, v7  }
0x1c5: {  	v5 =	vld [tilespmem:s21+$0x10200]  }
0x1c6: {  	v4 =	vld [tilespmem:s21+$0xC210];
	[tilespmem:s16+$0x14210] =	vst v7;
	v8 =	vsub.f32 v9, v8  }
0x1c7: {  	s23 =	sadd.s32 $0x200, s23;
	s24 =	sadd.s32 $0x40, s24;
	v7 =	vld [tilespmem:s21+$0x10210]  }
0x1c8: {  	v9 =	vld [tilespmem:s21+$0xC220];
	[tilespmem:s16+$0x14220] =	vst v8  }
0x1c9: {  	v8 =	vld [tilespmem:s21+$0x10220];
	_ =	sdelay $0x1  }
0x1ca: {  	v2 =	vsub.f32 v2, v6  }
0x1cb: {  	v3 =	vsub.f32 v3, v5  }
0x1cc: {  	[tilespmem:s21+$0x14230] =	vst v2;
	v2 =	vsub.f32 v4, v7  }
0x1cd: {  	s30 =	simm.s32 $0x0;
	[tilespmem:s21+$0x14200] =	vst v3;
	v3 =	vsub.f32 v9, v8  }
0x1ce: {  	s22 =	sand.u32 $0x40, s30;
	s16 =	sand.u32 $0x3C00, s30;
	[tilespmem:s21+$0x14210] =	vst v2  }
0x1cf: {  	s25 =	sor.u32 s22, s16;
	[tilespmem:s21+$0x14220] =	vst v3  }
0x1d0: {  	p1 =	por $0x1, $0x1;
	v4 =	vld [tilespmem:s25+$0xC2B0]  }
.Ltmp18:
0x1d1: {  	v7 =	vld [tilespmem:s25+$0x102B0];
	(pc) =	sbr.rel @!p1 .LBB2_28-.Ltmp18, $4  }
0x1d2: {  	v2 =	vld [tilespmem:s25+$0xC280]  }
0x1d3: {  	v5 =	vld [tilespmem:s25+$0x10280]  }
0x1d4: {  	v3 =	vld [tilespmem:s25+$0xC290]  }
0x1d5: {  	p0 =	por $0x0, $0x0;
	s22 =	simm.s32 $0x40;
	s21 =	simm.s32 $0x200;
	v6 =	vld [tilespmem:s25+$0x10290]  }
0x1d6: {  	s16 =	sand.u32 $0x40, s22;
	s23 =	sand.u32 $0x3C00, s21;
	v8 =	vld [tilespmem:s25+$0xC2A0];
	v7 =	vsub.f32 v4, v7  }
0x1d7: {  	v9 =	vld [tilespmem:s25+$0x102A0];
	s23 =	sor.u32 s16, s23  }
0x1d8: {  	p3 =	por $0x1, $0x1;
	v4 =	vld [tilespmem:s23+$0xC2B0];
	[tilespmem:s25+$0x142B0] =	vst v7;
	v5 =	vsub.f32 v2, v5  }
.Ltmp19:
0x1d9: {  	v7 =	vld [tilespmem:s23+$0x102B0];
	(pc) =	sbr.rel @!p3 .LBB2_30-.Ltmp19, $4  }
0x1da: {  	v2 =	vld [tilespmem:s23+$0xC280];
	[tilespmem:s25+$0x14280] =	vst v5;
	v6 =	vsub.f32 v3, v6  }
0x1db: {  	v5 =	vld [tilespmem:s23+$0x10280]  }
0x1dc: {  	s24 =	simm.s32 $0x4;
	s26 =	simm.s32 $0x400;
	v3 =	vld [tilespmem:s23+$0xC290];
	v8 =	vsub.f32 v8, v9;
	[tilespmem:s25+$0x14290] =	vst v6  }
0x1dd: {  	s28 =	simm.s32 $0x80;
	p2 =	por $0x1, $0x1;
	s16 =	smov.u32 s25;
	v6 =	vld [tilespmem:s23+$0x10290]  }
.LBB2_31:
0x1de: {  	s29 =	sand.u32 $0x40, s28;
	s30 =	sand.u32 $0x3C00, s26;
	v9 =	vld [tilespmem:s23+$0xC2A0];
	v7 =	vsub.f32 v4, v7;
	[tilespmem:s16+$0x142A0] =	vst v8;
	s16 =	smov.u32 s23  }
0x1df: {  	s24 =	sadd.s32 $0x4, s24;
	s23 =	sor.u32 s29, s30;
	v8 =	vld [tilespmem:s16+$0x102A0]  }
0x1e0: {  	p3 =	slt.u32 s24, $0x7C;
	v4 =	vld [tilespmem:s23+$0xC2B0];
	v5 =	vsub.f32 v2, v5;
	[tilespmem:s16+$0x142B0] =	vst v7  }
.Ltmp20:
0x1e1: {  	v7 =	vld [tilespmem:s23+$0x102B0];
	(pc) =	sbr.rel @p3 .LBB2_31-.Ltmp20, $4  }
0x1e2: {  	v2 =	vld [tilespmem:s23+$0xC280];
	[tilespmem:s16+$0x14280] =	vst v5;
	v6 =	vsub.f32 v3, v6  }
0x1e3: {  	v5 =	vld [tilespmem:s23+$0x10280]  }
0x1e4: {  	v3 =	vld [tilespmem:s23+$0xC290];
	[tilespmem:s16+$0x14290] =	vst v6;
	v8 =	vsub.f32 v9, v8  }
0x1e5: {  	s26 =	sadd.s32 $0x200, s26;
	s28 =	sadd.s32 $0x40, s28;
	v6 =	vld [tilespmem:s23+$0x10290]  }
.LBB2_32:
0x1e6: {  	v9 =	vld [tilespmem:s23+$0xC2A0];
	[tilespmem:s16+$0x142A0] =	vst @p2 v8  }
0x1e7: {  	v8 =	vld [tilespmem:s23+$0x102A0];
	_ =	sdelay $0x1  }
0x1e8: {  	v4 =	vsub.f32 v4, v7  }
0x1e9: {  	v2 =	vsub.f32 v2, v5  }
0x1ea: {  	[tilespmem:s23+$0x142B0] =	vst v4;
	v3 =	vsub.f32 v3, v6  }
0x1eb: {  	[tilespmem:s23+$0x14280] =	vst v2;
	v2 =	vsub.f32 v9, v8  }
0x1ec: {  	[tilespmem:s23+$0x14290] =	vst v3  }
0x1ed: {  	[tilespmem:s23+$0x142A0] =	vst v2  }
0x1ee: {  	v4 =	vld [tilespmem:s25+$0xC330]  }
.Ltmp21:
0x1ef: {  	v7 =	vld [tilespmem:s25+$0x10330];
	(pc) =	sbr.rel @!p1 .LBB2_33-.Ltmp21, $4  }
0x1f0: {  	v3 =	vld [tilespmem:s25+$0xC300]  }
0x1f1: {  	v5 =	vld [tilespmem:s25+$0x10300]  }
0x1f2: {  	v2 =	vld [tilespmem:s25+$0xC310]  }
0x1f3: {  	v6 =	vld [tilespmem:s25+$0x10310]  }
0x1f4: {  	s16 =	sand.u32 $0x40, s22;
	s21 =	sand.u32 $0x3C00, s21;
	v8 =	vld [tilespmem:s25+$0xC320];
	v7 =	vsub.f32 v4, v7  }
0x1f5: {  	v9 =	vld [tilespmem:s25+$0x10320];
	s21 =	sor.u32 s16, s21  }
0x1f6: {  	p1 =	por $0x1, $0x1;
	v4 =	vld [tilespmem:s21+$0xC330];
	[tilespmem:s25+$0x14330] =	vst v7;
	v5 =	vsub.f32 v3, v5  }
.Ltmp22:
0x1f7: {  	v7 =	vld [tilespmem:s21+$0x10330];
	(pc) =	sbr.rel @!p1 .LBB2_36-.Ltmp22, $4  }
0x1f8: {  	v3 =	vld [tilespmem:s21+$0xC300];
	[tilespmem:s25+$0x14300] =	vst v5;
	v6 =	vsub.f32 v2, v6  }
0x1f9: {  	v5 =	vld [tilespmem:s21+$0x10300]  }
0x1fa: {  	s22 =	simm.s32 $0x4;
	v2 =	vld [tilespmem:s21+$0xC310];
	v8 =	vsub.f32 v8, v9;
	[tilespmem:s25+$0x14310] =	vst v6  }
0x1fb: {  	s23 =	simm.s32 $0x80;
	p0 =	por $0x1, $0x1;
	s16 =	simm.s32 $0x400;
	v6 =	vld [tilespmem:s21+$0x10310]  }
.LBB2_35:
0x1fc: {  	s24 =	sand.u32 $0x40, s23;
	s26 =	sand.u32 $0x3C00, s16;
	v9 =	vld [tilespmem:s21+$0xC320];
	v7 =	vsub.f32 v4, v7;
	[tilespmem:s25+$0x14320] =	vst v8;
	s25 =	smov.u32 s21  }
0x1fd: {  	s22 =	sadd.s32 $0x4, s22;
	s21 =	sor.u32 s24, s26;
	v8 =	vld [tilespmem:s25+$0x10320]  }
0x1fe: {  	p1 =	slt.u32 s22, $0x7C;
	v4 =	vld [tilespmem:s21+$0xC330];
	v5 =	vsub.f32 v3, v5;
	[tilespmem:s25+$0x14330] =	vst v7  }
.Ltmp23:
0x1ff: {  	v7 =	vld [tilespmem:s21+$0x10330];
	(pc) =	sbr.rel @p1 .LBB2_35-.Ltmp23, $4  }
0x200: {  	v3 =	vld [tilespmem:s21+$0xC300];
	[tilespmem:s25+$0x14300] =	vst v5;
	v6 =	vsub.f32 v2, v6  }
0x201: {  	v5 =	vld [tilespmem:s21+$0x10300]  }
0x202: {  	v2 =	vld [tilespmem:s21+$0xC310];
	[tilespmem:s25+$0x14310] =	vst v6;
	v8 =	vsub.f32 v9, v8  }
0x203: {  	s16 =	sadd.s32 $0x200, s16;
	s23 =	sadd.s32 $0x40, s23;
	v6 =	vld [tilespmem:s21+$0x10310]  }
.LBB2_36:
0x204: {  	v9 =	vld [tilespmem:s21+$0xC320];
	[tilespmem:s25+$0x14320] =	vst @p0 v8  }
0x205: {  	v8 =	vld [tilespmem:s21+$0x10320];
	_ =	sdelay $0x1  }
0x206: {  	v4 =	vsub.f32 v4, v7  }
0x207: {  	p0 =	por $0x0, $0x0;
	s16 =	simm.s32 $0x1;
	v3 =	vsub.f32 v3, v5  }
0x208: {  	s16 =	simm.s32 @!p0 $0x0;
	[tilespmem:s21+$0x14330] =	vst v4;
	v2 =	vsub.f32 v2, v6  }
0x209: {  	s16 =	sshll.u32 s16, $0x6;
	[tilespmem:s21+$0x14300] =	vst v3;
	v3 =	vsub.f32 v9, v8  }
0x20a: {  	s22 =	sadd.s32 $0x0, s16;
	[tilespmem:s21+$0x14310] =	vst v2  }
0x20b: {  	s16 =	sor.u32 $0x200, s22;
	[tilespmem:s21+$0x14320] =	vst v3  }
0x20c: {  	v2 =	vld [tilespmem:s16+$0xC180]  }
0x20d: {  	v3 =	vld [tilespmem:s16+$0x10180];
	_ =	sdelay $0x4  }
0x20e: {  	v2 =	vsub.f32 v2, v3;
	_ =	sdelay $0x1  }
0x20f: {  	s29 =	sor.u32 $0x210, s22;
	[tilespmem:s16+$0x14180] =	vst v2  }
0x210: {  	v2 =	vld [tilespmem:s29+$0xC180]  }
0x211: {  	v3 =	vld [tilespmem:s29+$0x10180];
	_ =	sdelay $0x4  }
0x212: {  	v2 =	vsub.f32 v2, v3;
	_ =	sdelay $0x1  }
0x213: {  	s30 =	sor.u32 $0x220, s22;
	[tilespmem:s29+$0x14180] =	vst v2  }
0x214: {  	v2 =	vld [tilespmem:s30+$0xC180]  }
0x215: {  	v3 =	vld [tilespmem:s30+$0x10180];
	_ =	sdelay $0x3  }
0x216: {  	p2 =	por $0x1, $0x1  }
.Ltmp24:
0x217: {  	v2 =	vsub.f32 v2, v3;
	(pc) =	sbr.rel @!p2 .LBB2_38-.Ltmp24, $4  }
0x218: {  	_ = 	snop  }
0x219: {  	s25 =	sor.u32 $0x230, s22;
	[tilespmem:s30+$0x14180] =	vst v2  }
0x21a: {  	s23 =	simm.s32 $0x0;
	s24 =	simm.s32 $0x0;
	v2 =	vld [tilespmem:s25+$0xC180]  }
0x21b: {  	p1 =	por $0x0, $0x0;
	s21 =	simm.s32 $0xFFFFFFFC;
	s16 =	simm.s32 $0x0;
	v3 =	vld [tilespmem:s25+$0x10180]  }
.LBB2_37:
0x21c: {  	_ = 	snop  }
0x21d: {  	s23 =	sadd.s32 $0x4, s23  }
0x21e: {  	s24 =	sadd.s32 $0x200, s24;
	p1 =	por !p1, !p1;
	s26 =	simm.s32 $0x1  }
0x21f: {  	s26 =	simm.s32 @!p1 $0x0;
	p2 =	slt.u32 s23, $0x7C  }
0x220: {  	s26 =	sshll.u32 s26, $0x6;
	v2 =	vsub.f32 v2, v3  }
0x221: {  	s26 =	sadd.s32 s26, s24  }
0x222: {  	s28 =	sor.u32 $0x200, s26;
	[tilespmem:s25+$0x14180] =	vst v2  }
0x223: {  	v2 =	vld [tilespmem:s28+$0xC180]  }
0x224: {  	v3 =	vld [tilespmem:s28+$0x10180];
	_ =	sdelay $0x4  }
0x225: {  	v2 =	vsub.f32 v2, v3;
	_ =	sdelay $0x1  }
0x226: {  	s25 =	sor.u32 $0x210, s26;
	[tilespmem:s28+$0x14180] =	vst v2  }
0x227: {  	v2 =	vld [tilespmem:s25+$0xC180]  }
0x228: {  	v3 =	vld [tilespmem:s25+$0x10180];
	_ =	sdelay $0x4  }
0x229: {  	v2 =	vsub.f32 v2, v3;
	_ =	sdelay $0x1  }
0x22a: {  	[tilespmem:s25+$0x14180] =	vst v2;
	s25 =	sor.u32 $0x220, s26  }
0x22b: {  	v2 =	vld [tilespmem:s25+$0xC180]  }
0x22c: {  	v3 =	vld [tilespmem:s25+$0x10180];
	_ =	sdelay $0x4  }
.Ltmp25:
0x22d: {  	v2 =	vsub.f32 v2, v3;
	(pc) =	sbr.rel @p2 .LBB2_37-.Ltmp25, $4  }
0x22e: {  	_ = 	snop  }
0x22f: {  	[tilespmem:s25+$0x14180] =	vst v2;
	s25 =	sor.u32 $0x230, s26  }
0x230: {  	v2 =	vld [tilespmem:s25+$0xC180]  }
0x231: {  	v3 =	vld [tilespmem:s25+$0x10180]  }
.LBB2_38:
0x232: {  	_ =	sdelay $0x3  }
0x233: {  	v2 =	vsub.f32 v2, v3;
	_ =	sdelay $0x1  }
0x234: {  	s23 =	sor.u32 $0x280, s22;
	[tilespmem:s25+$0x14180] =	vst v2  }
0x235: {  	v2 =	vld [tilespmem:s23+$0xC180]  }
0x236: {  	v3 =	vld [tilespmem:s23+$0x10180];
	_ =	sdelay $0x4  }
0x237: {  	v2 =	vsub.f32 v2, v3;
	_ =	sdelay $0x1  }
0x238: {  	s29 =	sor.u32 $0x290, s22;
	[tilespmem:s23+$0x14180] =	vst v2  }
0x239: {  	v2 =	vld [tilespmem:s29+$0xC180]  }
0x23a: {  	v3 =	vld [tilespmem:s29+$0x10180];
	_ =	sdelay $0x4  }
0x23b: {  	v2 =	vsub.f32 v2, v3;
	_ =	sdelay $0x1  }
0x23c: {  	s30 =	sor.u32 $0x2A0, s22;
	[tilespmem:s29+$0x14180] =	vst v2  }
0x23d: {  	v2 =	vld [tilespmem:s30+$0xC180]  }
0x23e: {  	v3 =	vld [tilespmem:s30+$0x10180];
	_ =	sdelay $0x4  }
0x23f: {  	p2 =	por $0x1, $0x1;
	v2 =	vsub.f32 v2, v3  }
.Ltmp26:
0x240: {  	_ = 	snop;
	(pc) =	sbr.rel @!p2 .LBB2_40-.Ltmp26, $4  }
0x241: {  	s24 =	sor.u32 $0x2B0, s22;
	[tilespmem:s30+$0x14180] =	vst v2  }
0x242: {  	v2 =	vld [tilespmem:s24+$0xC180]  }
0x243: {  	v3 =	vld [tilespmem:s24+$0x10180]  }
0x244: {  	s22 =	simm.s32 $0x0;
	p1 =	por $0x0, $0x0;
	s23 =	simm.s32 $0x0  }
.LBB2_39:
0x245: {  	s22 =	sadd.s32 $0x4, s22  }
0x246: {  	s23 =	sadd.s32 $0x200, s23;
	p1 =	por !p1, !p1;
	s25 =	simm.s32 $0x1  }
0x247: {  	s25 =	simm.s32 @!p1 $0x0;
	p2 =	slt.u32 s22, $0x7C  }
0x248: {  	s25 =	sshll.u32 s25, $0x6;
	v2 =	vsub.f32 v2, v3  }
0x249: {  	s25 =	sadd.s32 s25, s23  }
0x24a: {  	s26 =	sor.u32 $0x280, s25;
	[tilespmem:s24+$0x14180] =	vst v2  }
0x24b: {  	v2 =	vld [tilespmem:s26+$0xC180]  }
0x24c: {  	v3 =	vld [tilespmem:s26+$0x10180];
	_ =	sdelay $0x4  }
0x24d: {  	v2 =	vsub.f32 v2, v3;
	_ =	sdelay $0x1  }
0x24e: {  	s24 =	sor.u32 $0x290, s25;
	[tilespmem:s26+$0x14180] =	vst v2  }
0x24f: {  	v2 =	vld [tilespmem:s24+$0xC180]  }
0x250: {  	v3 =	vld [tilespmem:s24+$0x10180];
	_ =	sdelay $0x4  }
0x251: {  	v2 =	vsub.f32 v2, v3;
	_ =	sdelay $0x1  }
0x252: {  	[tilespmem:s24+$0x14180] =	vst v2;
	s24 =	sor.u32 $0x2A0, s25  }
0x253: {  	v2 =	vld [tilespmem:s24+$0xC180]  }
0x254: {  	v3 =	vld [tilespmem:s24+$0x10180];
	_ =	sdelay $0x4  }
0x255: {  	v2 =	vsub.f32 v2, v3;
	_ =	sdelay $0x1  }
.Ltmp27:
0x256: {  	[tilespmem:s24+$0x14180] =	vst v2;
	s24 =	sor.u32 $0x2B0, s25;
	(pc) =	sbr.rel @p2 .LBB2_39-.Ltmp27, $2  }
0x257: {  	v2 =	vld [tilespmem:s24+$0xC180]  }
0x258: {  	v3 =	vld [tilespmem:s24+$0x10180];
	_ =	sdelay $0x2  }
.LBB2_40:
0x259: {  	_ = 	snop  }
0x25a: {  	s22 =	simm.s32 $0x1  }
0x25b: {  	s22 =	simm.s32 @!p0 $0x0  }
0x25c: {  	s22 =	sshll.u32 s22, $0x6;
	v2 =	vsub.f32 v2, v3  }
0x25d: {  	s22 =	sadd.s32 s22, s16  }
0x25e: {  	s23 =	sor.u32 $0x300, s22;
	[tilespmem:s24+$0x14180] =	vst v2  }
0x25f: {  	v2 =	vld [tilespmem:s23+$0xC180]  }
0x260: {  	v3 =	vld [tilespmem:s23+$0x10180];
	_ =	sdelay $0x4  }
0x261: {  	v2 =	vsub.f32 v2, v3;
	_ =	sdelay $0x1  }
0x262: {  	s29 =	sor.u32 $0x310, s22;
	[tilespmem:s23+$0x14180] =	vst v2  }
0x263: {  	v2 =	vld [tilespmem:s29+$0xC180]  }
0x264: {  	v3 =	vld [tilespmem:s29+$0x10180];
	_ =	sdelay $0x4  }
0x265: {  	v2 =	vsub.f32 v2, v3;
	_ =	sdelay $0x1  }
0x266: {  	s30 =	sor.u32 $0x320, s22;
	[tilespmem:s29+$0x14180] =	vst v2  }
0x267: {  	v2 =	vld [tilespmem:s30+$0xC180]  }
0x268: {  	v3 =	vld [tilespmem:s30+$0x10180];
	_ =	sdelay $0x2  }
0x269: {  	s23 =	sadd.s32 $0x4, s21  }
0x26a: {  	p2 =	slt.u32 s23, $0x7C  }
.Ltmp28:
0x26b: {  	v2 =	vsub.f32 v2, v3;
	(pc) =	sbr.rel @!p2 .LBB2_42-.Ltmp28, $4  }
0x26c: {  	_ = 	snop  }
0x26d: {  	s25 =	sor.u32 $0x330, s22;
	[tilespmem:s30+$0x14180] =	vst v2  }
0x26e: {  	v2 =	vld [tilespmem:s25+$0xC180]  }
0x26f: {  	p1 =	por p0, p0;
	s24 =	smov.u32 s16;
	v3 =	vld [tilespmem:s25+$0x10180]  }
.LBB2_41:
0x270: {  	_ = 	snop  }
0x271: {  	s23 =	sadd.s32 $0x4, s23  }
0x272: {  	s24 =	sadd.s32 $0x200, s24;
	p1 =	por !p1, !p1;
	s26 =	simm.s32 $0x1  }
0x273: {  	s26 =	simm.s32 @!p1 $0x0;
	p2 =	slt.u32 s23, $0x7C  }
0x274: {  	s26 =	sshll.u32 s26, $0x6;
	v2 =	vsub.f32 v2, v3  }
0x275: {  	s26 =	sadd.s32 s26, s24  }
0x276: {  	s28 =	sor.u32 $0x300, s26;
	[tilespmem:s25+$0x14180] =	vst v2  }
0x277: {  	v2 =	vld [tilespmem:s28+$0xC180]  }
0x278: {  	v3 =	vld [tilespmem:s28+$0x10180];
	_ =	sdelay $0x4  }
0x279: {  	v2 =	vsub.f32 v2, v3;
	_ =	sdelay $0x1  }
0x27a: {  	s25 =	sor.u32 $0x310, s26;
	[tilespmem:s28+$0x14180] =	vst v2  }
0x27b: {  	v2 =	vld [tilespmem:s25+$0xC180]  }
0x27c: {  	v3 =	vld [tilespmem:s25+$0x10180];
	_ =	sdelay $0x4  }
0x27d: {  	v2 =	vsub.f32 v2, v3;
	_ =	sdelay $0x1  }
0x27e: {  	[tilespmem:s25+$0x14180] =	vst v2;
	s25 =	sor.u32 $0x320, s26  }
0x27f: {  	v2 =	vld [tilespmem:s25+$0xC180]  }
0x280: {  	v3 =	vld [tilespmem:s25+$0x10180];
	_ =	sdelay $0x4  }
.Ltmp29:
0x281: {  	v2 =	vsub.f32 v2, v3;
	(pc) =	sbr.rel @p2 .LBB2_41-.Ltmp29, $4  }
0x282: {  	_ = 	snop  }
0x283: {  	[tilespmem:s25+$0x14180] =	vst v2;
	s25 =	sor.u32 $0x330, s26  }
0x284: {  	v2 =	vld [tilespmem:s25+$0xC180]  }
0x285: {  	v3 =	vld [tilespmem:s25+$0x10180]  }
.LBB2_42:
0x286: {  	_ =	sdelay $0x3  }
0x287: {  	v2 =	vsub.f32 v2, v3;
	_ =	sdelay $0x1  }
0x288: {  	s23 =	sor.u32 $0x380, s22;
	[tilespmem:s25+$0x14180] =	vst v2  }
0x289: {  	v2 =	vld [tilespmem:s23+$0xC180]  }
0x28a: {  	v3 =	vld [tilespmem:s23+$0x10180];
	_ =	sdelay $0x4  }
0x28b: {  	v2 =	vsub.f32 v2, v3;
	_ =	sdelay $0x1  }
0x28c: {  	s29 =	sor.u32 $0x390, s22;
	[tilespmem:s23+$0x14180] =	vst v2  }
0x28d: {  	v2 =	vld [tilespmem:s29+$0xC180]  }
0x28e: {  	v3 =	vld [tilespmem:s29+$0x10180];
	_ =	sdelay $0x4  }
0x28f: {  	v2 =	vsub.f32 v2, v3;
	_ =	sdelay $0x1  }
0x290: {  	s30 =	sor.u32 $0x3A0, s22;
	[tilespmem:s29+$0x14180] =	vst v2  }
0x291: {  	v2 =	vld [tilespmem:s30+$0xC180]  }
0x292: {  	v3 =	vld [tilespmem:s30+$0x10180];
	_ =	sdelay $0x2  }
0x293: {  	s21 =	sadd.s32 $0x4, s21  }
0x294: {  	p1 =	slt.u32 s21, $0x7C  }
.Ltmp30:
0x295: {  	v2 =	vsub.f32 v2, v3;
	(pc) =	sbr.rel @!p1 .LBB2_44-.Ltmp30, $4  }
0x296: {  	_ = 	snop  }
0x297: {  	s22 =	sor.u32 $0x3B0, s22;
	[tilespmem:s30+$0x14180] =	vst v2  }
0x298: {  	v2 =	vld [tilespmem:s22+$0xC180]  }
0x299: {  	v3 =	vld [tilespmem:s22+$0x10180]  }
.LBB2_43:
0x29a: {  	_ = 	snop  }
0x29b: {  	s21 =	sadd.s32 $0x4, s21  }
0x29c: {  	s16 =	sadd.s32 $0x200, s16;
	p0 =	por !p0, !p0;
	s23 =	simm.s32 $0x1  }
0x29d: {  	s23 =	simm.s32 @!p0 $0x0;
	p1 =	slt.u32 s21, $0x7C  }
0x29e: {  	s23 =	sshll.u32 s23, $0x6;
	v2 =	vsub.f32 v2, v3  }
0x29f: {  	s23 =	sadd.s32 s23, s16  }
0x2a0: {  	s24 =	sor.u32 $0x380, s23;
	[tilespmem:s22+$0x14180] =	vst v2  }
0x2a1: {  	v2 =	vld [tilespmem:s24+$0xC180]  }
0x2a2: {  	v3 =	vld [tilespmem:s24+$0x10180];
	_ =	sdelay $0x4  }
0x2a3: {  	v2 =	vsub.f32 v2, v3;
	_ =	sdelay $0x1  }
0x2a4: {  	s22 =	sor.u32 $0x390, s23;
	[tilespmem:s24+$0x14180] =	vst v2  }
0x2a5: {  	v2 =	vld [tilespmem:s22+$0xC180]  }
0x2a6: {  	v3 =	vld [tilespmem:s22+$0x10180];
	_ =	sdelay $0x4  }
0x2a7: {  	v2 =	vsub.f32 v2, v3;
	_ =	sdelay $0x1  }
0x2a8: {  	[tilespmem:s22+$0x14180] =	vst v2;
	s22 =	sor.u32 $0x3A0, s23  }
0x2a9: {  	v2 =	vld [tilespmem:s22+$0xC180]  }
0x2aa: {  	v3 =	vld [tilespmem:s22+$0x10180];
	_ =	sdelay $0x4  }
.Ltmp31:
0x2ab: {  	v2 =	vsub.f32 v2, v3;
	(pc) =	sbr.rel @p1 .LBB2_43-.Ltmp31, $4  }
0x2ac: {  	_ = 	snop  }
0x2ad: {  	[tilespmem:s22+$0x14180] =	vst v2;
	s22 =	sor.u32 $0x3B0, s23  }
0x2ae: {  	v2 =	vld [tilespmem:s22+$0xC180]  }
0x2af: {  	v3 =	vld [tilespmem:s22+$0x10180]  }
.LBB2_44:
0x2b0: {  	_ =	sdelay $0x1  }
0x2b1: {  	p0 =	seq.s32 s18, $0x12  }
.Ltmp32:
0x2b2: {  	_ = 	snop;
	(pc) =	sbr.rel @p0 .LBB2_46-.Ltmp32, $4  }
0x2b3: {  	v2 =	vsub.f32 v2, v3  }
0x2b4: {  	s16 =	sshll.u32 s20, $0x8  }
0x2b5: {  	s30 =	simm.s32 $0x14180;
	s16 =	sadd.s32 s3, s16;
	[tilespmem:s22+$0x14180] =	vst v2  }
0x2b6: {  	[hbm4b:s16+s4] =	stream.linear.scatter [tilespmem:s30], [sflag:$0x6], $0x4000, $0x38;
	[tilespmem:$0x18180] =	vst v63  }
0x2b7: {  	s16 =	sadd.s32 $0x18, s19  }
0x2b8: {  	s16 =	sadd.s32 s5, s16  }
0x2b9: {  	s16 =	sshll.u32 s16, $0x8  }
0x2ba: {  	s20 =	simm.s32 $0xC180;
	s16 =	sadd.s32 s2, s16  }
0x2bb: {  	[tilespmem:s20], [sflag:$0x4] =	stream.linear.gather [hbm4b:s16+s4], $0x4000, $0x38;
	[tilespmem:$0x18180] =	vst v63  }
0x2bc: {  	v2 =	vld.msk [tilespmem:s19+$0x18], $0xff;
	_ =	sdelay $0x4  }
0x2bd: {  	v3 =	vshll.u32 v2, $0x4  }
0x2be: {  	v2 =	vand.u32 $0x7, v2;
	v3 =	vand.u32 $0xFFFFFF80, v3  }
0x2bf: {  	v2 =	vor.u32 v2, v3  }
0x2c0: {  	v2 =	vperm.xlane v2, v0;
	_ =	sdelay $0x1  }
0x2c1: {  	v2 =	vadd.s32 v1, v2;
	_ =	sdelay $0x3  }
0x2c2: {  	s22 =	simm.s32 $0x10180  }
0x2c3: {  	[tilespmem:s22], [sflag:$0x5] =	stream.indirect_vreg.gather [hbm4b:s2+s4], $0x80, v2, vm0, $0xb8;
	[tilespmem:$0x18180] =	vst v63  }
0x2c4: {  	s23 =	simm.s32 $0x10980  }
0x2c5: {  	[tilespmem:s23], [sflag:$0x5] =	stream.indirect_vreg.gather [hbm4b:s9+s4], $0x80, v2, vm0, $0xb8;
	[tilespmem:$0x18180] =	vst v63  }
0x2c6: {  	s24 =	simm.s32 $0x11180  }
0x2c7: {  	[tilespmem:s24], [sflag:$0x5] =	stream.indirect_vreg.gather [hbm4b:s10+s4], $0x80, v2, vm0, $0xb8;
	[tilespmem:$0x18180] =	vst v63  }
0x2c8: {  	s25 =	simm.s32 $0x11980  }
0x2c9: {  	[tilespmem:s25], [sflag:$0x5] =	stream.indirect_vreg.gather [hbm4b:s11+s4], $0x80, v2, vm0, $0xb8;
	[tilespmem:$0x18180] =	vst v63  }
0x2ca: {  	s26 =	simm.s32 $0x12180  }
0x2cb: {  	[tilespmem:s26], [sflag:$0x5] =	stream.indirect_vreg.gather [hbm4b:s12+s4], $0x80, v2, vm0, $0xb8;
	[tilespmem:$0x18180] =	vst v63  }
0x2cc: {  	s28 =	simm.s32 $0x12980  }
0x2cd: {  	[tilespmem:s28], [sflag:$0x5] =	stream.indirect_vreg.gather [hbm4b:s13+s4], $0x80, v2, vm0, $0xb8;
	[tilespmem:$0x18180] =	vst v63  }
.Ltmp33:
0x2ce: {  	_ = 	snop;
	(pc) =	sbr.rel .LBB2_2-.Ltmp33, $4  }
0x2cf: {  	s29 =	simm.s32 $0x13180  }
0x2d0: {  	[tilespmem:s29], [sflag:$0x5] =	stream.indirect_vreg.gather [hbm4b:s14+s4], $0x80, v2, vm0, $0xb8;
	[tilespmem:$0x18180] =	vst v63  }
0x2d1: {  	s30 =	simm.s32 $0x13980;
	s18 =	sadd.s32 $0x1, s18  }
0x2d2: {  	[tilespmem:s30], [sflag:$0x5] =	stream.indirect_vreg.gather [hbm4b:s15+s4], $0x80, v2, vm0, $0xb8;
	[tilespmem:$0x18180] =	vst v63  }
.LBB2_7:
.Ltmp34:
0x2d3: {  	(pc) =	sbr.rel .LBB2_11-.Ltmp34, $2  }
0x2d4: {  	_ =	sdelay $0x2  }
0x2d5: {  	s22 =	smov.u32 s16;
	p3 =	por $0x0, $0x0  }
.LBB2_12:
.Ltmp35:
0x2d6: {  	(pc) =	sbr.rel .LBB2_15-.Ltmp35, $2  }
0x2d7: {  	_ =	sdelay $0x2  }
0x2d8: {  	s20 =	smov.u32 s16  }
.LBB2_28:
.Ltmp36:
0x2d9: {  	(pc) =	sbr.rel .LBB2_32-.Ltmp36, $2  }
0x2da: {  	_ =	sdelay $0x2  }
0x2db: {  	s23 =	smov.u32 s25;
	p2 =	por $0x0, $0x0  }
.LBB2_33:
.Ltmp37:
0x2dc: {  	(pc) =	sbr.rel .LBB2_36-.Ltmp37, $2  }
0x2dd: {  	_ =	sdelay $0x2  }
0x2de: {  	s21 =	smov.u32 s25  }
.LBB2_9:
.Ltmp38:
0x2df: {  	(pc) =	sbr.rel .LBB2_11-.Ltmp38, $2  }
0x2e0: {  	_ =	sdelay $0x2  }
0x2e1: {  	s24 =	smov.u32 s16  }
.LBB2_30:
.Ltmp39:
0x2e2: {  	(pc) =	sbr.rel .LBB2_32-.Ltmp39, $2  }
0x2e3: {  	_ =	sdelay $0x2  }
0x2e4: {  	s16 =	smov.u32 s25  }
.LBB2_46:
0x2e5: {  	_ =	swait.ge [sflag:s31], $0x4000  }
0x2e6: {  	[sflag:s31] =	ssyncset.done $0x0  }
0x2e7: {  	[sflag:s31] =	ssyncadd.s32 $0xFFFFC000  }
0x2e8: {  	_ =	swait.ge [sflag:s1], $0x4000  }
0x2e9: {  	[sflag:s1] =	ssyncset.done $0x0  }
0x2ea: {  	s19 =	simm.s32 $0x3;
	[sflag:s1] =	ssyncadd.s32 $0xFFFFC000  }
0x2eb: {  	s16 =	simm.s32 $0x0;
	_ =	swait.ge [sflag:s19], $0x4000  }
0x2ec: {  	s18 =	sand.u32 $0x40, s16;
	s16 =	sand.u32 $0x3C00, s16;
	[sflag:s19] =	ssyncset.done $0x0  }
0x2ed: {  	s16 =	sor.u32 s18, s16;
	[sflag:s19] =	ssyncadd.s32 $0xFFFFC000  }
0x2ee: {  	v2 =	vld [tilespmem:s16+$0x1B0]  }
0x2ef: {  	v3 =	vld [tilespmem:s16+$0x41B0]  }
0x2f0: {  	v4 =	vld [tilespmem:s16+$0x180]  }
0x2f1: {  	v5 =	vld [tilespmem:s16+$0x4180]  }
0x2f2: {  	v7 =	vld [tilespmem:s16+$0x190]  }
0x2f3: {  	s29 =	simm.s32 $0x200;
	s30 =	simm.s32 $0x40;
	v8 =	vld [tilespmem:s16+$0x4190]  }
0x2f4: {  	s18 =	sand.u32 $0x40, s30;
	s19 =	sand.u32 $0x3C00, s29;
	v9 =	vld [tilespmem:s16+$0x1A0];
	v3 =	vsub.f32 v2, v3  }
0x2f5: {  	s20 =	sor.u32 s18, s19;
	v10 =	vld [tilespmem:s16+$0x41A0]  }
0x2f6: {  	v2 =	vld [tilespmem:s20+$0x1B0];
	v4 =	vsub.f32 v4, v5;
	[tilespmem:s16+$0x81B0] =	vst v3  }
0x2f7: {  	v6 =	vld [tilespmem:s20+$0x41B0]  }
0x2f8: {  	v7 =	vsub.f32 v7, v8;
	v3 =	vld [tilespmem:s20+$0x180];
	[tilespmem:s16+$0x8180] =	vst v4  }
0x2f9: {  	v5 =	vld [tilespmem:s20+$0x4180]  }
0x2fa: {  	s21 =	simm.s32 $0x4;
	v8 =	vsub.f32 v9, v10;
	v4 =	vld [tilespmem:s20+$0x190];
	[tilespmem:s16+$0x8190] =	vst v7  }
0x2fb: {  	s22 =	simm.s32 $0x400;
	s24 =	simm.s32 $0x80;
	s23 =	smov.u32 s16;
	v7 =	vld [tilespmem:s20+$0x4190]  }
.LBB2_47:
0x2fc: {  	s25 =	sand.u32 $0x40, s24;
	s26 =	sand.u32 $0x3C00, s22;
	v9 =	vld [tilespmem:s20+$0x1A0];
	v6 =	vsub.f32 v2, v6;
	[tilespmem:s23+$0x81A0] =	vst v8;
	s23 =	smov.u32 s20  }
0x2fd: {  	s21 =	sadd.s32 $0x4, s21;
	s20 =	sor.u32 s25, s26;
	v8 =	vld [tilespmem:s23+$0x41A0]  }
0x2fe: {  	p0 =	slt.u32 s21, $0x7C;
	v2 =	vld [tilespmem:s20+$0x1B0];
	v5 =	vsub.f32 v3, v5;
	[tilespmem:s23+$0x81B0] =	vst v6  }
.Ltmp40:
0x2ff: {  	v6 =	vld [tilespmem:s20+$0x41B0];
	(pc) =	sbr.rel @p0 .LBB2_47-.Ltmp40, $4  }
0x300: {  	v3 =	vld [tilespmem:s20+$0x180];
	[tilespmem:s23+$0x8180] =	vst v5;
	v7 =	vsub.f32 v4, v7  }
0x301: {  	v5 =	vld [tilespmem:s20+$0x4180]  }
0x302: {  	v4 =	vld [tilespmem:s20+$0x190];
	[tilespmem:s23+$0x8190] =	vst v7;
	v8 =	vsub.f32 v9, v8  }
0x303: {  	s22 =	sadd.s32 $0x200, s22;
	s24 =	sadd.s32 $0x40, s24;
	v7 =	vld [tilespmem:s20+$0x4190]  }
0x304: {  	v9 =	vld [tilespmem:s20+$0x1A0];
	[tilespmem:s23+$0x81A0] =	vst v8  }
0x305: {  	v8 =	vld [tilespmem:s20+$0x41A0];
	_ =	sdelay $0x1  }
0x306: {  	v2 =	vsub.f32 v2, v6  }
0x307: {  	v3 =	vsub.f32 v3, v5  }
0x308: {  	[tilespmem:s20+$0x81B0] =	vst v2;
	v2 =	vsub.f32 v4, v7  }
0x309: {  	[tilespmem:s20+$0x8180] =	vst v3;
	v3 =	vsub.f32 v9, v8  }
0x30a: {  	[tilespmem:s20+$0x8190] =	vst v2  }
0x30b: {  	[tilespmem:s20+$0x81A0] =	vst v3  }
0x30c: {  	v2 =	vld [tilespmem:s16+$0x230]  }
0x30d: {  	v3 =	vld [tilespmem:s16+$0x4230]  }
0x30e: {  	v4 =	vld [tilespmem:s16+$0x200]  }
0x30f: {  	v5 =	vld [tilespmem:s16+$0x4200]  }
0x310: {  	v7 =	vld [tilespmem:s16+$0x210]  }
0x311: {  	v8 =	vld [tilespmem:s16+$0x4210]  }
0x312: {  	v9 =	vld [tilespmem:s16+$0x220];
	v3 =	vsub.f32 v2, v3  }
0x313: {  	s18 =	sor.u32 s18, s19;
	v10 =	vld [tilespmem:s16+$0x4220]  }
0x314: {  	v2 =	vld [tilespmem:s18+$0x230];
	v4 =	vsub.f32 v4, v5;
	[tilespmem:s16+$0x8230] =	vst v3  }
0x315: {  	v6 =	vld [tilespmem:s18+$0x4230]  }
0x316: {  	v7 =	vsub.f32 v7, v8;
	v3 =	vld [tilespmem:s18+$0x200];
	[tilespmem:s16+$0x8200] =	vst v4  }
0x317: {  	v5 =	vld [tilespmem:s18+$0x4200]  }
0x318: {  	v8 =	vsub.f32 v9, v10;
	v4 =	vld [tilespmem:s18+$0x210];
	[tilespmem:s16+$0x8210] =	vst v7  }
0x319: {  	s19 =	simm.s32 $0x4;
	s21 =	simm.s32 $0x80;
	s20 =	simm.s32 $0x400;
	v7 =	vld [tilespmem:s18+$0x4210]  }
.LBB2_49:
0x31a: {  	s22 =	sand.u32 $0x40, s21;
	s23 =	sand.u32 $0x3C00, s20;
	v9 =	vld [tilespmem:s18+$0x220];
	v6 =	vsub.f32 v2, v6;
	[tilespmem:s16+$0x8220] =	vst v8;
	s16 =	smov.u32 s18  }
0x31b: {  	s19 =	sadd.s32 $0x4, s19;
	s18 =	sor.u32 s22, s23;
	v8 =	vld [tilespmem:s16+$0x4220]  }
0x31c: {  	p0 =	slt.u32 s19, $0x7C;
	v2 =	vld [tilespmem:s18+$0x230];
	v5 =	vsub.f32 v3, v5;
	[tilespmem:s16+$0x8230] =	vst v6  }
.Ltmp41:
0x31d: {  	v6 =	vld [tilespmem:s18+$0x4230];
	(pc) =	sbr.rel @p0 .LBB2_49-.Ltmp41, $4  }
0x31e: {  	v3 =	vld [tilespmem:s18+$0x200];
	[tilespmem:s16+$0x8200] =	vst v5;
	v7 =	vsub.f32 v4, v7  }
0x31f: {  	v5 =	vld [tilespmem:s18+$0x4200]  }
0x320: {  	v4 =	vld [tilespmem:s18+$0x210];
	[tilespmem:s16+$0x8210] =	vst v7;
	v8 =	vsub.f32 v9, v8  }
0x321: {  	s20 =	sadd.s32 $0x200, s20;
	s21 =	sadd.s32 $0x40, s21;
	v7 =	vld [tilespmem:s18+$0x4210]  }
0x322: {  	v9 =	vld [tilespmem:s18+$0x220];
	[tilespmem:s16+$0x8220] =	vst v8  }
0x323: {  	v8 =	vld [tilespmem:s18+$0x4220];
	_ =	sdelay $0x1  }
0x324: {  	v2 =	vsub.f32 v2, v6  }
0x325: {  	v3 =	vsub.f32 v3, v5  }
0x326: {  	[tilespmem:s18+$0x8230] =	vst v2;
	v2 =	vsub.f32 v4, v7  }
0x327: {  	s30 =	simm.s32 $0x0;
	[tilespmem:s18+$0x8200] =	vst v3;
	v3 =	vsub.f32 v9, v8  }
0x328: {  	s19 =	sand.u32 $0x40, s30;
	s16 =	sand.u32 $0x3C00, s30;
	[tilespmem:s18+$0x8210] =	vst v2  }
0x329: {  	s16 =	sor.u32 s19, s16;
	[tilespmem:s18+$0x8220] =	vst v3  }
0x32a: {  	p1 =	por $0x1, $0x1;
	v4 =	vld [tilespmem:s16+$0x2B0]  }
.Ltmp42:
0x32b: {  	v7 =	vld [tilespmem:s16+$0x42B0];
	(pc) =	sbr.rel @!p1 .LBB2_51-.Ltmp42, $4  }
0x32c: {  	v2 =	vld [tilespmem:s16+$0x280]  }
0x32d: {  	v5 =	vld [tilespmem:s16+$0x4280]  }
0x32e: {  	v3 =	vld [tilespmem:s16+$0x290]  }
0x32f: {  	p0 =	por $0x0, $0x0;
	s19 =	simm.s32 $0x40;
	s18 =	simm.s32 $0x200;
	v6 =	vld [tilespmem:s16+$0x4290]  }
0x330: {  	s20 =	sand.u32 $0x40, s19;
	s21 =	sand.u32 $0x3C00, s18;
	v8 =	vld [tilespmem:s16+$0x2A0];
	v7 =	vsub.f32 v4, v7  }
0x331: {  	v9 =	vld [tilespmem:s16+$0x42A0];
	s20 =	sor.u32 s20, s21  }
0x332: {  	p3 =	por $0x1, $0x1;
	v4 =	vld [tilespmem:s20+$0x2B0];
	[tilespmem:s16+$0x82B0] =	vst v7;
	v5 =	vsub.f32 v2, v5  }
.Ltmp43:
0x333: {  	v7 =	vld [tilespmem:s20+$0x42B0];
	(pc) =	sbr.rel @!p3 .LBB2_53-.Ltmp43, $4  }
0x334: {  	v2 =	vld [tilespmem:s20+$0x280];
	[tilespmem:s16+$0x8280] =	vst v5;
	v6 =	vsub.f32 v3, v6  }
0x335: {  	v5 =	vld [tilespmem:s20+$0x4280]  }
0x336: {  	s23 =	simm.s32 $0x400;
	s24 =	simm.s32 $0x80;
	v3 =	vld [tilespmem:s20+$0x290];
	v8 =	vsub.f32 v8, v9;
	[tilespmem:s16+$0x8290] =	vst v6  }
0x337: {  	p2 =	por $0x1, $0x1;
	s22 =	smov.u32 s16;
	s21 =	simm.s32 $0x4;
	v6 =	vld [tilespmem:s20+$0x4290]  }
.LBB2_54:
0x338: {  	s25 =	sand.u32 $0x40, s24;
	s26 =	sand.u32 $0x3C00, s23;
	v9 =	vld [tilespmem:s20+$0x2A0];
	v7 =	vsub.f32 v4, v7;
	[tilespmem:s22+$0x82A0] =	vst v8;
	s22 =	smov.u32 s20  }
0x339: {  	s21 =	sadd.s32 $0x4, s21;
	s20 =	sor.u32 s25, s26;
	v8 =	vld [tilespmem:s22+$0x42A0]  }
0x33a: {  	p3 =	slt.u32 s21, $0x7C;
	v4 =	vld [tilespmem:s20+$0x2B0];
	v5 =	vsub.f32 v2, v5;
	[tilespmem:s22+$0x82B0] =	vst v7  }
.Ltmp44:
0x33b: {  	v7 =	vld [tilespmem:s20+$0x42B0];
	(pc) =	sbr.rel @p3 .LBB2_54-.Ltmp44, $4  }
0x33c: {  	v2 =	vld [tilespmem:s20+$0x280];
	[tilespmem:s22+$0x8280] =	vst v5;
	v6 =	vsub.f32 v3, v6  }
0x33d: {  	v5 =	vld [tilespmem:s20+$0x4280]  }
0x33e: {  	v3 =	vld [tilespmem:s20+$0x290];
	[tilespmem:s22+$0x8290] =	vst v6;
	v8 =	vsub.f32 v9, v8  }
0x33f: {  	s23 =	sadd.s32 $0x200, s23;
	s24 =	sadd.s32 $0x40, s24;
	v6 =	vld [tilespmem:s20+$0x4290]  }
.LBB2_55:
0x340: {  	v9 =	vld [tilespmem:s20+$0x2A0];
	[tilespmem:s22+$0x82A0] =	vst @p2 v8  }
0x341: {  	v8 =	vld [tilespmem:s20+$0x42A0];
	_ =	sdelay $0x1  }
0x342: {  	v4 =	vsub.f32 v4, v7  }
0x343: {  	v2 =	vsub.f32 v2, v5  }
0x344: {  	[tilespmem:s20+$0x82B0] =	vst v4;
	v3 =	vsub.f32 v3, v6  }
0x345: {  	[tilespmem:s20+$0x8280] =	vst v2;
	v2 =	vsub.f32 v9, v8  }
0x346: {  	[tilespmem:s20+$0x8290] =	vst v3  }
0x347: {  	[tilespmem:s20+$0x82A0] =	vst v2  }
0x348: {  	v4 =	vld [tilespmem:s16+$0x330]  }
.Ltmp45:
0x349: {  	v7 =	vld [tilespmem:s16+$0x4330];
	(pc) =	sbr.rel @!p1 .LBB2_56-.Ltmp45, $4  }
0x34a: {  	v3 =	vld [tilespmem:s16+$0x300]  }
0x34b: {  	v5 =	vld [tilespmem:s16+$0x4300]  }
0x34c: {  	v2 =	vld [tilespmem:s16+$0x310]  }
0x34d: {  	v6 =	vld [tilespmem:s16+$0x4310]  }
0x34e: {  	s19 =	sand.u32 $0x40, s19;
	s18 =	sand.u32 $0x3C00, s18;
	v8 =	vld [tilespmem:s16+$0x320];
	v7 =	vsub.f32 v4, v7  }
0x34f: {  	v9 =	vld [tilespmem:s16+$0x4320];
	s18 =	sor.u32 s19, s18  }
0x350: {  	p1 =	por $0x1, $0x1;
	v4 =	vld [tilespmem:s18+$0x330];
	[tilespmem:s16+$0x8330] =	vst v7;
	v5 =	vsub.f32 v3, v5  }
.Ltmp46:
0x351: {  	v7 =	vld [tilespmem:s18+$0x4330];
	(pc) =	sbr.rel @!p1 .LBB2_59-.Ltmp46, $4  }
0x352: {  	v3 =	vld [tilespmem:s18+$0x300];
	[tilespmem:s16+$0x8300] =	vst v5;
	v6 =	vsub.f32 v2, v6  }
0x353: {  	v5 =	vld [tilespmem:s18+$0x4300]  }
0x354: {  	s20 =	simm.s32 $0x400;
	v2 =	vld [tilespmem:s18+$0x310];
	v8 =	vsub.f32 v8, v9;
	[tilespmem:s16+$0x8310] =	vst v6  }
0x355: {  	s21 =	simm.s32 $0x80;
	p0 =	por $0x1, $0x1;
	s19 =	simm.s32 $0x4;
	v6 =	vld [tilespmem:s18+$0x4310]  }
.LBB2_58:
0x356: {  	s22 =	sand.u32 $0x40, s21;
	s23 =	sand.u32 $0x3C00, s20;
	v9 =	vld [tilespmem:s18+$0x320];
	v7 =	vsub.f32 v4, v7;
	[tilespmem:s16+$0x8320] =	vst v8;
	s16 =	smov.u32 s18  }
0x357: {  	s19 =	sadd.s32 $0x4, s19;
	s18 =	sor.u32 s22, s23;
	v8 =	vld [tilespmem:s16+$0x4320]  }
0x358: {  	p1 =	slt.u32 s19, $0x7C;
	v4 =	vld [tilespmem:s18+$0x330];
	v5 =	vsub.f32 v3, v5;
	[tilespmem:s16+$0x8330] =	vst v7  }
.Ltmp47:
0x359: {  	v7 =	vld [tilespmem:s18+$0x4330];
	(pc) =	sbr.rel @p1 .LBB2_58-.Ltmp47, $4  }
0x35a: {  	v3 =	vld [tilespmem:s18+$0x300];
	[tilespmem:s16+$0x8300] =	vst v5;
	v6 =	vsub.f32 v2, v6  }
0x35b: {  	v5 =	vld [tilespmem:s18+$0x4300]  }
0x35c: {  	v2 =	vld [tilespmem:s18+$0x310];
	[tilespmem:s16+$0x8310] =	vst v6;
	v8 =	vsub.f32 v9, v8  }
0x35d: {  	s20 =	sadd.s32 $0x200, s20;
	s21 =	sadd.s32 $0x40, s21;
	v6 =	vld [tilespmem:s18+$0x4310]  }
.LBB2_59:
0x35e: {  	v9 =	vld [tilespmem:s18+$0x320];
	[tilespmem:s16+$0x8320] =	vst @p0 v8  }
0x35f: {  	v8 =	vld [tilespmem:s18+$0x4320];
	_ =	sdelay $0x1  }
0x360: {  	v4 =	vsub.f32 v4, v7  }
0x361: {  	p0 =	por $0x0, $0x0;
	s16 =	simm.s32 $0x1;
	v3 =	vsub.f32 v3, v5  }
0x362: {  	s16 =	simm.s32 @!p0 $0x0;
	[tilespmem:s18+$0x8330] =	vst v4;
	v2 =	vsub.f32 v2, v6  }
0x363: {  	s16 =	sshll.u32 s16, $0x6;
	[tilespmem:s18+$0x8300] =	vst v3;
	v3 =	vsub.f32 v9, v8  }
0x364: {  	s19 =	sadd.s32 $0x0, s16;
	[tilespmem:s18+$0x8310] =	vst v2  }
0x365: {  	s16 =	sor.u32 $0x200, s19;
	[tilespmem:s18+$0x8320] =	vst v3  }
0x366: {  	v2 =	vld [tilespmem:s16+$0x180]  }
0x367: {  	v3 =	vld [tilespmem:s16+$0x4180];
	_ =	sdelay $0x4  }
0x368: {  	v2 =	vsub.f32 v2, v3;
	_ =	sdelay $0x1  }
0x369: {  	s29 =	sor.u32 $0x210, s19;
	[tilespmem:s16+$0x8180] =	vst v2  }
0x36a: {  	v2 =	vld [tilespmem:s29+$0x180]  }
0x36b: {  	v3 =	vld [tilespmem:s29+$0x4180];
	_ =	sdelay $0x4  }
0x36c: {  	v2 =	vsub.f32 v2, v3;
	_ =	sdelay $0x1  }
0x36d: {  	s30 =	sor.u32 $0x220, s19;
	[tilespmem:s29+$0x8180] =	vst v2  }
0x36e: {  	v2 =	vld [tilespmem:s30+$0x180]  }
0x36f: {  	v3 =	vld [tilespmem:s30+$0x4180];
	_ =	sdelay $0x3  }
0x370: {  	p2 =	por $0x1, $0x1  }
.Ltmp48:
0x371: {  	v2 =	vsub.f32 v2, v3;
	(pc) =	sbr.rel @!p2 .LBB2_61-.Ltmp48, $4  }
0x372: {  	_ = 	snop  }
0x373: {  	s22 =	sor.u32 $0x230, s19;
	[tilespmem:s30+$0x8180] =	vst v2  }
0x374: {  	s20 =	simm.s32 $0x0;
	s21 =	simm.s32 $0x0;
	v2 =	vld [tilespmem:s22+$0x180]  }
0x375: {  	p1 =	por $0x0, $0x0;
	s18 =	simm.s32 $0xFFFFFFFC;
	s16 =	simm.s32 $0x0;
	v3 =	vld [tilespmem:s22+$0x4180]  }
.LBB2_60:
0x376: {  	_ = 	snop  }
0x377: {  	s20 =	sadd.s32 $0x4, s20  }
0x378: {  	s21 =	sadd.s32 $0x200, s21;
	p1 =	por !p1, !p1;
	s23 =	simm.s32 $0x1  }
0x379: {  	s23 =	simm.s32 @!p1 $0x0;
	p2 =	slt.u32 s20, $0x7C  }
0x37a: {  	s23 =	sshll.u32 s23, $0x6;
	v2 =	vsub.f32 v2, v3  }
0x37b: {  	s23 =	sadd.s32 s23, s21  }
0x37c: {  	s24 =	sor.u32 $0x200, s23;
	[tilespmem:s22+$0x8180] =	vst v2  }
0x37d: {  	v2 =	vld [tilespmem:s24+$0x180]  }
0x37e: {  	v3 =	vld [tilespmem:s24+$0x4180];
	_ =	sdelay $0x4  }
0x37f: {  	v2 =	vsub.f32 v2, v3;
	_ =	sdelay $0x1  }
0x380: {  	s22 =	sor.u32 $0x210, s23;
	[tilespmem:s24+$0x8180] =	vst v2  }
0x381: {  	v2 =	vld [tilespmem:s22+$0x180]  }
0x382: {  	v3 =	vld [tilespmem:s22+$0x4180];
	_ =	sdelay $0x4  }
0x383: {  	v2 =	vsub.f32 v2, v3;
	_ =	sdelay $0x1  }
0x384: {  	[tilespmem:s22+$0x8180] =	vst v2;
	s22 =	sor.u32 $0x220, s23  }
0x385: {  	v2 =	vld [tilespmem:s22+$0x180]  }
0x386: {  	v3 =	vld [tilespmem:s22+$0x4180];
	_ =	sdelay $0x4  }
.Ltmp49:
0x387: {  	v2 =	vsub.f32 v2, v3;
	(pc) =	sbr.rel @p2 .LBB2_60-.Ltmp49, $4  }
0x388: {  	_ = 	snop  }
0x389: {  	[tilespmem:s22+$0x8180] =	vst v2;
	s22 =	sor.u32 $0x230, s23  }
0x38a: {  	v2 =	vld [tilespmem:s22+$0x180]  }
0x38b: {  	v3 =	vld [tilespmem:s22+$0x4180]  }
.LBB2_61:
0x38c: {  	_ =	sdelay $0x3  }
0x38d: {  	v2 =	vsub.f32 v2, v3;
	_ =	sdelay $0x1  }
0x38e: {  	s20 =	sor.u32 $0x280, s19;
	[tilespmem:s22+$0x8180] =	vst v2  }
0x38f: {  	v2 =	vld [tilespmem:s20+$0x180]  }
0x390: {  	v3 =	vld [tilespmem:s20+$0x4180];
	_ =	sdelay $0x4  }
0x391: {  	v2 =	vsub.f32 v2, v3;
	_ =	sdelay $0x1  }
0x392: {  	s29 =	sor.u32 $0x290, s19;
	[tilespmem:s20+$0x8180] =	vst v2  }
0x393: {  	v2 =	vld [tilespmem:s29+$0x180]  }
0x394: {  	v3 =	vld [tilespmem:s29+$0x4180];
	_ =	sdelay $0x4  }
0x395: {  	v2 =	vsub.f32 v2, v3;
	_ =	sdelay $0x1  }
0x396: {  	s30 =	sor.u32 $0x2A0, s19;
	[tilespmem:s29+$0x8180] =	vst v2  }
0x397: {  	v2 =	vld [tilespmem:s30+$0x180]  }
0x398: {  	v3 =	vld [tilespmem:s30+$0x4180];
	_ =	sdelay $0x4  }
0x399: {  	p2 =	por $0x1, $0x1;
	v2 =	vsub.f32 v2, v3  }
.Ltmp50:
0x39a: {  	_ = 	snop;
	(pc) =	sbr.rel @!p2 .LBB2_63-.Ltmp50, $4  }
0x39b: {  	s21 =	sor.u32 $0x2B0, s19;
	[tilespmem:s30+$0x8180] =	vst v2  }
0x39c: {  	v2 =	vld [tilespmem:s21+$0x180]  }
0x39d: {  	v3 =	vld [tilespmem:s21+$0x4180]  }
0x39e: {  	s19 =	simm.s32 $0x0;
	p1 =	por $0x0, $0x0;
	s20 =	simm.s32 $0x0  }
.LBB2_62:
0x39f: {  	s19 =	sadd.s32 $0x4, s19  }
0x3a0: {  	s20 =	sadd.s32 $0x200, s20;
	p1 =	por !p1, !p1;
	s22 =	simm.s32 $0x1  }
0x3a1: {  	s22 =	simm.s32 @!p1 $0x0;
	p2 =	slt.u32 s19, $0x7C  }
0x3a2: {  	s22 =	sshll.u32 s22, $0x6;
	v2 =	vsub.f32 v2, v3  }
0x3a3: {  	s22 =	sadd.s32 s22, s20  }
0x3a4: {  	s23 =	sor.u32 $0x280, s22;
	[tilespmem:s21+$0x8180] =	vst v2  }
0x3a5: {  	v2 =	vld [tilespmem:s23+$0x180]  }
0x3a6: {  	v3 =	vld [tilespmem:s23+$0x4180];
	_ =	sdelay $0x4  }
0x3a7: {  	v2 =	vsub.f32 v2, v3;
	_ =	sdelay $0x1  }
0x3a8: {  	s21 =	sor.u32 $0x290, s22;
	[tilespmem:s23+$0x8180] =	vst v2  }
0x3a9: {  	v2 =	vld [tilespmem:s21+$0x180]  }
0x3aa: {  	v3 =	vld [tilespmem:s21+$0x4180];
	_ =	sdelay $0x4  }
0x3ab: {  	v2 =	vsub.f32 v2, v3;
	_ =	sdelay $0x1  }
0x3ac: {  	[tilespmem:s21+$0x8180] =	vst v2;
	s21 =	sor.u32 $0x2A0, s22  }
0x3ad: {  	v2 =	vld [tilespmem:s21+$0x180]  }
0x3ae: {  	v3 =	vld [tilespmem:s21+$0x4180];
	_ =	sdelay $0x4  }
0x3af: {  	v2 =	vsub.f32 v2, v3;
	_ =	sdelay $0x1  }
.Ltmp51:
0x3b0: {  	[tilespmem:s21+$0x8180] =	vst v2;
	s21 =	sor.u32 $0x2B0, s22;
	(pc) =	sbr.rel @p2 .LBB2_62-.Ltmp51, $2  }
0x3b1: {  	v2 =	vld [tilespmem:s21+$0x180]  }
0x3b2: {  	v3 =	vld [tilespmem:s21+$0x4180];
	_ =	sdelay $0x2  }
.LBB2_63:
0x3b3: {  	_ = 	snop  }
0x3b4: {  	s19 =	simm.s32 $0x1  }
0x3b5: {  	s19 =	simm.s32 @!p0 $0x0  }
0x3b6: {  	s19 =	sshll.u32 s19, $0x6;
	v2 =	vsub.f32 v2, v3  }
0x3b7: {  	s19 =	sadd.s32 s19, s16  }
0x3b8: {  	s20 =	sor.u32 $0x300, s19;
	[tilespmem:s21+$0x8180] =	vst v2  }
0x3b9: {  	v2 =	vld [tilespmem:s20+$0x180]  }
0x3ba: {  	v3 =	vld [tilespmem:s20+$0x4180];
	_ =	sdelay $0x4  }
0x3bb: {  	v2 =	vsub.f32 v2, v3;
	_ =	sdelay $0x1  }
0x3bc: {  	s29 =	sor.u32 $0x310, s19;
	[tilespmem:s20+$0x8180] =	vst v2  }
0x3bd: {  	v2 =	vld [tilespmem:s29+$0x180]  }
0x3be: {  	v3 =	vld [tilespmem:s29+$0x4180];
	_ =	sdelay $0x4  }
0x3bf: {  	v2 =	vsub.f32 v2, v3;
	_ =	sdelay $0x1  }
0x3c0: {  	s30 =	sor.u32 $0x320, s19;
	[tilespmem:s29+$0x8180] =	vst v2  }
0x3c1: {  	v2 =	vld [tilespmem:s30+$0x180]  }
0x3c2: {  	v3 =	vld [tilespmem:s30+$0x4180];
	_ =	sdelay $0x2  }
0x3c3: {  	s20 =	sadd.s32 $0x4, s18  }
0x3c4: {  	p2 =	slt.u32 s20, $0x7C  }
.Ltmp52:
0x3c5: {  	v2 =	vsub.f32 v2, v3;
	(pc) =	sbr.rel @!p2 .LBB2_65-.Ltmp52, $4  }
0x3c6: {  	_ = 	snop  }
0x3c7: {  	s22 =	sor.u32 $0x330, s19;
	[tilespmem:s30+$0x8180] =	vst v2  }
0x3c8: {  	v2 =	vld [tilespmem:s22+$0x180]  }
0x3c9: {  	p1 =	por p0, p0;
	s21 =	smov.u32 s16;
	v3 =	vld [tilespmem:s22+$0x4180]  }
.LBB2_64:
0x3ca: {  	_ = 	snop  }
0x3cb: {  	s20 =	sadd.s32 $0x4, s20  }
0x3cc: {  	s21 =	sadd.s32 $0x200, s21;
	p1 =	por !p1, !p1;
	s23 =	simm.s32 $0x1  }
0x3cd: {  	s23 =	simm.s32 @!p1 $0x0;
	p2 =	slt.u32 s20, $0x7C  }
0x3ce: {  	s23 =	sshll.u32 s23, $0x6;
	v2 =	vsub.f32 v2, v3  }
0x3cf: {  	s23 =	sadd.s32 s23, s21  }
0x3d0: {  	s24 =	sor.u32 $0x300, s23;
	[tilespmem:s22+$0x8180] =	vst v2  }
0x3d1: {  	v2 =	vld [tilespmem:s24+$0x180]  }
0x3d2: {  	v3 =	vld [tilespmem:s24+$0x4180];
	_ =	sdelay $0x4  }
0x3d3: {  	v2 =	vsub.f32 v2, v3;
	_ =	sdelay $0x1  }
0x3d4: {  	s22 =	sor.u32 $0x310, s23;
	[tilespmem:s24+$0x8180] =	vst v2  }
0x3d5: {  	v2 =	vld [tilespmem:s22+$0x180]  }
0x3d6: {  	v3 =	vld [tilespmem:s22+$0x4180];
	_ =	sdelay $0x4  }
0x3d7: {  	v2 =	vsub.f32 v2, v3;
	_ =	sdelay $0x1  }
0x3d8: {  	[tilespmem:s22+$0x8180] =	vst v2;
	s22 =	sor.u32 $0x320, s23  }
0x3d9: {  	v2 =	vld [tilespmem:s22+$0x180]  }
0x3da: {  	v3 =	vld [tilespmem:s22+$0x4180];
	_ =	sdelay $0x4  }
.Ltmp53:
0x3db: {  	v2 =	vsub.f32 v2, v3;
	(pc) =	sbr.rel @p2 .LBB2_64-.Ltmp53, $4  }
0x3dc: {  	_ = 	snop  }
0x3dd: {  	[tilespmem:s22+$0x8180] =	vst v2;
	s22 =	sor.u32 $0x330, s23  }
0x3de: {  	v2 =	vld [tilespmem:s22+$0x180]  }
0x3df: {  	v3 =	vld [tilespmem:s22+$0x4180]  }
.LBB2_65:
0x3e0: {  	_ =	sdelay $0x3  }
0x3e1: {  	v2 =	vsub.f32 v2, v3;
	_ =	sdelay $0x1  }
0x3e2: {  	s20 =	sor.u32 $0x380, s19;
	[tilespmem:s22+$0x8180] =	vst v2  }
0x3e3: {  	v2 =	vld [tilespmem:s20+$0x180]  }
0x3e4: {  	v3 =	vld [tilespmem:s20+$0x4180];
	_ =	sdelay $0x4  }
0x3e5: {  	v2 =	vsub.f32 v2, v3;
	_ =	sdelay $0x1  }
0x3e6: {  	s29 =	sor.u32 $0x390, s19;
	[tilespmem:s20+$0x8180] =	vst v2  }
0x3e7: {  	v2 =	vld [tilespmem:s29+$0x180]  }
0x3e8: {  	v3 =	vld [tilespmem:s29+$0x4180];
	_ =	sdelay $0x4  }
0x3e9: {  	v2 =	vsub.f32 v2, v3;
	_ =	sdelay $0x1  }
0x3ea: {  	s30 =	sor.u32 $0x3A0, s19;
	[tilespmem:s29+$0x8180] =	vst v2  }
0x3eb: {  	v2 =	vld [tilespmem:s30+$0x180]  }
0x3ec: {  	v3 =	vld [tilespmem:s30+$0x4180];
	_ =	sdelay $0x2  }
0x3ed: {  	s18 =	sadd.s32 $0x4, s18  }
0x3ee: {  	p1 =	slt.u32 s18, $0x7C  }
.Ltmp54:
0x3ef: {  	v2 =	vsub.f32 v2, v3;
	(pc) =	sbr.rel @!p1 .LBB2_67-.Ltmp54, $4  }
0x3f0: {  	_ = 	snop  }
0x3f1: {  	s19 =	sor.u32 $0x3B0, s19;
	[tilespmem:s30+$0x8180] =	vst v2  }
0x3f2: {  	v2 =	vld [tilespmem:s19+$0x180]  }
0x3f3: {  	v3 =	vld [tilespmem:s19+$0x4180]  }
.LBB2_66:
0x3f4: {  	_ = 	snop  }
0x3f5: {  	s18 =	sadd.s32 $0x4, s18  }
0x3f6: {  	s16 =	sadd.s32 $0x200, s16;
	p0 =	por !p0, !p0;
	s20 =	simm.s32 $0x1  }
0x3f7: {  	s20 =	simm.s32 @!p0 $0x0;
	p1 =	slt.u32 s18, $0x7C  }
0x3f8: {  	s20 =	sshll.u32 s20, $0x6;
	v2 =	vsub.f32 v2, v3  }
0x3f9: {  	s20 =	sadd.s32 s20, s16  }
0x3fa: {  	s21 =	sor.u32 $0x380, s20;
	[tilespmem:s19+$0x8180] =	vst v2  }
0x3fb: {  	v2 =	vld [tilespmem:s21+$0x180]  }
0x3fc: {  	v3 =	vld [tilespmem:s21+$0x4180];
	_ =	sdelay $0x4  }
0x3fd: {  	v2 =	vsub.f32 v2, v3;
	_ =	sdelay $0x1  }
0x3fe: {  	s19 =	sor.u32 $0x390, s20;
	[tilespmem:s21+$0x8180] =	vst v2  }
0x3ff: {  	v2 =	vld [tilespmem:s19+$0x180]  }
0x400: {  	v3 =	vld [tilespmem:s19+$0x4180];
	_ =	sdelay $0x4  }
0x401: {  	v2 =	vsub.f32 v2, v3;
	_ =	sdelay $0x1  }
0x402: {  	[tilespmem:s19+$0x8180] =	vst v2;
	s19 =	sor.u32 $0x3A0, s20  }
0x403: {  	v2 =	vld [tilespmem:s19+$0x180]  }
0x404: {  	v3 =	vld [tilespmem:s19+$0x4180];
	_ =	sdelay $0x4  }
.Ltmp55:
0x405: {  	v2 =	vsub.f32 v2, v3;
	(pc) =	sbr.rel @p1 .LBB2_66-.Ltmp55, $4  }
0x406: {  	_ = 	snop  }
0x407: {  	[tilespmem:s19+$0x8180] =	vst v2;
	s19 =	sor.u32 $0x3B0, s20  }
0x408: {  	v2 =	vld [tilespmem:s19+$0x180]  }
0x409: {  	v3 =	vld [tilespmem:s19+$0x4180]  }
.LBB2_67:
0x40a: {  	_ =	sdelay $0x3  }
0x40b: {  	v2 =	vsub.f32 v2, v3;
	_ =	sdelay $0x1  }
0x40c: {  	s16 =	rddreg [dreg:$0x7];
	s28 =	simm.s32 $0x6;
	[tilespmem:s19+$0x8180] =	vst v2  }
0x40d: {  	[hbm4b:s16+s4] =	stream.linear.scatter [tilespmem:s0], [sflag:$0x3], $0x4000, $0x38;
	[tilespmem:$0x18180] =	vst v63  }
0x40e: {  	_ =	swait.ge [sflag:s28], $0x4000  }
0x40f: {  	[sflag:s28] =	ssyncset.done $0x0  }
0x410: {  	s18 =	simm.s32 $0x3;
	[sflag:s28] =	ssyncadd.s32 $0xFFFFC000  }
0x411: {  	_ =	swait.ge [sflag:s18], $0x4000  }
0x412: {  	s29 =	rddreg [dreg:$0x9]  }
0x413: {  	s30 =	rddreg [dreg:$0x8];
	s19 =	sadd.s32 $0x1, s29  }
0x414: {  	p0 =	sne.s32 s19, s30  }
.Ltmp56:
0x415: {  	_ = 	snop;
	(pc) =	sbr.rel @p0 .LBB2_1-.Ltmp56, $4  }
.Ltmp57:
0x416: {  	_ = 	snop;
	(pc) =	sbr.rel @!p0 .LBB2_68-.Ltmp57, $4  }
0x417: {  	_ = 	snop  }
0x418: {  	[sflag:s18] =	ssyncset.done $0x0  }
0x419: {  	[sflag:s18] =	ssyncadd.s32 $0xFFFFC000  }
0x41a: {  	_ = 	snop  }
.LBB2_51:
.Ltmp58:
0x41b: {  	(pc) =	sbr.rel .LBB2_55-.Ltmp58, $2  }
0x41c: {  	_ =	sdelay $0x2  }
0x41d: {  	s20 =	smov.u32 s16;
	p2 =	por $0x0, $0x0  }
.LBB2_56:
.Ltmp59:
0x41e: {  	(pc) =	sbr.rel .LBB2_59-.Ltmp59, $2  }
0x41f: {  	_ =	sdelay $0x2  }
0x420: {  	s18 =	smov.u32 s16  }
.LBB2_53:
.Ltmp60:
0x421: {  	(pc) =	sbr.rel .LBB2_55-.Ltmp60, $2  }
0x422: {  	_ =	sdelay $0x2  }
0x423: {  	s22 =	smov.u32 s16  }
.LBB2_68:
0x424: {  	_ =	sfence.sel $0x180000  }
0x425: {  	[bflag:$0x0] =	sbarrier.arrive $0xFFFF  }
0x426: {  	_ =	strace $0x90000047  }
0x427: {  	s0 =	stileid.u32;
	[bflag:$0x2] =	sbarrier.arrive $0xFFFF  }
0x428: {  	p0 =	sne.s32 s0, $0x0;
	s0 =	rddreg [dreg:$0x3]  }
0x429: {  	s0 =	sadd.s32 @!p0 $0x100000, s0  }
0x42a: {  	[sflag:s0] =	ssyncadd.tile.s32 @!p0 $0x1;
	_ =	shalt  }
.Lfunc_end2:
_tile_overlayer_lowered:
.L_overlay_start_2:
0x42b: {  	(tag) =	ssettag $0x2  }
0x42c: {  	s0 =	rddreg [dreg:$0x0];
	s2 =	stileid.u32  }
0x42d: {  	s1 =	rddreg [dreg:$0x1];
	p0 =	sne.s32 s2, $0x0  }
0x42e: {  	s3 =	rddreg [dreg:$0x2];
	[bflag:$0x3] =	sbarrier.arrive $0xFFFF;
	s2 =	simm.s32 @!p0 $0x1C07  }
0x42f: {  	[timem:s3], [sflag:s2] =	dma.local @!p0 [hbm:s0], s1  }
0x430: {  	s0 =	simm.s32 @!p0 $0x7  }
0x431: {  	_ =	swait.ge @!p0 [sflag:s0], s1  }
0x432: {  	s1 =	ssub.s32 @!p0 $0x0, s1;
	[sflag:s0] =	ssyncset.done @!p0 $0x0  }
0x433: {  	[sflag:s0] =	ssyncadd.s32 @!p0 s1  }
0x434: {  	[bflag:$0x3] =	sbarrier.arrive $0xFFFF  }
0x435: {  	_ =	shalt  }

</sc_bundles>
